<compile_context>
chip_gen: v7x
topology: tpu7x:2x2x1
jax: 0.10.2.dev20260603
libtpu: 0.0.44.dev20260713+nightly
codegen_flags: <defaults>
</compile_context>

<pallas_src>
import functools

import jax
import jax.numpy as jnp
from jax import lax
from jax.experimental import pallas as pl
from jax.experimental.pallas import tpu as pltpu
from jax.experimental.pallas import tpu_sc as plsc

_D = 300
_DP = 304
_NCHUNK = 18
_L = 16
_NS = 16
_RPT = 16
_NPAD = _NS * _RPT


def _lane_permute(x, idx):
    return lax.gather(
        x, idx[:, None],
        dimension_numbers=lax.GatherDimensionNumbers(
            offset_dims=(), collapsed_slice_dims=(0,), start_index_map=(0,)),
        slice_sizes=(1,),
        mode=lax.GatherScatterMode.PROMISE_IN_BOUNDS,
    )


def _bcast_sum(x):
    lane = lax.iota(jnp.int32, _L)
    for m in (8, 4, 2, 1):
        x = x + _lane_permute(x, lax.bitwise_xor(lane, m))
    return x


def _vrsqrt(x):
    i = lax.bitcast_convert_type(x, jnp.int32)
    i = jnp.int32(0x5F3759DF) - lax.shift_right_logical(i, 1)
    y = lax.bitcast_convert_type(i, jnp.float32)
    for _ in range(3):
        y = y * (1.5 - 0.5 * x * y * y)
    return y


def _emb_mean_body(idx_hbm, table_hbm, out_hbm, idx_v, rows_v, part_v,
                   all_v, shared_v, sem, *, n_valid):
    cid = lax.axis_index("c")
    sid = lax.axis_index("s")

    @pl.when(cid == 0)
    def _work():
        base = sid * _RPT
        pltpu.sync_copy(idx_hbm.at[pl.ds(base, _RPT)], idx_v)
        idx_vec = idx_v[...]
        copies = [
            pltpu.async_copy(
                table_hbm.at[lax.squeeze(lax.slice(idx_vec, (r,), (r + 1,)), (0,))],
                rows_v.at[r], sem)
            for r in range(_RPT)
        ]
        for c in copies:
            c.wait()

        lane = lax.iota(jnp.int32, _L)
        tail_keep = jnp.where(lane >= 4, 1.0, 0.0).astype(jnp.float32)
        inv_n = jnp.float32(1.0 / n_valid)

        def _row(r, accs):
            chunks = [rows_v[r, pl.ds(16 * j, _L)] for j in range(_NCHUNK)]
            tail = rows_v[r, pl.ds(_D - _L, _L)] * tail_keep
            ss = tail * tail
            for c in chunks:
                ss = ss + c * c
            s = _bcast_sum(ss)
            rsq = _vrsqrt(s)
            scale = jnp.where(s > 1.0, rsq, 1.0)
            valid = jnp.full((_L,), base + r) < n_valid
            w = scale * jnp.where(valid, inv_n, 0.0)
            return tuple(accs[j] + chunks[j] * w for j in range(_NCHUNK)) + (
                accs[_NCHUNK] + tail * w,)

        accs = lax.fori_loop(
            0, _RPT, _row,
            tuple(jnp.zeros((_L,), jnp.float32) for _ in range(_NCHUNK + 1)))

        for j in range(_NCHUNK + 1):
            part_v[pl.ds(16 * j, _L)] = accs[j]
        pltpu.sync_copy(part_v, shared_v.at[sid])
        plsc.subcore_barrier()

        @pl.when(sid == 0)
        def _reduce():
            pltpu.sync_copy(shared_v, all_v)
            zero = jnp.zeros((_L,), jnp.float32)

            def _tile(t, tots):
                return tuple(tots[j] + all_v[t, pl.ds(16 * j, _L)]
                             for j in range(_NCHUNK + 1))

            tots = lax.fori_loop(0, _NS, _tile,
                                 tuple(zero for _ in range(_NCHUNK + 1)))
            for j in range(_NCHUNK):
                part_v[pl.ds(16 * j, _L)] = tots[j]
            part_v[pl.ds(_NCHUNK * 16, _L)] = zero
            part_v[pl.ds(_D - _L, _L)] = part_v[pl.ds(_D - _L, _L)] + tots[_NCHUNK]
            pltpu.sync_copy(part_v, out_hbm.at[0])


def _emb_mean(idx_pad, table, n_valid):
    body = functools.partial(_emb_mean_body, n_valid=n_valid)
    return pl.kernel(
        body,
        out_type=jax.ShapeDtypeStruct((1, _DP), jnp.float32),
        mesh=plsc.VectorSubcoreMesh(core_axis_name="c", subcore_axis_name="s",
                                    num_cores=2, num_subcores=_NS),
        scratch_types=[
            pltpu.VMEM((_RPT,), jnp.int32),
            pltpu.VMEM((_RPT, _D), jnp.float32),
            pltpu.VMEM((_DP,), jnp.float32),
            pltpu.VMEM((_NS, _DP), jnp.float32),
            pltpu.VMEM_SHARED((_NS, _DP), jnp.float32),
            pltpu.SemaphoreType.DMA,
        ],
        name="sc_emb_mean",
    )(idx_pad, table)


def _proj_body(avg_ref, w_ref, o_ref, *, block_v):
    avg = lax.slice(avg_ref[...], (0, 0), (1, _D))
    o_ref[0] = lax.dot_general(
        avg, w_ref[...],
        (((1,), (1,)), ((), ())),
        preferred_element_type=jnp.float32,
    )


def _proj(avg_p, w, block_v):
    vocab = w.shape[0]
    grid = (vocab // block_v,)
    out = pl.pallas_call(
        functools.partial(_proj_body, block_v=block_v),
        grid=grid,
        in_specs=[
            pl.BlockSpec((1, _DP), lambda i: (0, 0)),
            pl.BlockSpec((block_v, _D), lambda i: (i, 0)),
        ],
        out_specs=pl.BlockSpec((1, 1, block_v), lambda i: (i, 0, 0)),
        out_shape=jax.ShapeDtypeStruct((grid[0], 1, block_v), jnp.float32),
        compiler_params=pltpu.CompilerParams(
            dimension_semantics=("arbitrary",),
        ),
    )(avg_p, w)
    return out.reshape(1, vocab)


def kernel(inputs, emb_table, W, b):
    n = inputs.shape[0]
    idx_pad = jnp.zeros((_NPAD,), jnp.int32).at[:n].set(inputs.astype(jnp.int32))
    avg_p = _emb_mean(idx_pad, emb_table, n)
    return _proj(avg_p, W, block_v=10000) + b[None, :]

# --- scband reference (transcript-rebuilt; emitter-appended) ---
"""Pipeline reference for scband-cbow-model-47004122087556 (READ-ONLY COPY).

The authoritative reference and input builder live on the scoring server;
editing this copy changes nothing except your own understanding.
"""

import jax, jax.numpy as jnp
import numpy as np

VOCAB = 100000
EMBED_DIM = 300
MAX_NORM = 1.0

def setup_inputs(seed: int = 0) -> dict:
    key = jax.random.key(seed)
    k1, k2, k3, k4 = jax.random.split(key, 4)
    inputs = jax.random.randint(k1, (200,), 0, VOCAB, dtype=jnp.int64) if jax.config.jax_enable_x64 else jax.random.randint(k1, (200,), 0, VOCAB, dtype=jnp.int32)
    emb_table = jax.random.normal(k2, (VOCAB, EMBED_DIM), dtype=jnp.float32)
    # nn.Linear default init: U(-1/sqrt(fan_in), 1/sqrt(fan_in))
    bound = 1.0 / np.sqrt(EMBED_DIM)
    W = jax.random.uniform(k3, (VOCAB, EMBED_DIM), minval=-bound, maxval=bound, dtype=jnp.float32)
    b = jax.random.uniform(k4, (VOCAB,), minval=-bound, maxval=bound, dtype=jnp.float32)
    return {"inputs": inputs, "emb_table": emb_table, "W": W, "b": b}

def reference(inputs, emb_table, W, b):
    # Embedding lookup with max_norm renormalization (torch nn.Embedding max_norm=1).
    emb = jnp.take(emb_table, inputs, axis=0)  # [L, 300]
    norms = jnp.linalg.norm(emb, axis=-1, keepdims=True)
    scale = jnp.where(norms > MAX_NORM, MAX_NORM / norms, 1.0)
    emb = emb * scale
    averaged = jnp.mean(emb, axis=0, keepdims=True)  # [1, 300]
    output = averaged @ W.T + b  # [1, VOCAB]
    return output

if __name__ == "__main__":
    import jax
    _d = setup_inputs()
    print(jax.jit(kernel)(*tuple(_d.values())))

</pallas_src>

<mosaic_0001>
#map = affine_map<(d0, d1) -> (0)>
#map1 = affine_map<(d0, d1) -> (0, 0)>
module attributes {stable_mosaic.version = 14 : i64} {
  func.func @sc_emb_mean(%arg0: i32, %arg1: i32, %arg2: memref<256xi32, #tpu.memory_space<hbm>>, %arg3: memref<100000x300xf32, #tpu.memory_space<hbm>>, %arg4: memref<1x304xf32, #tpu.memory_space<hbm>>, %arg5: memref<16xi32, #tpu.memory_space<vmem>>, %arg6: memref<16x300xf32, #tpu.memory_space<vmem>>, %arg7: memref<304xf32, #tpu.memory_space<vmem>>, %arg8: memref<16x304xf32, #tpu.memory_space<vmem>>, %arg9: memref<16x304xf32, #tpu.memory_space<vmem_shared>>, %arg10: memref<!tpu.dma_semaphore, #tpu.memory_space<semaphore_mem>>) attributes {dimension_semantics = [#tpu.dimension_semantics<core_parallel>, #tpu.dimension_semantics<subcore_parallel>], iteration_bounds = array<i64: 2, 16>, scalar_prefetch = 0 : i64, scratch_operands = 6 : i64, tpu.core_type = #tpu.core_type<sc_vector_subcore>, window_params = [{transform_indices = #map}, {transform_indices = #map1}, {transform_indices = #map1}]} {
    %eq3A = arith.constant 0 : i32
    %eq3A_0 = arith.cmpi eq, %arg0, %eq3A : i32
    %convert_element_type3A = arith.extui %eq3A_0 : i1 to i32
    %cond3A = arith.constant 0 : i32
    %cond3A_1 = arith.cmpi ne, %convert_element_type3A, %cond3A : i32
    scf.if %cond3A_1 {
      %mul3A = arith.constant 16 : i32
      %mul3A_2 = arith.muli %arg1, %mul3A : i32
      "tpu.region"() ({
        %run_scoped3A = tpu.sem_alloc : memref<!tpu.dma_semaphore, #tpu.memory_space<semaphore_mem>>
        %dma_start3A_577 = tpu.memref_slice %arg2[%mul3A_2] : memref<256xi32, #tpu.memory_space<hbm>> -> memref<16xi32, #tpu.memory_space<hbm>>
        %dma_start3A_578 = tpu.memref_slice %arg2[%mul3A_2] : memref<256xi32, #tpu.memory_space<hbm>> -> memref<16xi32, #tpu.memory_space<hbm>>
        tpu.enqueue_dma source(%dma_start3A_578 : memref<16xi32, #tpu.memory_space<hbm>>) target(%arg5 : memref<16xi32, #tpu.memory_space<vmem>>) target_semaphore(%run_scoped3A : memref<!tpu.dma_semaphore, #tpu.memory_space<semaphore_mem>>)
        %dma_wait3A_579 = tpu.memref_slice %arg2[%mul3A_2] : memref<256xi32, #tpu.memory_space<hbm>> -> memref<16xi32, #tpu.memory_space<hbm>>
        %dma_wait3A_580 = tpu.memref_slice %arg2[%mul3A_2] : memref<256xi32, #tpu.memory_space<hbm>> -> memref<16xi32, #tpu.memory_space<hbm>>
        tpu.wait_dma2 semaphore(%run_scoped3A : memref<!tpu.dma_semaphore, #tpu.memory_space<semaphore_mem>>) src(%dma_wait3A_580 : memref<16xi32, #tpu.memory_space<hbm>>) dst(%arg5 : memref<16xi32, #tpu.memory_space<vmem>>)
        tpu.yield
      }) : () -> ()
      %get3A = arith.constant 0 : index
      %get3A_3 = tpu.vector_load %arg5[%get3A] {strides = array<i32>} : memref<16xi32, #tpu.memory_space<vmem>>, vector<16xi32>,
      %get3A_4 = vector.shape_cast %get3A_3 : vector<16xi32> to vector<16xi32>
      %slice3A = vector.extract_strided_slice %get3A_4 {offsets = [0], sizes = [1], strides = [1]} : vector<16xi32> to vector<1xi32>
      %squeeze3A = vector.extract %slice3A[0] : i32 from vector<1xi32>
      %dma_start3A = arith.constant 0 : i32
      %dma_start3A_5 = arith.constant 0 : i32
      %dma_start3A_6 = tpu.memref_slice %arg6[%dma_start3A, %dma_start3A_5] : memref<16x300xf32, #tpu.memory_space<vmem>> -> memref<1x300xf32, #tpu.memory_space<vmem>>
      %dma_start3A_7 = tpu.memref_squeeze %dma_start3A_6 : memref<1x300xf32, #tpu.memory_space<vmem>> -> memref<300xf32, #tpu.memory_space<vmem>>
      %dma_start3A_8 = arith.constant 0 : i32
      %dma_start3A_9 = tpu.memref_slice %arg3[%squeeze3A, %dma_start3A_8] : memref<100000x300xf32, #tpu.memory_space<hbm>> -> memref<1x300xf32, #tpu.memory_space<hbm>>
      %dma_start3A_10 = tpu.memref_squeeze %dma_start3A_9 : memref<1x300xf32, #tpu.memory_space<hbm>> -> memref<300xf32, #tpu.memory_space<hbm>>
      %dma_start3A_11 = arith.constant 0 : i32
      %dma_start3A_12 = tpu.memref_slice %arg6[%dma_start3A, %dma_start3A_11] : memref<16x300xf32, #tpu.memory_space<vmem>> -> memref<1x300xf32, #tpu.memory_space<vmem>>
      %dma_start3A_13 = tpu.memref_squeeze %dma_start3A_12 : memref<1x300xf32, #tpu.memory_space<vmem>> -> memref<300xf32, #tpu.memory_space<vmem>>
      %dma_start3A_14 = arith.constant 0 : i32
      %dma_start3A_15 = tpu.memref_slice %arg3[%squeeze3A, %dma_start3A_14] : memref<100000x300xf32, #tpu.memory_space<hbm>> -> memref<1x300xf32, #tpu.memory_space<hbm>>
      %dma_start3A_16 = tpu.memref_squeeze %dma_start3A_15 : memref<1x300xf32, #tpu.memory_space<hbm>> -> memref<300xf32, #tpu.memory_space<hbm>>
      tpu.enqueue_dma source(%dma_start3A_16 : memref<300xf32, #tpu.memory_space<hbm>>) target(%dma_start3A_13 : memref<300xf32, #tpu.memory_space<vmem>>) target_semaphore(%arg10 : memref<!tpu.dma_semaphore, #tpu.memory_space<semaphore_mem>>)
      %slice3A_17 = vector.extract_strided_slice %get3A_4 {offsets = [1], sizes = [1], strides = [1]} : vector<16xi32> to vector<1xi32>
      %squeeze3A_18 = vector.extract %slice3A_17[0] : i32 from vector<1xi32>
      %dma_start3A_19 = arith.constant 1 : i32
      %dma_start3A_20 = arith.constant 0 : i32
      %dma_start3A_21 = tpu.memref_slice %arg6[%dma_start3A_19, %dma_start3A_20] : memref<16x300xf32, #tpu.memory_space<vmem>> -> memref<1x300xf32, #tpu.memory_space<vmem>>
      %dma_start3A_22 = tpu.memref_squeeze %dma_start3A_21 : memref<1x300xf32, #tpu.memory_space<vmem>> -> memref<300xf32, #tpu.memory_space<vmem>>
      %dma_start3A_23 = arith.constant 0 : i32
      %dma_start3A_24 = tpu.memref_slice %arg3[%squeeze3A_18, %dma_start3A_23] : memref<100000x300xf32, #tpu.memory_space<hbm>> -> memref<1x300xf32, #tpu.memory_space<hbm>>
      %dma_start3A_25 = tpu.memref_squeeze %dma_start3A_24 : memref<1x300xf32, #tpu.memory_space<hbm>> -> memref<300xf32, #tpu.memory_space<hbm>>
      %dma_start3A_26 = arith.constant 0 : i32
      %dma_start3A_27 = tpu.memref_slice %arg6[%dma_start3A_19, %dma_start3A_26] : memref<16x300xf32, #tpu.memory_space<vmem>> -> memref<1x300xf32, #tpu.memory_space<vmem>>
      %dma_start3A_28 = tpu.memref_squeeze %dma_start3A_27 : memref<1x300xf32, #tpu.memory_space<vmem>> -> memref<300xf32, #tpu.memory_space<vmem>>
      %dma_start3A_29 = arith.constant 0 : i32
      %dma_start3A_30 = tpu.memref_slice %arg3[%squeeze3A_18, %dma_start3A_29] : memref<100000x300xf32, #tpu.memory_space<hbm>> -> memref<1x300xf32, #tpu.memory_space<hbm>>
      %dma_start3A_31 = tpu.memref_squeeze %dma_start3A_30 : memref<1x300xf32, #tpu.memory_space<hbm>> -> memref<300xf32, #tpu.memory_space<hbm>>
      tpu.enqueue_dma source(%dma_start3A_31 : memref<300xf32, #tpu.memory_space<hbm>>) target(%dma_start3A_28 : memref<300xf32, #tpu.memory_space<vmem>>) target_semaphore(%arg10 : memref<!tpu.dma_semaphore, #tpu.memory_space<semaphore_mem>>)
      %slice3A_32 = vector.extract_strided_slice %get3A_4 {offsets = [2], sizes = [1], strides = [1]} : vector<16xi32> to vector<1xi32>
      %squeeze3A_33 = vector.extract %slice3A_32[0] : i32 from vector<1xi32>
      %dma_start3A_34 = arith.constant 2 : i32
      %dma_start3A_35 = arith.constant 0 : i32
      %dma_start3A_36 = tpu.memref_slice %arg6[%dma_start3A_34, %dma_start3A_35] : memref<16x300xf32, #tpu.memory_space<vmem>> -> memref<1x300xf32, #tpu.memory_space<vmem>>
      %dma_start3A_37 = tpu.memref_squeeze %dma_start3A_36 : memref<1x300xf32, #tpu.memory_space<vmem>> -> memref<300xf32, #tpu.memory_space<vmem>>
      %dma_start3A_38 = arith.constant 0 : i32
      %dma_start3A_39 = tpu.memref_slice %arg3[%squeeze3A_33, %dma_start3A_38] : memref<100000x300xf32, #tpu.memory_space<hbm>> -> memref<1x300xf32, #tpu.memory_space<hbm>>
      %dma_start3A_40 = tpu.memref_squeeze %dma_start3A_39 : memref<1x300xf32, #tpu.memory_space<hbm>> -> memref<300xf32, #tpu.memory_space<hbm>>
      %dma_start3A_41 = arith.constant 0 : i32
      %dma_start3A_42 = tpu.memref_slice %arg6[%dma_start3A_34, %dma_start3A_41] : memref<16x300xf32, #tpu.memory_space<vmem>> -> memref<1x300xf32, #tpu.memory_space<vmem>>
      %dma_start3A_43 = tpu.memref_squeeze %dma_start3A_42 : memref<1x300xf32, #tpu.memory_space<vmem>> -> memref<300xf32, #tpu.memory_space<vmem>>
      %dma_start3A_44 = arith.constant 0 : i32
      %dma_start3A_45 = tpu.memref_slice %arg3[%squeeze3A_33, %dma_start3A_44] : memref<100000x300xf32, #tpu.memory_space<hbm>> -> memref<1x300xf32, #tpu.memory_space<hbm>>
      %dma_start3A_46 = tpu.memref_squeeze %dma_start3A_45 : memref<1x300xf32, #tpu.memory_space<hbm>> -> memref<300xf32, #tpu.memory_space<hbm>>
      tpu.enqueue_dma source(%dma_start3A_46 : memref<300xf32, #tpu.memory_space<hbm>>) target(%dma_start3A_43 : memref<300xf32, #tpu.memory_space<vmem>>) target_semaphore(%arg10 : memref<!tpu.dma_semaphore, #tpu.memory_space<semaphore_mem>>)
      %slice3A_47 = vector.extract_strided_slice %get3A_4 {offsets = [3], sizes = [1], strides = [1]} : vector<16xi32> to vector<1xi32>
      %squeeze3A_48 = vector.extract %slice3A_47[0] : i32 from vector<1xi32>
      %dma_start3A_49 = arith.constant 3 : i32
      %dma_start3A_50 = arith.constant 0 : i32
      %dma_start3A_51 = tpu.memref_slice %arg6[%dma_start3A_49, %dma_start3A_50] : memref<16x300xf32, #tpu.memory_space<vmem>> -> memref<1x300xf32, #tpu.memory_space<vmem>>
      %dma_start3A_52 = tpu.memref_squeeze %dma_start3A_51 : memref<1x300xf32, #tpu.memory_space<vmem>> -> memref<300xf32, #tpu.memory_space<vmem>>
      %dma_start3A_53 = arith.constant 0 : i32
      %dma_start3A_54 = tpu.memref_slice %arg3[%squeeze3A_48, %dma_start3A_53] : memref<100000x300xf32, #tpu.memory_space<hbm>> -> memref<1x300xf32, #tpu.memory_space<hbm>>
      %dma_start3A_55 = tpu.memref_squeeze %dma_start3A_54 : memref<1x300xf32, #tpu.memory_space<hbm>> -> memref<300xf32, #tpu.memory_space<hbm>>
      %dma_start3A_56 = arith.constant 0 : i32
      %dma_start3A_57 = tpu.memref_slice %arg6[%dma_start3A_49, %dma_start3A_56] : memref<16x300xf32, #tpu.memory_space<vmem>> -> memref<1x300xf32, #tpu.memory_space<vmem>>
      %dma_start3A_58 = tpu.memref_squeeze %dma_start3A_57 : memref<1x300xf32, #tpu.memory_space<vmem>> -> memref<300xf32, #tpu.memory_space<vmem>>
      %dma_start3A_59 = arith.constant 0 : i32
      %dma_start3A_60 = tpu.memref_slice %arg3[%squeeze3A_48, %dma_start3A_59] : memref<100000x300xf32, #tpu.memory_space<hbm>> -> memref<1x300xf32, #tpu.memory_space<hbm>>
      %dma_start3A_61 = tpu.memref_squeeze %dma_start3A_60 : memref<1x300xf32, #tpu.memory_space<hbm>> -> memref<300xf32, #tpu.memory_space<hbm>>
      tpu.enqueue_dma source(%dma_start3A_61 : memref<300xf32, #tpu.memory_space<hbm>>) target(%dma_start3A_58 : memref<300xf32, #tpu.memory_space<vmem>>) target_semaphore(%arg10 : memref<!tpu.dma_semaphore, #tpu.memory_space<semaphore_mem>>)
      %slice3A_62 = vector.extract_strided_slice %get3A_4 {offsets = [4], sizes = [1], strides = [1]} : vector<16xi32> to vector<1xi32>
      %squeeze3A_63 = vector.extract %slice3A_62[0] : i32 from vector<1xi32>
      %dma_start3A_64 = arith.constant 4 : i32
      %dma_start3A_65 = arith.constant 0 : i32
      %dma_start3A_66 = tpu.memref_slice %arg6[%dma_start3A_64, %dma_start3A_65] : memref<16x300xf32, #tpu.memory_space<vmem>> -> memref<1x300xf32, #tpu.memory_space<vmem>>
      %dma_start3A_67 = tpu.memref_squeeze %dma_start3A_66 : memref<1x300xf32, #tpu.memory_space<vmem>> -> memref<300xf32, #tpu.memory_space<vmem>>
      %dma_start3A_68 = arith.constant 0 : i32
      %dma_start3A_69 = tpu.memref_slice %arg3[%squeeze3A_63, %dma_start3A_68] : memref<100000x300xf32, #tpu.memory_space<hbm>> -> memref<1x300xf32, #tpu.memory_space<hbm>>
      %dma_start3A_70 = tpu.memref_squeeze %dma_start3A_69 : memref<1x300xf32, #tpu.memory_space<hbm>> -> memref<300xf32, #tpu.memory_space<hbm>>
      %dma_start3A_71 = arith.constant 0 : i32
      %dma_start3A_72 = tpu.memref_slice %arg6[%dma_start3A_64, %dma_start3A_71] : memref<16x300xf32, #tpu.memory_space<vmem>> -> memref<1x300xf32, #tpu.memory_space<vmem>>
      %dma_start3A_73 = tpu.memref_squeeze %dma_start3A_72 : memref<1x300xf32, #tpu.memory_space<vmem>> -> memref<300xf32, #tpu.memory_space<vmem>>
      %dma_start3A_74 = arith.constant 0 : i32
      %dma_start3A_75 = tpu.memref_slice %arg3[%squeeze3A_63, %dma_start3A_74] : memref<100000x300xf32, #tpu.memory_space<hbm>> -> memref<1x300xf32, #tpu.memory_space<hbm>>
      %dma_start3A_76 = tpu.memref_squeeze %dma_start3A_75 : memref<1x300xf32, #tpu.memory_space<hbm>> -> memref<300xf32, #tpu.memory_space<hbm>>
      tpu.enqueue_dma source(%dma_start3A_76 : memref<300xf32, #tpu.memory_space<hbm>>) target(%dma_start3A_73 : memref<300xf32, #tpu.memory_space<vmem>>) target_semaphore(%arg10 : memref<!tpu.dma_semaphore, #tpu.memory_space<semaphore_mem>>)
      %slice3A_77 = vector.extract_strided_slice %get3A_4 {offsets = [5], sizes = [1], strides = [1]} : vector<16xi32> to vector<1xi32>
      %squeeze3A_78 = vector.extract %slice3A_77[0] : i32 from vector<1xi32>
      %dma_start3A_79 = arith.constant 5 : i32
      %dma_start3A_80 = arith.constant 0 : i32
      %dma_start3A_81 = tpu.memref_slice %arg6[%dma_start3A_79, %dma_start3A_80] : memref<16x300xf32, #tpu.memory_space<vmem>> -> memref<1x300xf32, #tpu.memory_space<vmem>>
      %dma_start3A_82 = tpu.memref_squeeze %dma_start3A_81 : memref<1x300xf32, #tpu.memory_space<vmem>> -> memref<300xf32, #tpu.memory_space<vmem>>
      %dma_start3A_83 = arith.constant 0 : i32
      %dma_start3A_84 = tpu.memref_slice %arg3[%squeeze3A_78, %dma_start3A_83] : memref<100000x300xf32, #tpu.memory_space<hbm>> -> memref<1x300xf32, #tpu.memory_space<hbm>>
      %dma_start3A_85 = tpu.memref_squeeze %dma_start3A_84 : memref<1x300xf32, #tpu.memory_space<hbm>> -> memref<300xf32, #tpu.memory_space<hbm>>
      %dma_start3A_86 = arith.constant 0 : i32
      %dma_start3A_87 = tpu.memref_slice %arg6[%dma_start3A_79, %dma_start3A_86] : memref<16x300xf32, #tpu.memory_space<vmem>> -> memref<1x300xf32, #tpu.memory_space<vmem>>
      %dma_start3A_88 = tpu.memref_squeeze %dma_start3A_87 : memref<1x300xf32, #tpu.memory_space<vmem>> -> memref<300xf32, #tpu.memory_space<vmem>>
      %dma_start3A_89 = arith.constant 0 : i32
      %dma_start3A_90 = tpu.memref_slice %arg3[%squeeze3A_78, %dma_start3A_89] : memref<100000x300xf32, #tpu.memory_space<hbm>> -> memref<1x300xf32, #tpu.memory_space<hbm>>
      %dma_start3A_91 = tpu.memref_squeeze %dma_start3A_90 : memref<1x300xf32, #tpu.memory_space<hbm>> -> memref<300xf32, #tpu.memory_space<hbm>>
      tpu.enqueue_dma source(%dma_start3A_91 : memref<300xf32, #tpu.memory_space<hbm>>) target(%dma_start3A_88 : memref<300xf32, #tpu.memory_space<vmem>>) target_semaphore(%arg10 : memref<!tpu.dma_semaphore, #tpu.memory_space<semaphore_mem>>)
      %slice3A_92 = vector.extract_strided_slice %get3A_4 {offsets = [6], sizes = [1], strides = [1]} : vector<16xi32> to vector<1xi32>
      %squeeze3A_93 = vector.extract %slice3A_92[0] : i32 from vector<1xi32>
      %dma_start3A_94 = arith.constant 6 : i32
      %dma_start3A_95 = arith.constant 0 : i32
      %dma_start3A_96 = tpu.memref_slice %arg6[%dma_start3A_94, %dma_start3A_95] : memref<16x300xf32, #tpu.memory_space<vmem>> -> memref<1x300xf32, #tpu.memory_space<vmem>>
      %dma_start3A_97 = tpu.memref_squeeze %dma_start3A_96 : memref<1x300xf32, #tpu.memory_space<vmem>> -> memref<300xf32, #tpu.memory_space<vmem>>
      %dma_start3A_98 = arith.constant 0 : i32
      %dma_start3A_99 = tpu.memref_slice %arg3[%squeeze3A_93, %dma_start3A_98] : memref<100000x300xf32, #tpu.memory_space<hbm>> -> memref<1x300xf32, #tpu.memory_space<hbm>>
      %dma_start3A_100 = tpu.memref_squeeze %dma_start3A_99 : memref<1x300xf32, #tpu.memory_space<hbm>> -> memref<300xf32, #tpu.memory_space<hbm>>
      %dma_start3A_101 = arith.constant 0 : i32
      %dma_start3A_102 = tpu.memref_slice %arg6[%dma_start3A_94, %dma_start3A_101] : memref<16x300xf32, #tpu.memory_space<vmem>> -> memref<1x300xf32, #tpu.memory_space<vmem>>
      %dma_start3A_103 = tpu.memref_squeeze %dma_start3A_102 : memref<1x300xf32, #tpu.memory_space<vmem>> -> memref<300xf32, #tpu.memory_space<vmem>>
      %dma_start3A_104 = arith.constant 0 : i32
      %dma_start3A_105 = tpu.memref_slice %arg3[%squeeze3A_93, %dma_start3A_104] : memref<100000x300xf32, #tpu.memory_space<hbm>> -> memref<1x300xf32, #tpu.memory_space<hbm>>
      %dma_start3A_106 = tpu.memref_squeeze %dma_start3A_105 : memref<1x300xf32, #tpu.memory_space<hbm>> -> memref<300xf32, #tpu.memory_space<hbm>>
      tpu.enqueue_dma source(%dma_start3A_106 : memref<300xf32, #tpu.memory_space<hbm>>) target(%dma_start3A_103 : memref<300xf32, #tpu.memory_space<vmem>>) target_semaphore(%arg10 : memref<!tpu.dma_semaphore, #tpu.memory_space<semaphore_mem>>)
      %slice3A_107 = vector.extract_strided_slice %get3A_4 {offsets = [7], sizes = [1], strides = [1]} : vector<16xi32> to vector<1xi32>
      %squeeze3A_108 = vector.extract %slice3A_107[0] : i32 from vector<1xi32>
      %dma_start3A_109 = arith.constant 7 : i32
      %dma_start3A_110 = arith.constant 0 : i32
      %dma_start3A_111 = tpu.memref_slice %arg6[%dma_start3A_109, %dma_start3A_110] : memref<16x300xf32, #tpu.memory_space<vmem>> -> memref<1x300xf32, #tpu.memory_space<vmem>>
      %dma_start3A_112 = tpu.memref_squeeze %dma_start3A_111 : memref<1x300xf32, #tpu.memory_space<vmem>> -> memref<300xf32, #tpu.memory_space<vmem>>
      %dma_start3A_113 = arith.constant 0 : i32
      %dma_start3A_114 = tpu.memref_slice %arg3[%squeeze3A_108, %dma_start3A_113] : memref<100000x300xf32, #tpu.memory_space<hbm>> -> memref<1x300xf32, #tpu.memory_space<hbm>>
      %dma_start3A_115 = tpu.memref_squeeze %dma_start3A_114 : memref<1x300xf32, #tpu.memory_space<hbm>> -> memref<300xf32, #tpu.memory_space<hbm>>
      %dma_start3A_116 = arith.constant 0 : i32
      %dma_start3A_117 = tpu.memref_slice %arg6[%dma_start3A_109, %dma_start3A_116] : memref<16x300xf32, #tpu.memory_space<vmem>> -> memref<1x300xf32, #tpu.memory_space<vmem>>
      %dma_start3A_118 = tpu.memref_squeeze %dma_start3A_117 : memref<1x300xf32, #tpu.memory_space<vmem>> -> memref<300xf32, #tpu.memory_space<vmem>>
      %dma_start3A_119 = arith.constant 0 : i32
      %dma_start3A_120 = tpu.memref_slice %arg3[%squeeze3A_108, %dma_start3A_119] : memref<100000x300xf32, #tpu.memory_space<hbm>> -> memref<1x300xf32, #tpu.memory_space<hbm>>
      %dma_start3A_121 = tpu.memref_squeeze %dma_start3A_120 : memref<1x300xf32, #tpu.memory_space<hbm>> -> memref<300xf32, #tpu.memory_space<hbm>>
      tpu.enqueue_dma source(%dma_start3A_121 : memref<300xf32, #tpu.memory_space<hbm>>) target(%dma_start3A_118 : memref<300xf32, #tpu.memory_space<vmem>>) target_semaphore(%arg10 : memref<!tpu.dma_semaphore, #tpu.memory_space<semaphore_mem>>)
      %slice3A_122 = vector.extract_strided_slice %get3A_4 {offsets = [8], sizes = [1], strides = [1]} : vector<16xi32> to vector<1xi32>
      %squeeze3A_123 = vector.extract %slice3A_122[0] : i32 from vector<1xi32>
      %dma_start3A_124 = arith.constant 8 : i32
      %dma_start3A_125 = arith.constant 0 : i32
      %dma_start3A_126 = tpu.memref_slice %arg6[%dma_start3A_124, %dma_start3A_125] : memref<16x300xf32, #tpu.memory_space<vmem>> -> memref<1x300xf32, #tpu.memory_space<vmem>>
      %dma_start3A_127 = tpu.memref_squeeze %dma_start3A_126 : memref<1x300xf32, #tpu.memory_space<vmem>> -> memref<300xf32, #tpu.memory_space<vmem>>
      %dma_start3A_128 = arith.constant 0 : i32
      %dma_start3A_129 = tpu.memref_slice %arg3[%squeeze3A_123, %dma_start3A_128] : memref<100000x300xf32, #tpu.memory_space<hbm>> -> memref<1x300xf32, #tpu.memory_space<hbm>>
      %dma_start3A_130 = tpu.memref_squeeze %dma_start3A_129 : memref<1x300xf32, #tpu.memory_space<hbm>> -> memref<300xf32, #tpu.memory_space<hbm>>
      %dma_start3A_131 = arith.constant 0 : i32
      %dma_start3A_132 = tpu.memref_slice %arg6[%dma_start3A_124, %dma_start3A_131] : memref<16x300xf32, #tpu.memory_space<vmem>> -> memref<1x300xf32, #tpu.memory_space<vmem>>
      %dma_start3A_133 = tpu.memref_squeeze %dma_start3A_132 : memref<1x300xf32, #tpu.memory_space<vmem>> -> memref<300xf32, #tpu.memory_space<vmem>>
      %dma_start3A_134 = arith.constant 0 : i32
      %dma_start3A_135 = tpu.memref_slice %arg3[%squeeze3A_123, %dma_start3A_134] : memref<100000x300xf32, #tpu.memory_space<hbm>> -> memref<1x300xf32, #tpu.memory_space<hbm>>
      %dma_start3A_136 = tpu.memref_squeeze %dma_start3A_135 : memref<1x300xf32, #tpu.memory_space<hbm>> -> memref<300xf32, #tpu.memory_space<hbm>>
      tpu.enqueue_dma source(%dma_start3A_136 : memref<300xf32, #tpu.memory_space<hbm>>) target(%dma_start3A_133 : memref<300xf32, #tpu.memory_space<vmem>>) target_semaphore(%arg10 : memref<!tpu.dma_semaphore, #tpu.memory_space<semaphore_mem>>)
      %slice3A_137 = vector.extract_strided_slice %get3A_4 {offsets = [9], sizes = [1], strides = [1]} : vector<16xi32> to vector<1xi32>
      %squeeze3A_138 = vector.extract %slice3A_137[0] : i32 from vector<1xi32>
      %dma_start3A_139 = arith.constant 9 : i32
      %dma_start3A_140 = arith.constant 0 : i32
      %dma_start3A_141 = tpu.memref_slice %arg6[%dma_start3A_139, %dma_start3A_140] : memref<16x300xf32, #tpu.memory_space<vmem>> -> memref<1x300xf32, #tpu.memory_space<vmem>>
      %dma_start3A_142 = tpu.memref_squeeze %dma_start3A_141 : memref<1x300xf32, #tpu.memory_space<vmem>> -> memref<300xf32, #tpu.memory_space<vmem>>
      %dma_start3A_143 = arith.constant 0 : i32
      %dma_start3A_144 = tpu.memref_slice %arg3[%squeeze3A_138, %dma_start3A_143] : memref<100000x300xf32, #tpu.memory_space<hbm>> -> memref<1x300xf32, #tpu.memory_space<hbm>>
      %dma_start3A_145 = tpu.memref_squeeze %dma_start3A_144 : memref<1x300xf32, #tpu.memory_space<hbm>> -> memref<300xf32, #tpu.memory_space<hbm>>
      %dma_start3A_146 = arith.constant 0 : i32
      %dma_start3A_147 = tpu.memref_slice %arg6[%dma_start3A_139, %dma_start3A_146] : memref<16x300xf32, #tpu.memory_space<vmem>> -> memref<1x300xf32, #tpu.memory_space<vmem>>
      %dma_start3A_148 = tpu.memref_squeeze %dma_start3A_147 : memref<1x300xf32, #tpu.memory_space<vmem>> -> memref<300xf32, #tpu.memory_space<vmem>>
      %dma_start3A_149 = arith.constant 0 : i32
      %dma_start3A_150 = tpu.memref_slice %arg3[%squeeze3A_138, %dma_start3A_149] : memref<100000x300xf32, #tpu.memory_space<hbm>> -> memref<1x300xf32, #tpu.memory_space<hbm>>
      %dma_start3A_151 = tpu.memref_squeeze %dma_start3A_150 : memref<1x300xf32, #tpu.memory_space<hbm>> -> memref<300xf32, #tpu.memory_space<hbm>>
      tpu.enqueue_dma source(%dma_start3A_151 : memref<300xf32, #tpu.memory_space<hbm>>) target(%dma_start3A_148 : memref<300xf32, #tpu.memory_space<vmem>>) target_semaphore(%arg10 : memref<!tpu.dma_semaphore, #tpu.memory_space<semaphore_mem>>)
      %slice3A_152 = vector.extract_strided_slice %get3A_4 {offsets = [10], sizes = [1], strides = [1]} : vector<16xi32> to vector<1xi32>
      %squeeze3A_153 = vector.extract %slice3A_152[0] : i32 from vector<1xi32>
      %dma_start3A_154 = arith.constant 10 : i32
      %dma_start3A_155 = arith.constant 0 : i32
      %dma_start3A_156 = tpu.memref_slice %arg6[%dma_start3A_154, %dma_start3A_155] : memref<16x300xf32, #tpu.memory_space<vmem>> -> memref<1x300xf32, #tpu.memory_space<vmem>>
      %dma_start3A_157 = tpu.memref_squeeze %dma_start3A_156 : memref<1x300xf32, #tpu.memory_space<vmem>> -> memref<300xf32, #tpu.memory_space<vmem>>
      %dma_start3A_158 = arith.constant 0 : i32
      %dma_start3A_159 = tpu.memref_slice %arg3[%squeeze3A_153, %dma_start3A_158] : memref<100000x300xf32, #tpu.memory_space<hbm>> -> memref<1x300xf32, #tpu.memory_space<hbm>>
      %dma_start3A_160 = tpu.memref_squeeze %dma_start3A_159 : memref<1x300xf32, #tpu.memory_space<hbm>> -> memref<300xf32, #tpu.memory_space<hbm>>
      %dma_start3A_161 = arith.constant 0 : i32
      %dma_start3A_162 = tpu.memref_slice %arg6[%dma_start3A_154, %dma_start3A_161] : memref<16x300xf32, #tpu.memory_space<vmem>> -> memref<1x300xf32, #tpu.memory_space<vmem>>
      %dma_start3A_163 = tpu.memref_squeeze %dma_start3A_162 : memref<1x300xf32, #tpu.memory_space<vmem>> -> memref<300xf32, #tpu.memory_space<vmem>>
      %dma_start3A_164 = arith.constant 0 : i32
      %dma_start3A_165 = tpu.memref_slice %arg3[%squeeze3A_153, %dma_start3A_164] : memref<100000x300xf32, #tpu.memory_space<hbm>> -> memref<1x300xf32, #tpu.memory_space<hbm>>
      %dma_start3A_166 = tpu.memref_squeeze %dma_start3A_165 : memref<1x300xf32, #tpu.memory_space<hbm>> -> memref<300xf32, #tpu.memory_space<hbm>>
      tpu.enqueue_dma source(%dma_start3A_166 : memref<300xf32, #tpu.memory_space<hbm>>) target(%dma_start3A_163 : memref<300xf32, #tpu.memory_space<vmem>>) target_semaphore(%arg10 : memref<!tpu.dma_semaphore, #tpu.memory_space<semaphore_mem>>)
      %slice3A_167 = vector.extract_strided_slice %get3A_4 {offsets = [11], sizes = [1], strides = [1]} : vector<16xi32> to vector<1xi32>
      %squeeze3A_168 = vector.extract %slice3A_167[0] : i32 from vector<1xi32>
      %dma_start3A_169 = arith.constant 11 : i32
      %dma_start3A_170 = arith.constant 0 : i32
      %dma_start3A_171 = tpu.memref_slice %arg6[%dma_start3A_169, %dma_start3A_170] : memref<16x300xf32, #tpu.memory_space<vmem>> -> memref<1x300xf32, #tpu.memory_space<vmem>>
      %dma_start3A_172 = tpu.memref_squeeze %dma_start3A_171 : memref<1x300xf32, #tpu.memory_space<vmem>> -> memref<300xf32, #tpu.memory_space<vmem>>
      %dma_start3A_173 = arith.constant 0 : i32
      %dma_start3A_174 = tpu.memref_slice %arg3[%squeeze3A_168, %dma_start3A_173] : memref<100000x300xf32, #tpu.memory_space<hbm>> -> memref<1x300xf32, #tpu.memory_space<hbm>>
      %dma_start3A_175 = tpu.memref_squeeze %dma_start3A_174 : memref<1x300xf32, #tpu.memory_space<hbm>> -> memref<300xf32, #tpu.memory_space<hbm>>
      %dma_start3A_176 = arith.constant 0 : i32
      %dma_start3A_177 = tpu.memref_slice %arg6[%dma_start3A_169, %dma_start3A_176] : memref<16x300xf32, #tpu.memory_space<vmem>> -> memref<1x300xf32, #tpu.memory_space<vmem>>
      %dma_start3A_178 = tpu.memref_squeeze %dma_start3A_177 : memref<1x300xf32, #tpu.memory_space<vmem>> -> memref<300xf32, #tpu.memory_space<vmem>>
      %dma_start3A_179 = arith.constant 0 : i32
      %dma_start3A_180 = tpu.memref_slice %arg3[%squeeze3A_168, %dma_start3A_179] : memref<100000x300xf32, #tpu.memory_space<hbm>> -> memref<1x300xf32, #tpu.memory_space<hbm>>
      %dma_start3A_181 = tpu.memref_squeeze %dma_start3A_180 : memref<1x300xf32, #tpu.memory_space<hbm>> -> memref<300xf32, #tpu.memory_space<hbm>>
      tpu.enqueue_dma source(%dma_start3A_181 : memref<300xf32, #tpu.memory_space<hbm>>) target(%dma_start3A_178 : memref<300xf32, #tpu.memory_space<vmem>>) target_semaphore(%arg10 : memref<!tpu.dma_semaphore, #tpu.memory_space<semaphore_mem>>)
      %slice3A_182 = vector.extract_strided_slice %get3A_4 {offsets = [12], sizes = [1], strides = [1]} : vector<16xi32> to vector<1xi32>
      %squeeze3A_183 = vector.extract %slice3A_182[0] : i32 from vector<1xi32>
      %dma_start3A_184 = arith.constant 12 : i32
      %dma_start3A_185 = arith.constant 0 : i32
      %dma_start3A_186 = tpu.memref_slice %arg6[%dma_start3A_184, %dma_start3A_185] : memref<16x300xf32, #tpu.memory_space<vmem>> -> memref<1x300xf32, #tpu.memory_space<vmem>>
      %dma_start3A_187 = tpu.memref_squeeze %dma_start3A_186 : memref<1x300xf32, #tpu.memory_space<vmem>> -> memref<300xf32, #tpu.memory_space<vmem>>
      %dma_start3A_188 = arith.constant 0 : i32
      %dma_start3A_189 = tpu.memref_slice %arg3[%squeeze3A_183, %dma_start3A_188] : memref<100000x300xf32, #tpu.memory_space<hbm>> -> memref<1x300xf32, #tpu.memory_space<hbm>>
      %dma_start3A_190 = tpu.memref_squeeze %dma_start3A_189 : memref<1x300xf32, #tpu.memory_space<hbm>> -> memref<300xf32, #tpu.memory_space<hbm>>
      %dma_start3A_191 = arith.constant 0 : i32
      %dma_start3A_192 = tpu.memref_slice %arg6[%dma_start3A_184, %dma_start3A_191] : memref<16x300xf32, #tpu.memory_space<vmem>> -> memref<1x300xf32, #tpu.memory_space<vmem>>
      %dma_start3A_193 = tpu.memref_squeeze %dma_start3A_192 : memref<1x300xf32, #tpu.memory_space<vmem>> -> memref<300xf32, #tpu.memory_space<vmem>>
      %dma_start3A_194 = arith.constant 0 : i32
      %dma_start3A_195 = tpu.memref_slice %arg3[%squeeze3A_183, %dma_start3A_194] : memref<100000x300xf32, #tpu.memory_space<hbm>> -> memref<1x300xf32, #tpu.memory_space<hbm>>
      %dma_start3A_196 = tpu.memref_squeeze %dma_start3A_195 : memref<1x300xf32, #tpu.memory_space<hbm>> -> memref<300xf32, #tpu.memory_space<hbm>>
      tpu.enqueue_dma source(%dma_start3A_196 : memref<300xf32, #tpu.memory_space<hbm>>) target(%dma_start3A_193 : memref<300xf32, #tpu.memory_space<vmem>>) target_semaphore(%arg10 : memref<!tpu.dma_semaphore, #tpu.memory_space<semaphore_mem>>)
      %slice3A_197 = vector.extract_strided_slice %get3A_4 {offsets = [13], sizes = [1], strides = [1]} : vector<16xi32> to vector<1xi32>
      %squeeze3A_198 = vector.extract %slice3A_197[0] : i32 from vector<1xi32>
      %dma_start3A_199 = arith.constant 13 : i32
      %dma_start3A_200 = arith.constant 0 : i32
      %dma_start3A_201 = tpu.memref_slice %arg6[%dma_start3A_199, %dma_start3A_200] : memref<16x300xf32, #tpu.memory_space<vmem>> -> memref<1x300xf32, #tpu.memory_space<vmem>>
      %dma_start3A_202 = tpu.memref_squeeze %dma_start3A_201 : memref<1x300xf32, #tpu.memory_space<vmem>> -> memref<300xf32, #tpu.memory_space<vmem>>
      %dma_start3A_203 = arith.constant 0 : i32
      %dma_start3A_204 = tpu.memref_slice %arg3[%squeeze3A_198, %dma_start3A_203] : memref<100000x300xf32, #tpu.memory_space<hbm>> -> memref<1x300xf32, #tpu.memory_space<hbm>>
      %dma_start3A_205 = tpu.memref_squeeze %dma_start3A_204 : memref<1x300xf32, #tpu.memory_space<hbm>> -> memref<300xf32, #tpu.memory_space<hbm>>
      %dma_start3A_206 = arith.constant 0 : i32
      %dma_start3A_207 = tpu.memref_slice %arg6[%dma_start3A_199, %dma_start3A_206] : memref<16x300xf32, #tpu.memory_space<vmem>> -> memref<1x300xf32, #tpu.memory_space<vmem>>
      %dma_start3A_208 = tpu.memref_squeeze %dma_start3A_207 : memref<1x300xf32, #tpu.memory_space<vmem>> -> memref<300xf32, #tpu.memory_space<vmem>>
      %dma_start3A_209 = arith.constant 0 : i32
      %dma_start3A_210 = tpu.memref_slice %arg3[%squeeze3A_198, %dma_start3A_209] : memref<100000x300xf32, #tpu.memory_space<hbm>> -> memref<1x300xf32, #tpu.memory_space<hbm>>
      %dma_start3A_211 = tpu.memref_squeeze %dma_start3A_210 : memref<1x300xf32, #tpu.memory_space<hbm>> -> memref<300xf32, #tpu.memory_space<hbm>>
      tpu.enqueue_dma source(%dma_start3A_211 : memref<300xf32, #tpu.memory_space<hbm>>) target(%dma_start3A_208 : memref<300xf32, #tpu.memory_space<vmem>>) target_semaphore(%arg10 : memref<!tpu.dma_semaphore, #tpu.memory_space<semaphore_mem>>)
      %slice3A_212 = vector.extract_strided_slice %get3A_4 {offsets = [14], sizes = [1], strides = [1]} : vector<16xi32> to vector<1xi32>
      %squeeze3A_213 = vector.extract %slice3A_212[0] : i32 from vector<1xi32>
      %dma_start3A_214 = arith.constant 14 : i32
      %dma_start3A_215 = arith.constant 0 : i32
      %dma_start3A_216 = tpu.memref_slice %arg6[%dma_start3A_214, %dma_start3A_215] : memref<16x300xf32, #tpu.memory_space<vmem>> -> memref<1x300xf32, #tpu.memory_space<vmem>>
      %dma_start3A_217 = tpu.memref_squeeze %dma_start3A_216 : memref<1x300xf32, #tpu.memory_space<vmem>> -> memref<300xf32, #tpu.memory_space<vmem>>
      %dma_start3A_218 = arith.constant 0 : i32
      %dma_start3A_219 = tpu.memref_slice %arg3[%squeeze3A_213, %dma_start3A_218] : memref<100000x300xf32, #tpu.memory_space<hbm>> -> memref<1x300xf32, #tpu.memory_space<hbm>>
      %dma_start3A_220 = tpu.memref_squeeze %dma_start3A_219 : memref<1x300xf32, #tpu.memory_space<hbm>> -> memref<300xf32, #tpu.memory_space<hbm>>
      %dma_start3A_221 = arith.constant 0 : i32
      %dma_start3A_222 = tpu.memref_slice %arg6[%dma_start3A_214, %dma_start3A_221] : memref<16x300xf32, #tpu.memory_space<vmem>> -> memref<1x300xf32, #tpu.memory_space<vmem>>
      %dma_start3A_223 = tpu.memref_squeeze %dma_start3A_222 : memref<1x300xf32, #tpu.memory_space<vmem>> -> memref<300xf32, #tpu.memory_space<vmem>>
      %dma_start3A_224 = arith.constant 0 : i32
      %dma_start3A_225 = tpu.memref_slice %arg3[%squeeze3A_213, %dma_start3A_224] : memref<100000x300xf32, #tpu.memory_space<hbm>> -> memref<1x300xf32, #tpu.memory_space<hbm>>
      %dma_start3A_226 = tpu.memref_squeeze %dma_start3A_225 : memref<1x300xf32, #tpu.memory_space<hbm>> -> memref<300xf32, #tpu.memory_space<hbm>>
      tpu.enqueue_dma source(%dma_start3A_226 : memref<300xf32, #tpu.memory_space<hbm>>) target(%dma_start3A_223 : memref<300xf32, #tpu.memory_space<vmem>>) target_semaphore(%arg10 : memref<!tpu.dma_semaphore, #tpu.memory_space<semaphore_mem>>)
      %slice3A_227 = vector.extract_strided_slice %get3A_4 {offsets = [15], sizes = [1], strides = [1]} : vector<16xi32> to vector<1xi32>
      %squeeze3A_228 = vector.extract %slice3A_227[0] : i32 from vector<1xi32>
      %dma_start3A_229 = arith.constant 15 : i32
      %dma_start3A_230 = arith.constant 0 : i32
      %dma_start3A_231 = tpu.memref_slice %arg6[%dma_start3A_229, %dma_start3A_230] : memref<16x300xf32, #tpu.memory_space<vmem>> -> memref<1x300xf32, #tpu.memory_space<vmem>>
      %dma_start3A_232 = tpu.memref_squeeze %dma_start3A_231 : memref<1x300xf32, #tpu.memory_space<vmem>> -> memref<300xf32, #tpu.memory_space<vmem>>
      %dma_start3A_233 = arith.constant 0 : i32
      %dma_start3A_234 = tpu.memref_slice %arg3[%squeeze3A_228, %dma_start3A_233] : memref<100000x300xf32, #tpu.memory_space<hbm>> -> memref<1x300xf32, #tpu.memory_space<hbm>>
      %dma_start3A_235 = tpu.memref_squeeze %dma_start3A_234 : memref<1x300xf32, #tpu.memory_space<hbm>> -> memref<300xf32, #tpu.memory_space<hbm>>
      %dma_start3A_236 = arith.constant 0 : i32
      %dma_start3A_237 = tpu.memref_slice %arg6[%dma_start3A_229, %dma_start3A_236] : memref<16x300xf32, #tpu.memory_space<vmem>> -> memref<1x300xf32, #tpu.memory_space<vmem>>
      %dma_start3A_238 = tpu.memref_squeeze %dma_start3A_237 : memref<1x300xf32, #tpu.memory_space<vmem>> -> memref<300xf32, #tpu.memory_space<vmem>>
      %dma_start3A_239 = arith.constant 0 : i32
      %dma_start3A_240 = tpu.memref_slice %arg3[%squeeze3A_228, %dma_start3A_239] : memref<100000x300xf32, #tpu.memory_space<hbm>> -> memref<1x300xf32, #tpu.memory_space<hbm>>
      %dma_start3A_241 = tpu.memref_squeeze %dma_start3A_240 : memref<1x300xf32, #tpu.memory_space<hbm>> -> memref<300xf32, #tpu.memory_space<hbm>>
      tpu.enqueue_dma source(%dma_start3A_241 : memref<300xf32, #tpu.memory_space<hbm>>) target(%dma_start3A_238 : memref<300xf32, #tpu.memory_space<vmem>>) target_semaphore(%arg10 : memref<!tpu.dma_semaphore, #tpu.memory_space<semaphore_mem>>)
      %dma_wait3A = arith.constant 0 : i32
      %dma_wait3A_242 = arith.constant 0 : i32
      %dma_wait3A_243 = tpu.memref_slice %arg6[%dma_wait3A, %dma_wait3A_242] : memref<16x300xf32, #tpu.memory_space<vmem>> -> memref<1x300xf32, #tpu.memory_space<vmem>>
      %dma_wait3A_244 = tpu.memref_squeeze %dma_wait3A_243 : memref<1x300xf32, #tpu.memory_space<vmem>> -> memref<300xf32, #tpu.memory_space<vmem>>
      %dma_wait3A_245 = arith.constant 0 : i32
      %dma_wait3A_246 = tpu.memref_slice %arg3[%squeeze3A, %dma_wait3A_245] : memref<100000x300xf32, #tpu.memory_space<hbm>> -> memref<1x300xf32, #tpu.memory_space<hbm>>
      %dma_wait3A_247 = tpu.memref_squeeze %dma_wait3A_246 : memref<1x300xf32, #tpu.memory_space<hbm>> -> memref<300xf32, #tpu.memory_space<hbm>>
      %dma_wait3A_248 = arith.constant 0 : i32
      %dma_wait3A_249 = tpu.memref_slice %arg6[%dma_wait3A, %dma_wait3A_248] : memref<16x300xf32, #tpu.memory_space<vmem>> -> memref<1x300xf32, #tpu.memory_space<vmem>>
      %dma_wait3A_250 = tpu.memref_squeeze %dma_wait3A_249 : memref<1x300xf32, #tpu.memory_space<vmem>> -> memref<300xf32, #tpu.memory_space<vmem>>
      %dma_wait3A_251 = arith.constant 0 : i32
      %dma_wait3A_252 = tpu.memref_slice %arg3[%squeeze3A, %dma_wait3A_251] : memref<100000x300xf32, #tpu.memory_space<hbm>> -> memref<1x300xf32, #tpu.memory_space<hbm>>
      %dma_wait3A_253 = tpu.memref_squeeze %dma_wait3A_252 : memref<1x300xf32, #tpu.memory_space<hbm>> -> memref<300xf32, #tpu.memory_space<hbm>>
      tpu.wait_dma2 semaphore(%arg10 : memref<!tpu.dma_semaphore, #tpu.memory_space<semaphore_mem>>) src(%dma_wait3A_253 : memref<300xf32, #tpu.memory_space<hbm>>) dst(%dma_wait3A_250 : memref<300xf32, #tpu.memory_space<vmem>>)
      %dma_wait3A_254 = arith.constant 1 : i32
      %dma_wait3A_255 = arith.constant 0 : i32
      %dma_wait3A_256 = tpu.memref_slice %arg6[%dma_wait3A_254, %dma_wait3A_255] : memref<16x300xf32, #tpu.memory_space<vmem>> -> memref<1x300xf32, #tpu.memory_space<vmem>>
      %dma_wait3A_257 = tpu.memref_squeeze %dma_wait3A_256 : memref<1x300xf32, #tpu.memory_space<vmem>> -> memref<300xf32, #tpu.memory_space<vmem>>
      %dma_wait3A_258 = arith.constant 0 : i32
      %dma_wait3A_259 = tpu.memref_slice %arg3[%squeeze3A_18, %dma_wait3A_258] : memref<100000x300xf32, #tpu.memory_space<hbm>> -> memref<1x300xf32, #tpu.memory_space<hbm>>
      %dma_wait3A_260 = tpu.memref_squeeze %dma_wait3A_259 : memref<1x300xf32, #tpu.memory_space<hbm>> -> memref<300xf32, #tpu.memory_space<hbm>>
      %dma_wait3A_261 = arith.constant 0 : i32
      %dma_wait3A_262 = tpu.memref_slice %arg6[%dma_wait3A_254, %dma_wait3A_261] : memref<16x300xf32, #tpu.memory_space<vmem>> -> memref<1x300xf32, #tpu.memory_space<vmem>>
      %dma_wait3A_263 = tpu.memref_squeeze %dma_wait3A_262 : memref<1x300xf32, #tpu.memory_space<vmem>> -> memref<300xf32, #tpu.memory_space<vmem>>
      %dma_wait3A_264 = arith.constant 0 : i32
      %dma_wait3A_265 = tpu.memref_slice %arg3[%squeeze3A_18, %dma_wait3A_264] : memref<100000x300xf32, #tpu.memory_space<hbm>> -> memref<1x300xf32, #tpu.memory_space<hbm>>
      %dma_wait3A_266 = tpu.memref_squeeze %dma_wait3A_265 : memref<1x300xf32, #tpu.memory_space<hbm>> -> memref<300xf32, #tpu.memory_space<hbm>>
      tpu.wait_dma2 semaphore(%arg10 : memref<!tpu.dma_semaphore, #tpu.memory_space<semaphore_mem>>) src(%dma_wait3A_266 : memref<300xf32, #tpu.memory_space<hbm>>) dst(%dma_wait3A_263 : memref<300xf32, #tpu.memory_space<vmem>>)
      %dma_wait3A_267 = arith.constant 2 : i32
      %dma_wait3A_268 = arith.constant 0 : i32
      %dma_wait3A_269 = tpu.memref_slice %arg6[%dma_wait3A_267, %dma_wait3A_268] : memref<16x300xf32, #tpu.memory_space<vmem>> -> memref<1x300xf32, #tpu.memory_space<vmem>>
      %dma_wait3A_270 = tpu.memref_squeeze %dma_wait3A_269 : memref<1x300xf32, #tpu.memory_space<vmem>> -> memref<300xf32, #tpu.memory_space<vmem>>
      %dma_wait3A_271 = arith.constant 0 : i32
      %dma_wait3A_272 = tpu.memref_slice %arg3[%squeeze3A_33, %dma_wait3A_271] : memref<100000x300xf32, #tpu.memory_space<hbm>> -> memref<1x300xf32, #tpu.memory_space<hbm>>
      %dma_wait3A_273 = tpu.memref_squeeze %dma_wait3A_272 : memref<1x300xf32, #tpu.memory_space<hbm>> -> memref<300xf32, #tpu.memory_space<hbm>>
      %dma_wait3A_274 = arith.constant 0 : i32
      %dma_wait3A_275 = tpu.memref_slice %arg6[%dma_wait3A_267, %dma_wait3A_274] : memref<16x300xf32, #tpu.memory_space<vmem>> -> memref<1x300xf32, #tpu.memory_space<vmem>>
      %dma_wait3A_276 = tpu.memref_squeeze %dma_wait3A_275 : memref<1x300xf32, #tpu.memory_space<vmem>> -> memref<300xf32, #tpu.memory_space<vmem>>
      %dma_wait3A_277 = arith.constant 0 : i32
      %dma_wait3A_278 = tpu.memref_slice %arg3[%squeeze3A_33, %dma_wait3A_277] : memref<100000x300xf32, #tpu.memory_space<hbm>> -> memref<1x300xf32, #tpu.memory_space<hbm>>
      %dma_wait3A_279 = tpu.memref_squeeze %dma_wait3A_278 : memref<1x300xf32, #tpu.memory_space<hbm>> -> memref<300xf32, #tpu.memory_space<hbm>>
      tpu.wait_dma2 semaphore(%arg10 : memref<!tpu.dma_semaphore, #tpu.memory_space<semaphore_mem>>) src(%dma_wait3A_279 : memref<300xf32, #tpu.memory_space<hbm>>) dst(%dma_wait3A_276 : memref<300xf32, #tpu.memory_space<vmem>>)
      %dma_wait3A_280 = arith.constant 3 : i32
      %dma_wait3A_281 = arith.constant 0 : i32
      %dma_wait3A_282 = tpu.memref_slice %arg6[%dma_wait3A_280, %dma_wait3A_281] : memref<16x300xf32, #tpu.memory_space<vmem>> -> memref<1x300xf32, #tpu.memory_space<vmem>>
      %dma_wait3A_283 = tpu.memref_squeeze %dma_wait3A_282 : memref<1x300xf32, #tpu.memory_space<vmem>> -> memref<300xf32, #tpu.memory_space<vmem>>
      %dma_wait3A_284 = arith.constant 0 : i32
      %dma_wait3A_285 = tpu.memref_slice %arg3[%squeeze3A_48, %dma_wait3A_284] : memref<100000x300xf32, #tpu.memory_space<hbm>> -> memref<1x300xf32, #tpu.memory_space<hbm>>
      %dma_wait3A_286 = tpu.memref_squeeze %dma_wait3A_285 : memref<1x300xf32, #tpu.memory_space<hbm>> -> memref<300xf32, #tpu.memory_space<hbm>>
      %dma_wait3A_287 = arith.constant 0 : i32
      %dma_wait3A_288 = tpu.memref_slice %arg6[%dma_wait3A_280, %dma_wait3A_287] : memref<16x300xf32, #tpu.memory_space<vmem>> -> memref<1x300xf32, #tpu.memory_space<vmem>>
      %dma_wait3A_289 = tpu.memref_squeeze %dma_wait3A_288 : memref<1x300xf32, #tpu.memory_space<vmem>> -> memref<300xf32, #tpu.memory_space<vmem>>
      %dma_wait3A_290 = arith.constant 0 : i32
      %dma_wait3A_291 = tpu.memref_slice %arg3[%squeeze3A_48, %dma_wait3A_290] : memref<100000x300xf32, #tpu.memory_space<hbm>> -> memref<1x300xf32, #tpu.memory_space<hbm>>
      %dma_wait3A_292 = tpu.memref_squeeze %dma_wait3A_291 : memref<1x300xf32, #tpu.memory_space<hbm>> -> memref<300xf32, #tpu.memory_space<hbm>>
      tpu.wait_dma2 semaphore(%arg10 : memref<!tpu.dma_semaphore, #tpu.memory_space<semaphore_mem>>) src(%dma_wait3A_292 : memref<300xf32, #tpu.memory_space<hbm>>) dst(%dma_wait3A_289 : memref<300xf32, #tpu.memory_space<vmem>>)
      %dma_wait3A_293 = arith.constant 4 : i32
      %dma_wait3A_294 = arith.constant 0 : i32
      %dma_wait3A_295 = tpu.memref_slice %arg6[%dma_wait3A_293, %dma_wait3A_294] : memref<16x300xf32, #tpu.memory_space<vmem>> -> memref<1x300xf32, #tpu.memory_space<vmem>>
      %dma_wait3A_296 = tpu.memref_squeeze %dma_wait3A_295 : memref<1x300xf32, #tpu.memory_space<vmem>> -> memref<300xf32, #tpu.memory_space<vmem>>
      %dma_wait3A_297 = arith.constant 0 : i32
      %dma_wait3A_298 = tpu.memref_slice %arg3[%squeeze3A_63, %dma_wait3A_297] : memref<100000x300xf32, #tpu.memory_space<hbm>> -> memref<1x300xf32, #tpu.memory_space<hbm>>
      %dma_wait3A_299 = tpu.memref_squeeze %dma_wait3A_298 : memref<1x300xf32, #tpu.memory_space<hbm>> -> memref<300xf32, #tpu.memory_space<hbm>>
      %dma_wait3A_300 = arith.constant 0 : i32
      %dma_wait3A_301 = tpu.memref_slice %arg6[%dma_wait3A_293, %dma_wait3A_300] : memref<16x300xf32, #tpu.memory_space<vmem>> -> memref<1x300xf32, #tpu.memory_space<vmem>>
      %dma_wait3A_302 = tpu.memref_squeeze %dma_wait3A_301 : memref<1x300xf32, #tpu.memory_space<vmem>> -> memref<300xf32, #tpu.memory_space<vmem>>
      %dma_wait3A_303 = arith.constant 0 : i32
      %dma_wait3A_304 = tpu.memref_slice %arg3[%squeeze3A_63, %dma_wait3A_303] : memref<100000x300xf32, #tpu.memory_space<hbm>> -> memref<1x300xf32, #tpu.memory_space<hbm>>
      %dma_wait3A_305 = tpu.memref_squeeze %dma_wait3A_304 : memref<1x300xf32, #tpu.memory_space<hbm>> -> memref<300xf32, #tpu.memory_space<hbm>>
      tpu.wait_dma2 semaphore(%arg10 : memref<!tpu.dma_semaphore, #tpu.memory_space<semaphore_mem>>) src(%dma_wait3A_305 : memref<300xf32, #tpu.memory_space<hbm>>) dst(%dma_wait3A_302 : memref<300xf32, #tpu.memory_space<vmem>>)
      %dma_wait3A_306 = arith.constant 5 : i32
      %dma_wait3A_307 = arith.constant 0 : i32
      %dma_wait3A_308 = tpu.memref_slice %arg6[%dma_wait3A_306, %dma_wait3A_307] : memref<16x300xf32, #tpu.memory_space<vmem>> -> memref<1x300xf32, #tpu.memory_space<vmem>>
      %dma_wait3A_309 = tpu.memref_squeeze %dma_wait3A_308 : memref<1x300xf32, #tpu.memory_space<vmem>> -> memref<300xf32, #tpu.memory_space<vmem>>
      %dma_wait3A_310 = arith.constant 0 : i32
      %dma_wait3A_311 = tpu.memref_slice %arg3[%squeeze3A_78, %dma_wait3A_310] : memref<100000x300xf32, #tpu.memory_space<hbm>> -> memref<1x300xf32, #tpu.memory_space<hbm>>
      %dma_wait3A_312 = tpu.memref_squeeze %dma_wait3A_311 : memref<1x300xf32, #tpu.memory_space<hbm>> -> memref<300xf32, #tpu.memory_space<hbm>>
      %dma_wait3A_313 = arith.constant 0 : i32
      %dma_wait3A_314 = tpu.memref_slice %arg6[%dma_wait3A_306, %dma_wait3A_313] : memref<16x300xf32, #tpu.memory_space<vmem>> -> memref<1x300xf32, #tpu.memory_space<vmem>>
      %dma_wait3A_315 = tpu.memref_squeeze %dma_wait3A_314 : memref<1x300xf32, #tpu.memory_space<vmem>> -> memref<300xf32, #tpu.memory_space<vmem>>
      %dma_wait3A_316 = arith.constant 0 : i32
      %dma_wait3A_317 = tpu.memref_slice %arg3[%squeeze3A_78, %dma_wait3A_316] : memref<100000x300xf32, #tpu.memory_space<hbm>> -> memref<1x300xf32, #tpu.memory_space<hbm>>
      %dma_wait3A_318 = tpu.memref_squeeze %dma_wait3A_317 : memref<1x300xf32, #tpu.memory_space<hbm>> -> memref<300xf32, #tpu.memory_space<hbm>>
      tpu.wait_dma2 semaphore(%arg10 : memref<!tpu.dma_semaphore, #tpu.memory_space<semaphore_mem>>) src(%dma_wait3A_318 : memref<300xf32, #tpu.memory_space<hbm>>) dst(%dma_wait3A_315 : memref<300xf32, #tpu.memory_space<vmem>>)
      %dma_wait3A_319 = arith.constant 6 : i32
      %dma_wait3A_320 = arith.constant 0 : i32
      %dma_wait3A_321 = tpu.memref_slice %arg6[%dma_wait3A_319, %dma_wait3A_320] : memref<16x300xf32, #tpu.memory_space<vmem>> -> memref<1x300xf32, #tpu.memory_space<vmem>>
      %dma_wait3A_322 = tpu.memref_squeeze %dma_wait3A_321 : memref<1x300xf32, #tpu.memory_space<vmem>> -> memref<300xf32, #tpu.memory_space<vmem>>
      %dma_wait3A_323 = arith.constant 0 : i32
      %dma_wait3A_324 = tpu.memref_slice %arg3[%squeeze3A_93, %dma_wait3A_323] : memref<100000x300xf32, #tpu.memory_space<hbm>> -> memref<1x300xf32, #tpu.memory_space<hbm>>
      %dma_wait3A_325 = tpu.memref_squeeze %dma_wait3A_324 : memref<1x300xf32, #tpu.memory_space<hbm>> -> memref<300xf32, #tpu.memory_space<hbm>>
      %dma_wait3A_326 = arith.constant 0 : i32
      %dma_wait3A_327 = tpu.memref_slice %arg6[%dma_wait3A_319, %dma_wait3A_326] : memref<16x300xf32, #tpu.memory_space<vmem>> -> memref<1x300xf32, #tpu.memory_space<vmem>>
      %dma_wait3A_328 = tpu.memref_squeeze %dma_wait3A_327 : memref<1x300xf32, #tpu.memory_space<vmem>> -> memref<300xf32, #tpu.memory_space<vmem>>
      %dma_wait3A_329 = arith.constant 0 : i32
      %dma_wait3A_330 = tpu.memref_slice %arg3[%squeeze3A_93, %dma_wait3A_329] : memref<100000x300xf32, #tpu.memory_space<hbm>> -> memref<1x300xf32, #tpu.memory_space<hbm>>
      %dma_wait3A_331 = tpu.memref_squeeze %dma_wait3A_330 : memref<1x300xf32, #tpu.memory_space<hbm>> -> memref<300xf32, #tpu.memory_space<hbm>>
      tpu.wait_dma2 semaphore(%arg10 : memref<!tpu.dma_semaphore, #tpu.memory_space<semaphore_mem>>) src(%dma_wait3A_331 : memref<300xf32, #tpu.memory_space<hbm>>) dst(%dma_wait3A_328 : memref<300xf32, #tpu.memory_space<vmem>>)
      %dma_wait3A_332 = arith.constant 7 : i32
      %dma_wait3A_333 = arith.constant 0 : i32
      %dma_wait3A_334 = tpu.memref_slice %arg6[%dma_wait3A_332, %dma_wait3A_333] : memref<16x300xf32, #tpu.memory_space<vmem>> -> memref<1x300xf32, #tpu.memory_space<vmem>>
      %dma_wait3A_335 = tpu.memref_squeeze %dma_wait3A_334 : memref<1x300xf32, #tpu.memory_space<vmem>> -> memref<300xf32, #tpu.memory_space<vmem>>
      %dma_wait3A_336 = arith.constant 0 : i32
      %dma_wait3A_337 = tpu.memref_slice %arg3[%squeeze3A_108, %dma_wait3A_336] : memref<100000x300xf32, #tpu.memory_space<hbm>> -> memref<1x300xf32, #tpu.memory_space<hbm>>
      %dma_wait3A_338 = tpu.memref_squeeze %dma_wait3A_337 : memref<1x300xf32, #tpu.memory_space<hbm>> -> memref<300xf32, #tpu.memory_space<hbm>>
      %dma_wait3A_339 = arith.constant 0 : i32
      %dma_wait3A_340 = tpu.memref_slice %arg6[%dma_wait3A_332, %dma_wait3A_339] : memref<16x300xf32, #tpu.memory_space<vmem>> -> memref<1x300xf32, #tpu.memory_space<vmem>>
      %dma_wait3A_341 = tpu.memref_squeeze %dma_wait3A_340 : memref<1x300xf32, #tpu.memory_space<vmem>> -> memref<300xf32, #tpu.memory_space<vmem>>
      %dma_wait3A_342 = arith.constant 0 : i32
      %dma_wait3A_343 = tpu.memref_slice %arg3[%squeeze3A_108, %dma_wait3A_342] : memref<100000x300xf32, #tpu.memory_space<hbm>> -> memref<1x300xf32, #tpu.memory_space<hbm>>
      %dma_wait3A_344 = tpu.memref_squeeze %dma_wait3A_343 : memref<1x300xf32, #tpu.memory_space<hbm>> -> memref<300xf32, #tpu.memory_space<hbm>>
      tpu.wait_dma2 semaphore(%arg10 : memref<!tpu.dma_semaphore, #tpu.memory_space<semaphore_mem>>) src(%dma_wait3A_344 : memref<300xf32, #tpu.memory_space<hbm>>) dst(%dma_wait3A_341 : memref<300xf32, #tpu.memory_space<vmem>>)
      %dma_wait3A_345 = arith.constant 8 : i32
      %dma_wait3A_346 = arith.constant 0 : i32
      %dma_wait3A_347 = tpu.memref_slice %arg6[%dma_wait3A_345, %dma_wait3A_346] : memref<16x300xf32, #tpu.memory_space<vmem>> -> memref<1x300xf32, #tpu.memory_space<vmem>>
      %dma_wait3A_348 = tpu.memref_squeeze %dma_wait3A_347 : memref<1x300xf32, #tpu.memory_space<vmem>> -> memref<300xf32, #tpu.memory_space<vmem>>
      %dma_wait3A_349 = arith.constant 0 : i32
      %dma_wait3A_350 = tpu.memref_slice %arg3[%squeeze3A_123, %dma_wait3A_349] : memref<100000x300xf32, #tpu.memory_space<hbm>> -> memref<1x300xf32, #tpu.memory_space<hbm>>
      %dma_wait3A_351 = tpu.memref_squeeze %dma_wait3A_350 : memref<1x300xf32, #tpu.memory_space<hbm>> -> memref<300xf32, #tpu.memory_space<hbm>>
      %dma_wait3A_352 = arith.constant 0 : i32
      %dma_wait3A_353 = tpu.memref_slice %arg6[%dma_wait3A_345, %dma_wait3A_352] : memref<16x300xf32, #tpu.memory_space<vmem>> -> memref<1x300xf32, #tpu.memory_space<vmem>>
      %dma_wait3A_354 = tpu.memref_squeeze %dma_wait3A_353 : memref<1x300xf32, #tpu.memory_space<vmem>> -> memref<300xf32, #tpu.memory_space<vmem>>
      %dma_wait3A_355 = arith.constant 0 : i32
      %dma_wait3A_356 = tpu.memref_slice %arg3[%squeeze3A_123, %dma_wait3A_355] : memref<100000x300xf32, #tpu.memory_space<hbm>> -> memref<1x300xf32, #tpu.memory_space<hbm>>
      %dma_wait3A_357 = tpu.memref_squeeze %dma_wait3A_356 : memref<1x300xf32, #tpu.memory_space<hbm>> -> memref<300xf32, #tpu.memory_space<hbm>>
      tpu.wait_dma2 semaphore(%arg10 : memref<!tpu.dma_semaphore, #tpu.memory_space<semaphore_mem>>) src(%dma_wait3A_357 : memref<300xf32, #tpu.memory_space<hbm>>) dst(%dma_wait3A_354 : memref<300xf32, #tpu.memory_space<vmem>>)
      %dma_wait3A_358 = arith.constant 9 : i32
      %dma_wait3A_359 = arith.constant 0 : i32
      %dma_wait3A_360 = tpu.memref_slice %arg6[%dma_wait3A_358, %dma_wait3A_359] : memref<16x300xf32, #tpu.memory_space<vmem>> -> memref<1x300xf32, #tpu.memory_space<vmem>>
      %dma_wait3A_361 = tpu.memref_squeeze %dma_wait3A_360 : memref<1x300xf32, #tpu.memory_space<vmem>> -> memref<300xf32, #tpu.memory_space<vmem>>
      %dma_wait3A_362 = arith.constant 0 : i32
      %dma_wait3A_363 = tpu.memref_slice %arg3[%squeeze3A_138, %dma_wait3A_362] : memref<100000x300xf32, #tpu.memory_space<hbm>> -> memref<1x300xf32, #tpu.memory_space<hbm>>
      %dma_wait3A_364 = tpu.memref_squeeze %dma_wait3A_363 : memref<1x300xf32, #tpu.memory_space<hbm>> -> memref<300xf32, #tpu.memory_space<hbm>>
      %dma_wait3A_365 = arith.constant 0 : i32
      %dma_wait3A_366 = tpu.memref_slice %arg6[%dma_wait3A_358, %dma_wait3A_365] : memref<16x300xf32, #tpu.memory_space<vmem>> -> memref<1x300xf32, #tpu.memory_space<vmem>>
      %dma_wait3A_367 = tpu.memref_squeeze %dma_wait3A_366 : memref<1x300xf32, #tpu.memory_space<vmem>> -> memref<300xf32, #tpu.memory_space<vmem>>
      %dma_wait3A_368 = arith.constant 0 : i32
      %dma_wait3A_369 = tpu.memref_slice %arg3[%squeeze3A_138, %dma_wait3A_368] : memref<100000x300xf32, #tpu.memory_space<hbm>> -> memref<1x300xf32, #tpu.memory_space<hbm>>
      %dma_wait3A_370 = tpu.memref_squeeze %dma_wait3A_369 : memref<1x300xf32, #tpu.memory_space<hbm>> -> memref<300xf32, #tpu.memory_space<hbm>>
      tpu.wait_dma2 semaphore(%arg10 : memref<!tpu.dma_semaphore, #tpu.memory_space<semaphore_mem>>) src(%dma_wait3A_370 : memref<300xf32, #tpu.memory_space<hbm>>) dst(%dma_wait3A_367 : memref<300xf32, #tpu.memory_space<vmem>>)
      %dma_wait3A_371 = arith.constant 10 : i32
      %dma_wait3A_372 = arith.constant 0 : i32
      %dma_wait3A_373 = tpu.memref_slice %arg6[%dma_wait3A_371, %dma_wait3A_372] : memref<16x300xf32, #tpu.memory_space<vmem>> -> memref<1x300xf32, #tpu.memory_space<vmem>>
      %dma_wait3A_374 = tpu.memref_squeeze %dma_wait3A_373 : memref<1x300xf32, #tpu.memory_space<vmem>> -> memref<300xf32, #tpu.memory_space<vmem>>
      %dma_wait3A_375 = arith.constant 0 : i32
      %dma_wait3A_376 = tpu.memref_slice %arg3[%squeeze3A_153, %dma_wait3A_375] : memref<100000x300xf32, #tpu.memory_space<hbm>> -> memref<1x300xf32, #tpu.memory_space<hbm>>
      %dma_wait3A_377 = tpu.memref_squeeze %dma_wait3A_376 : memref<1x300xf32, #tpu.memory_space<hbm>> -> memref<300xf32, #tpu.memory_space<hbm>>
      %dma_wait3A_378 = arith.constant 0 : i32
      %dma_wait3A_379 = tpu.memref_slice %arg6[%dma_wait3A_371, %dma_wait3A_378] : memref<16x300xf32, #tpu.memory_space<vmem>> -> memref<1x300xf32, #tpu.memory_space<vmem>>
      %dma_wait3A_380 = tpu.memref_squeeze %dma_wait3A_379 : memref<1x300xf32, #tpu.memory_space<vmem>> -> memref<300xf32, #tpu.memory_space<vmem>>
      %dma_wait3A_381 = arith.constant 0 : i32
      %dma_wait3A_382 = tpu.memref_slice %arg3[%squeeze3A_153, %dma_wait3A_381] : memref<100000x300xf32, #tpu.memory_space<hbm>> -> memref<1x300xf32, #tpu.memory_space<hbm>>
      %dma_wait3A_383 = tpu.memref_squeeze %dma_wait3A_382 : memref<1x300xf32, #tpu.memory_space<hbm>> -> memref<300xf32, #tpu.memory_space<hbm>>
      tpu.wait_dma2 semaphore(%arg10 : memref<!tpu.dma_semaphore, #tpu.memory_space<semaphore_mem>>) src(%dma_wait3A_383 : memref<300xf32, #tpu.memory_space<hbm>>) dst(%dma_wait3A_380 : memref<300xf32, #tpu.memory_space<vmem>>)
      %dma_wait3A_384 = arith.constant 11 : i32
      %dma_wait3A_385 = arith.constant 0 : i32
      %dma_wait3A_386 = tpu.memref_slice %arg6[%dma_wait3A_384, %dma_wait3A_385] : memref<16x300xf32, #tpu.memory_space<vmem>> -> memref<1x300xf32, #tpu.memory_space<vmem>>
      %dma_wait3A_387 = tpu.memref_squeeze %dma_wait3A_386 : memref<1x300xf32, #tpu.memory_space<vmem>> -> memref<300xf32, #tpu.memory_space<vmem>>
      %dma_wait3A_388 = arith.constant 0 : i32
      %dma_wait3A_389 = tpu.memref_slice %arg3[%squeeze3A_168, %dma_wait3A_388] : memref<100000x300xf32, #tpu.memory_space<hbm>> -> memref<1x300xf32, #tpu.memory_space<hbm>>
      %dma_wait3A_390 = tpu.memref_squeeze %dma_wait3A_389 : memref<1x300xf32, #tpu.memory_space<hbm>> -> memref<300xf32, #tpu.memory_space<hbm>>
      %dma_wait3A_391 = arith.constant 0 : i32
      %dma_wait3A_392 = tpu.memref_slice %arg6[%dma_wait3A_384, %dma_wait3A_391] : memref<16x300xf32, #tpu.memory_space<vmem>> -> memref<1x300xf32, #tpu.memory_space<vmem>>
      %dma_wait3A_393 = tpu.memref_squeeze %dma_wait3A_392 : memref<1x300xf32, #tpu.memory_space<vmem>> -> memref<300xf32, #tpu.memory_space<vmem>>
      %dma_wait3A_394 = arith.constant 0 : i32
      %dma_wait3A_395 = tpu.memref_slice %arg3[%squeeze3A_168, %dma_wait3A_394] : memref<100000x300xf32, #tpu.memory_space<hbm>> -> memref<1x300xf32, #tpu.memory_space<hbm>>
      %dma_wait3A_396 = tpu.memref_squeeze %dma_wait3A_395 : memref<1x300xf32, #tpu.memory_space<hbm>> -> memref<300xf32, #tpu.memory_space<hbm>>
      tpu.wait_dma2 semaphore(%arg10 : memref<!tpu.dma_semaphore, #tpu.memory_space<semaphore_mem>>) src(%dma_wait3A_396 : memref<300xf32, #tpu.memory_space<hbm>>) dst(%dma_wait3A_393 : memref<300xf32, #tpu.memory_space<vmem>>)
      %dma_wait3A_397 = arith.constant 12 : i32
      %dma_wait3A_398 = arith.constant 0 : i32
      %dma_wait3A_399 = tpu.memref_slice %arg6[%dma_wait3A_397, %dma_wait3A_398] : memref<16x300xf32, #tpu.memory_space<vmem>> -> memref<1x300xf32, #tpu.memory_space<vmem>>
      %dma_wait3A_400 = tpu.memref_squeeze %dma_wait3A_399 : memref<1x300xf32, #tpu.memory_space<vmem>> -> memref<300xf32, #tpu.memory_space<vmem>>
      %dma_wait3A_401 = arith.constant 0 : i32
      %dma_wait3A_402 = tpu.memref_slice %arg3[%squeeze3A_183, %dma_wait3A_401] : memref<100000x300xf32, #tpu.memory_space<hbm>> -> memref<1x300xf32, #tpu.memory_space<hbm>>
      %dma_wait3A_403 = tpu.memref_squeeze %dma_wait3A_402 : memref<1x300xf32, #tpu.memory_space<hbm>> -> memref<300xf32, #tpu.memory_space<hbm>>
      %dma_wait3A_404 = arith.constant 0 : i32
      %dma_wait3A_405 = tpu.memref_slice %arg6[%dma_wait3A_397, %dma_wait3A_404] : memref<16x300xf32, #tpu.memory_space<vmem>> -> memref<1x300xf32, #tpu.memory_space<vmem>>
      %dma_wait3A_406 = tpu.memref_squeeze %dma_wait3A_405 : memref<1x300xf32, #tpu.memory_space<vmem>> -> memref<300xf32, #tpu.memory_space<vmem>>
      %dma_wait3A_407 = arith.constant 0 : i32
      %dma_wait3A_408 = tpu.memref_slice %arg3[%squeeze3A_183, %dma_wait3A_407] : memref<100000x300xf32, #tpu.memory_space<hbm>> -> memref<1x300xf32, #tpu.memory_space<hbm>>
      %dma_wait3A_409 = tpu.memref_squeeze %dma_wait3A_408 : memref<1x300xf32, #tpu.memory_space<hbm>> -> memref<300xf32, #tpu.memory_space<hbm>>
      tpu.wait_dma2 semaphore(%arg10 : memref<!tpu.dma_semaphore, #tpu.memory_space<semaphore_mem>>) src(%dma_wait3A_409 : memref<300xf32, #tpu.memory_space<hbm>>) dst(%dma_wait3A_406 : memref<300xf32, #tpu.memory_space<vmem>>)
      %dma_wait3A_410 = arith.constant 13 : i32
      %dma_wait3A_411 = arith.constant 0 : i32
      %dma_wait3A_412 = tpu.memref_slice %arg6[%dma_wait3A_410, %dma_wait3A_411] : memref<16x300xf32, #tpu.memory_space<vmem>> -> memref<1x300xf32, #tpu.memory_space<vmem>>
      %dma_wait3A_413 = tpu.memref_squeeze %dma_wait3A_412 : memref<1x300xf32, #tpu.memory_space<vmem>> -> memref<300xf32, #tpu.memory_space<vmem>>
      %dma_wait3A_414 = arith.constant 0 : i32
      %dma_wait3A_415 = tpu.memref_slice %arg3[%squeeze3A_198, %dma_wait3A_414] : memref<100000x300xf32, #tpu.memory_space<hbm>> -> memref<1x300xf32, #tpu.memory_space<hbm>>
      %dma_wait3A_416 = tpu.memref_squeeze %dma_wait3A_415 : memref<1x300xf32, #tpu.memory_space<hbm>> -> memref<300xf32, #tpu.memory_space<hbm>>
      %dma_wait3A_417 = arith.constant 0 : i32
      %dma_wait3A_418 = tpu.memref_slice %arg6[%dma_wait3A_410, %dma_wait3A_417] : memref<16x300xf32, #tpu.memory_space<vmem>> -> memref<1x300xf32, #tpu.memory_space<vmem>>
      %dma_wait3A_419 = tpu.memref_squeeze %dma_wait3A_418 : memref<1x300xf32, #tpu.memory_space<vmem>> -> memref<300xf32, #tpu.memory_space<vmem>>
      %dma_wait3A_420 = arith.constant 0 : i32
      %dma_wait3A_421 = tpu.memref_slice %arg3[%squeeze3A_198, %dma_wait3A_420] : memref<100000x300xf32, #tpu.memory_space<hbm>> -> memref<1x300xf32, #tpu.memory_space<hbm>>
      %dma_wait3A_422 = tpu.memref_squeeze %dma_wait3A_421 : memref<1x300xf32, #tpu.memory_space<hbm>> -> memref<300xf32, #tpu.memory_space<hbm>>
      tpu.wait_dma2 semaphore(%arg10 : memref<!tpu.dma_semaphore, #tpu.memory_space<semaphore_mem>>) src(%dma_wait3A_422 : memref<300xf32, #tpu.memory_space<hbm>>) dst(%dma_wait3A_419 : memref<300xf32, #tpu.memory_space<vmem>>)
      %dma_wait3A_423 = arith.constant 14 : i32
      %dma_wait3A_424 = arith.constant 0 : i32
      %dma_wait3A_425 = tpu.memref_slice %arg6[%dma_wait3A_423, %dma_wait3A_424] : memref<16x300xf32, #tpu.memory_space<vmem>> -> memref<1x300xf32, #tpu.memory_space<vmem>>
      %dma_wait3A_426 = tpu.memref_squeeze %dma_wait3A_425 : memref<1x300xf32, #tpu.memory_space<vmem>> -> memref<300xf32, #tpu.memory_space<vmem>>
      %dma_wait3A_427 = arith.constant 0 : i32
      %dma_wait3A_428 = tpu.memref_slice %arg3[%squeeze3A_213, %dma_wait3A_427] : memref<100000x300xf32, #tpu.memory_space<hbm>> -> memref<1x300xf32, #tpu.memory_space<hbm>>
      %dma_wait3A_429 = tpu.memref_squeeze %dma_wait3A_428 : memref<1x300xf32, #tpu.memory_space<hbm>> -> memref<300xf32, #tpu.memory_space<hbm>>
      %dma_wait3A_430 = arith.constant 0 : i32
      %dma_wait3A_431 = tpu.memref_slice %arg6[%dma_wait3A_423, %dma_wait3A_430] : memref<16x300xf32, #tpu.memory_space<vmem>> -> memref<1x300xf32, #tpu.memory_space<vmem>>
      %dma_wait3A_432 = tpu.memref_squeeze %dma_wait3A_431 : memref<1x300xf32, #tpu.memory_space<vmem>> -> memref<300xf32, #tpu.memory_space<vmem>>
      %dma_wait3A_433 = arith.constant 0 : i32
      %dma_wait3A_434 = tpu.memref_slice %arg3[%squeeze3A_213, %dma_wait3A_433] : memref<100000x300xf32, #tpu.memory_space<hbm>> -> memref<1x300xf32, #tpu.memory_space<hbm>>
      %dma_wait3A_435 = tpu.memref_squeeze %dma_wait3A_434 : memref<1x300xf32, #tpu.memory_space<hbm>> -> memref<300xf32, #tpu.memory_space<hbm>>
      tpu.wait_dma2 semaphore(%arg10 : memref<!tpu.dma_semaphore, #tpu.memory_space<semaphore_mem>>) src(%dma_wait3A_435 : memref<300xf32, #tpu.memory_space<hbm>>) dst(%dma_wait3A_432 : memref<300xf32, #tpu.memory_space<vmem>>)
      %dma_wait3A_436 = arith.constant 15 : i32
      %dma_wait3A_437 = arith.constant 0 : i32
      %dma_wait3A_438 = tpu.memref_slice %arg6[%dma_wait3A_436, %dma_wait3A_437] : memref<16x300xf32, #tpu.memory_space<vmem>> -> memref<1x300xf32, #tpu.memory_space<vmem>>
      %dma_wait3A_439 = tpu.memref_squeeze %dma_wait3A_438 : memref<1x300xf32, #tpu.memory_space<vmem>> -> memref<300xf32, #tpu.memory_space<vmem>>
      %dma_wait3A_440 = arith.constant 0 : i32
      %dma_wait3A_441 = tpu.memref_slice %arg3[%squeeze3A_228, %dma_wait3A_440] : memref<100000x300xf32, #tpu.memory_space<hbm>> -> memref<1x300xf32, #tpu.memory_space<hbm>>
      %dma_wait3A_442 = tpu.memref_squeeze %dma_wait3A_441 : memref<1x300xf32, #tpu.memory_space<hbm>> -> memref<300xf32, #tpu.memory_space<hbm>>
      %dma_wait3A_443 = arith.constant 0 : i32
      %dma_wait3A_444 = tpu.memref_slice %arg6[%dma_wait3A_436, %dma_wait3A_443] : memref<16x300xf32, #tpu.memory_space<vmem>> -> memref<1x300xf32, #tpu.memory_space<vmem>>
      %dma_wait3A_445 = tpu.memref_squeeze %dma_wait3A_444 : memref<1x300xf32, #tpu.memory_space<vmem>> -> memref<300xf32, #tpu.memory_space<vmem>>
      %dma_wait3A_446 = arith.constant 0 : i32
      %dma_wait3A_447 = tpu.memref_slice %arg3[%squeeze3A_228, %dma_wait3A_446] : memref<100000x300xf32, #tpu.memory_space<hbm>> -> memref<1x300xf32, #tpu.memory_space<hbm>>
      %dma_wait3A_448 = tpu.memref_squeeze %dma_wait3A_447 : memref<1x300xf32, #tpu.memory_space<hbm>> -> memref<300xf32, #tpu.memory_space<hbm>>
      tpu.wait_dma2 semaphore(%arg10 : memref<!tpu.dma_semaphore, #tpu.memory_space<semaphore_mem>>) src(%dma_wait3A_448 : memref<300xf32, #tpu.memory_space<hbm>>) dst(%dma_wait3A_445 : memref<300xf32, #tpu.memory_space<vmem>>)
      %iota3A = tpu.iota {dimensions = array<i32: 0>} : vector<16xi32>
      %ge3A = arith.constant 4 : i32
      %ge3A_449 = vector.broadcast %ge3A : i32 to vector<16xi32>
      %ge3A_450 = arith.cmpi sge, %iota3A, %ge3A_449 : vector<16xi32>
      %jit3A = arith.constant 1.000000e+00 : f32
      %jit3A_451 = arith.constant 0.000000e+00 : f32
      %broadcast_in_dim3A = vector.broadcast %jit3A : f32 to vector<16xf32>
      %broadcast_in_dim3A_452 = vector.broadcast %jit3A_451 : f32 to vector<16xf32>
      %select_n3A = arith.select %ge3A_450, %broadcast_in_dim3A, %broadcast_in_dim3A_452 : vector<16xi1>, vector<16xf32>
      %broadcast_in_dim3A_453 = arith.constant 0.000000e+00 : f32
      %broadcast_in_dim3A_454 = vector.broadcast %broadcast_in_dim3A_453 : f32 to vector<16xf32>
      %broadcast_in_dim3A_455 = arith.constant 0.000000e+00 : f32
      %broadcast_in_dim3A_456 = vector.broadcast %broadcast_in_dim3A_455 : f32 to vector<16xf32>
      %broadcast_in_dim3A_457 = arith.constant 0.000000e+00 : f32
      %broadcast_in_dim3A_458 = vector.broadcast %broadcast_in_dim3A_457 : f32 to vector<16xf32>
      %broadcast_in_dim3A_459 = arith.constant 0.000000e+00 : f32
      %broadcast_in_dim3A_460 = vector.broadcast %broadcast_in_dim3A_459 : f32 to vector<16xf32>
      %broadcast_in_dim3A_461 = arith.constant 0.000000e+00 : f32
      %broadcast_in_dim3A_462 = vector.broadcast %broadcast_in_dim3A_461 : f32 to vector<16xf32>
      %broadcast_in_dim3A_463 = arith.constant 0.000000e+00 : f32
      %broadcast_in_dim3A_464 = vector.broadcast %broadcast_in_dim3A_463 : f32 to vector<16xf32>
      %broadcast_in_dim3A_465 = arith.constant 0.000000e+00 : f32
      %broadcast_in_dim3A_466 = vector.broadcast %broadcast_in_dim3A_465 : f32 to vector<16xf32>
      %broadcast_in_dim3A_467 = arith.constant 0.000000e+00 : f32
      %broadcast_in_dim3A_468 = vector.broadcast %broadcast_in_dim3A_467 : f32 to vector<16xf32>
      %broadcast_in_dim3A_469 = arith.constant 0.000000e+00 : f32
      %broadcast_in_dim3A_470 = vector.broadcast %broadcast_in_dim3A_469 : f32 to vector<16xf32>
      %broadcast_in_dim3A_471 = arith.constant 0.000000e+00 : f32
      %broadcast_in_dim3A_472 = vector.broadcast %broadcast_in_dim3A_471 : f32 to vector<16xf32>
      %broadcast_in_dim3A_473 = arith.constant 0.000000e+00 : f32
      %broadcast_in_dim3A_474 = vector.broadcast %broadcast_in_dim3A_473 : f32 to vector<16xf32>
      %broadcast_in_dim3A_475 = arith.constant 0.000000e+00 : f32
      %broadcast_in_dim3A_476 = vector.broadcast %broadcast_in_dim3A_475 : f32 to vector<16xf32>
      %broadcast_in_dim3A_477 = arith.constant 0.000000e+00 : f32
      %broadcast_in_dim3A_478 = vector.broadcast %broadcast_in_dim3A_477 : f32 to vector<16xf32>
      %broadcast_in_dim3A_479 = arith.constant 0.000000e+00 : f32
      %broadcast_in_dim3A_480 = vector.broadcast %broadcast_in_dim3A_479 : f32 to vector<16xf32>
      %broadcast_in_dim3A_481 = arith.constant 0.000000e+00 : f32
      %broadcast_in_dim3A_482 = vector.broadcast %broadcast_in_dim3A_481 : f32 to vector<16xf32>
      %broadcast_in_dim3A_483 = arith.constant 0.000000e+00 : f32
      %broadcast_in_dim3A_484 = vector.broadcast %broadcast_in_dim3A_483 : f32 to vector<16xf32>
      %broadcast_in_dim3A_485 = arith.constant 0.000000e+00 : f32
      %broadcast_in_dim3A_486 = vector.broadcast %broadcast_in_dim3A_485 : f32 to vector<16xf32>
      %broadcast_in_dim3A_487 = arith.constant 0.000000e+00 : f32
      %broadcast_in_dim3A_488 = vector.broadcast %broadcast_in_dim3A_487 : f32 to vector<16xf32>
      %broadcast_in_dim3A_489 = arith.constant 0.000000e+00 : f32
      %broadcast_in_dim3A_490 = vector.broadcast %broadcast_in_dim3A_489 : f32 to vector<16xf32>
      %scan3A = arith.constant 5.000000e-03 : f32
      %scan3A_491 = arith.constant 0 : i32
      %scan3A_492 = arith.constant 16 : i32
      %scan3A_493 = arith.addi %scan3A_491, %scan3A_492 : i32
      %scan3A_494 = arith.constant 1 : i32
      %scan3A_495:19 = scf.for %scan3A_577 = %scan3A_491 to %scan3A_493 step %scan3A_494 iter_args(%scan3A_578 = %broadcast_in_dim3A_454, %scan3A_579 = %broadcast_in_dim3A_456, %scan3A_580 = %broadcast_in_dim3A_458, %scan3A_581 = %broadcast_in_dim3A_460, %scan3A_582 = %broadcast_in_dim3A_462, %scan3A_583 = %broadcast_in_dim3A_464, %scan3A_584 = %broadcast_in_dim3A_466, %scan3A_585 = %broadcast_in_dim3A_468, %scan3A_586 = %broadcast_in_dim3A_470, %scan3A_587 = %broadcast_in_dim3A_472, %scan3A_588 = %broadcast_in_dim3A_474, %scan3A_589 = %broadcast_in_dim3A_476, %scan3A_590 = %broadcast_in_dim3A_478, %scan3A_591 = %broadcast_in_dim3A_480, %scan3A_592 = %broadcast_in_dim3A_482, %scan3A_593 = %broadcast_in_dim3A_484, %scan3A_594 = %broadcast_in_dim3A_486, %scan3A_595 = %broadcast_in_dim3A_488, %scan3A_596 = %broadcast_in_dim3A_490) -> (vector<16xf32>, vector<16xf32>, vector<16xf32>, vector<16xf32>, vector<16xf32>, vector<16xf32>, vector<16xf32>, vector<16xf32>, vector<16xf32>, vector<16xf32>, vector<16xf32>, vector<16xf32>, vector<16xf32>, vector<16xf32>, vector<16xf32>, vector<16xf32>, vector<16xf32>, vector<16xf32>, vector<16xf32>)  : i32 {
        %get3A_597 = arith.index_cast %scan3A_577 : i32 to index
        %get3A_598 = arith.constant 0 : index
        %get3A_599 = tpu.vector_load %arg6[%get3A_597, %get3A_598] {strides = array<i32>} : memref<16x300xf32, #tpu.memory_space<vmem>>, vector<1x16xf32>,
        %get3A_600 = vector.shape_cast %get3A_599 : vector<1x16xf32> to vector<16xf32>
        %get3A_601 = arith.index_cast %scan3A_577 : i32 to index
        %get3A_602 = arith.constant 16 : index
        %get3A_603 = tpu.vector_load %arg6[%get3A_601, %get3A_602] {strides = array<i32>} : memref<16x300xf32, #tpu.memory_space<vmem>>, vector<1x16xf32>,
        %get3A_604 = vector.shape_cast %get3A_603 : vector<1x16xf32> to vector<16xf32>
        %get3A_605 = arith.index_cast %scan3A_577 : i32 to index
        %get3A_606 = arith.constant 32 : index
        %get3A_607 = tpu.vector_load %arg6[%get3A_605, %get3A_606] {strides = array<i32>} : memref<16x300xf32, #tpu.memory_space<vmem>>, vector<1x16xf32>,
        %get3A_608 = vector.shape_cast %get3A_607 : vector<1x16xf32> to vector<16xf32>
        %get3A_609 = arith.index_cast %scan3A_577 : i32 to index
        %get3A_610 = arith.constant 48 : index
        %get3A_611 = tpu.vector_load %arg6[%get3A_609, %get3A_610] {strides = array<i32>} : memref<16x300xf32, #tpu.memory_space<vmem>>, vector<1x16xf32>,
        %get3A_612 = vector.shape_cast %get3A_611 : vector<1x16xf32> to vector<16xf32>
        %get3A_613 = arith.index_cast %scan3A_577 : i32 to index
        %get3A_614 = arith.constant 64 : index
        %get3A_615 = tpu.vector_load %arg6[%get3A_613, %get3A_614] {strides = array<i32>} : memref<16x300xf32, #tpu.memory_space<vmem>>, vector<1x16xf32>,
        %get3A_616 = vector.shape_cast %get3A_615 : vector<1x16xf32> to vector<16xf32>
        %get3A_617 = arith.index_cast %scan3A_577 : i32 to index
        %get3A_618 = arith.constant 80 : index
        %get3A_619 = tpu.vector_load %arg6[%get3A_617, %get3A_618] {strides = array<i32>} : memref<16x300xf32, #tpu.memory_space<vmem>>, vector<1x16xf32>,
        %get3A_620 = vector.shape_cast %get3A_619 : vector<1x16xf32> to vector<16xf32>
        %get3A_621 = arith.index_cast %scan3A_577 : i32 to index
        %get3A_622 = arith.constant 96 : index
        %get3A_623 = tpu.vector_load %arg6[%get3A_621, %get3A_622] {strides = array<i32>} : memref<16x300xf32, #tpu.memory_space<vmem>>, vector<1x16xf32>,
        %get3A_624 = vector.shape_cast %get3A_623 : vector<1x16xf32> to vector<16xf32>
        %get3A_625 = arith.index_cast %scan3A_577 : i32 to index
        %get3A_626 = arith.constant 112 : index
        %get3A_627 = tpu.vector_load %arg6[%get3A_625, %get3A_626] {strides = array<i32>} : memref<16x300xf32, #tpu.memory_space<vmem>>, vector<1x16xf32>,
        %get3A_628 = vector.shape_cast %get3A_627 : vector<1x16xf32> to vector<16xf32>
        %get3A_629 = arith.index_cast %scan3A_577 : i32 to index
        %get3A_630 = arith.constant 128 : index
        %get3A_631 = tpu.vector_load %arg6[%get3A_629, %get3A_630] {strides = array<i32>} : memref<16x300xf32, #tpu.memory_space<vmem>>, vector<1x16xf32>,
        %get3A_632 = vector.shape_cast %get3A_631 : vector<1x16xf32> to vector<16xf32>
        %get3A_633 = arith.index_cast %scan3A_577 : i32 to index
        %get3A_634 = arith.constant 144 : index
        %get3A_635 = tpu.vector_load %arg6[%get3A_633, %get3A_634] {strides = array<i32>} : memref<16x300xf32, #tpu.memory_space<vmem>>, vector<1x16xf32>,
        %get3A_636 = vector.shape_cast %get3A_635 : vector<1x16xf32> to vector<16xf32>
        %get3A_637 = arith.index_cast %scan3A_577 : i32 to index
        %get3A_638 = arith.constant 160 : index
        %get3A_639 = tpu.vector_load %arg6[%get3A_637, %get3A_638] {strides = array<i32>} : memref<16x300xf32, #tpu.memory_space<vmem>>, vector<1x16xf32>,
        %get3A_640 = vector.shape_cast %get3A_639 : vector<1x16xf32> to vector<16xf32>
        %get3A_641 = arith.index_cast %scan3A_577 : i32 to index
        %get3A_642 = arith.constant 176 : index
        %get3A_643 = tpu.vector_load %arg6[%get3A_641, %get3A_642] {strides = array<i32>} : memref<16x300xf32, #tpu.memory_space<vmem>>, vector<1x16xf32>,
        %get3A_644 = vector.shape_cast %get3A_643 : vector<1x16xf32> to vector<16xf32>
        %get3A_645 = arith.index_cast %scan3A_577 : i32 to index
        %get3A_646 = arith.constant 192 : index
        %get3A_647 = tpu.vector_load %arg6[%get3A_645, %get3A_646] {strides = array<i32>} : memref<16x300xf32, #tpu.memory_space<vmem>>, vector<1x16xf32>,
        %get3A_648 = vector.shape_cast %get3A_647 : vector<1x16xf32> to vector<16xf32>
        %get3A_649 = arith.index_cast %scan3A_577 : i32 to index
        %get3A_650 = arith.constant 208 : index
        %get3A_651 = tpu.vector_load %arg6[%get3A_649, %get3A_650] {strides = array<i32>} : memref<16x300xf32, #tpu.memory_space<vmem>>, vector<1x16xf32>,
        %get3A_652 = vector.shape_cast %get3A_651 : vector<1x16xf32> to vector<16xf32>
        %get3A_653 = arith.index_cast %scan3A_577 : i32 to index
        %get3A_654 = arith.constant 224 : index
        %get3A_655 = tpu.vector_load %arg6[%get3A_653, %get3A_654] {strides = array<i32>} : memref<16x300xf32, #tpu.memory_space<vmem>>, vector<1x16xf32>,
        %get3A_656 = vector.shape_cast %get3A_655 : vector<1x16xf32> to vector<16xf32>
        %get3A_657 = arith.index_cast %scan3A_577 : i32 to index
        %get3A_658 = arith.constant 240 : index
        %get3A_659 = tpu.vector_load %arg6[%get3A_657, %get3A_658] {strides = array<i32>} : memref<16x300xf32, #tpu.memory_space<vmem>>, vector<1x16xf32>,
        %get3A_660 = vector.shape_cast %get3A_659 : vector<1x16xf32> to vector<16xf32>
        %get3A_661 = arith.index_cast %scan3A_577 : i32 to index
        %get3A_662 = arith.constant 256 : index
        %get3A_663 = tpu.vector_load %arg6[%get3A_661, %get3A_662] {strides = array<i32>} : memref<16x300xf32, #tpu.memory_space<vmem>>, vector<1x16xf32>,
        %get3A_664 = vector.shape_cast %get3A_663 : vector<1x16xf32> to vector<16xf32>
        %get3A_665 = arith.index_cast %scan3A_577 : i32 to index
        %get3A_666 = arith.constant 272 : index
        %get3A_667 = tpu.vector_load %arg6[%get3A_665, %get3A_666] {strides = array<i32>} : memref<16x300xf32, #tpu.memory_space<vmem>>, vector<1x16xf32>,
        %get3A_668 = vector.shape_cast %get3A_667 : vector<1x16xf32> to vector<16xf32>
        %get3A_669 = arith.index_cast %scan3A_577 : i32 to index
        %get3A_670 = arith.constant 284 : index
        %get3A_671 = tpu.vector_load %arg6[%get3A_669, %get3A_670] {strides = array<i32>} : memref<16x300xf32, #tpu.memory_space<vmem>>, vector<1x16xf32>,
        %get3A_672 = vector.shape_cast %get3A_671 : vector<1x16xf32> to vector<16xf32>
        %mul3A_673 = arith.mulf %get3A_672, %select_n3A : vector<16xf32>
        %mul3A_674 = arith.mulf %mul3A_673, %mul3A_673 : vector<16xf32>
        %mul3A_675 = arith.mulf %get3A_600, %get3A_600 : vector<16xf32>
        %add3A = arith.addf %mul3A_674, %mul3A_675 : vector<16xf32>
        %mul3A_676 = arith.mulf %get3A_604, %get3A_604 : vector<16xf32>
        %add3A_677 = arith.addf %add3A, %mul3A_676 : vector<16xf32>
        %mul3A_678 = arith.mulf %get3A_608, %get3A_608 : vector<16xf32>
        %add3A_679 = arith.addf %add3A_677, %mul3A_678 : vector<16xf32>
        %mul3A_680 = arith.mulf %get3A_612, %get3A_612 : vector<16xf32>
        %add3A_681 = arith.addf %add3A_679, %mul3A_680 : vector<16xf32>
        %mul3A_682 = arith.mulf %get3A_616, %get3A_616 : vector<16xf32>
        %add3A_683 = arith.addf %add3A_681, %mul3A_682 : vector<16xf32>
        %mul3A_684 = arith.mulf %get3A_620, %get3A_620 : vector<16xf32>
        %add3A_685 = arith.addf %add3A_683, %mul3A_684 : vector<16xf32>
        %mul3A_686 = arith.mulf %get3A_624, %get3A_624 : vector<16xf32>
        %add3A_687 = arith.addf %add3A_685, %mul3A_686 : vector<16xf32>
        %mul3A_688 = arith.mulf %get3A_628, %get3A_628 : vector<16xf32>
        %add3A_689 = arith.addf %add3A_687, %mul3A_688 : vector<16xf32>
        %mul3A_690 = arith.mulf %get3A_632, %get3A_632 : vector<16xf32>
        %add3A_691 = arith.addf %add3A_689, %mul3A_690 : vector<16xf32>
        %mul3A_692 = arith.mulf %get3A_636, %get3A_636 : vector<16xf32>
        %add3A_693 = arith.addf %add3A_691, %mul3A_692 : vector<16xf32>
        %mul3A_694 = arith.mulf %get3A_640, %get3A_640 : vector<16xf32>
        %add3A_695 = arith.addf %add3A_693, %mul3A_694 : vector<16xf32>
        %mul3A_696 = arith.mulf %get3A_644, %get3A_644 : vector<16xf32>
        %add3A_697 = arith.addf %add3A_695, %mul3A_696 : vector<16xf32>
        %mul3A_698 = arith.mulf %get3A_648, %get3A_648 : vector<16xf32>
        %add3A_699 = arith.addf %add3A_697, %mul3A_698 : vector<16xf32>
        %mul3A_700 = arith.mulf %get3A_652, %get3A_652 : vector<16xf32>
        %add3A_701 = arith.addf %add3A_699, %mul3A_700 : vector<16xf32>
        %mul3A_702 = arith.mulf %get3A_656, %get3A_656 : vector<16xf32>
        %add3A_703 = arith.addf %add3A_701, %mul3A_702 : vector<16xf32>
        %mul3A_704 = arith.mulf %get3A_660, %get3A_660 : vector<16xf32>
        %add3A_705 = arith.addf %add3A_703, %mul3A_704 : vector<16xf32>
        %mul3A_706 = arith.mulf %get3A_664, %get3A_664 : vector<16xf32>
        %add3A_707 = arith.addf %add3A_705, %mul3A_706 : vector<16xf32>
        %mul3A_708 = arith.mulf %get3A_668, %get3A_668 : vector<16xf32>
        %add3A_709 = arith.addf %add3A_707, %mul3A_708 : vector<16xf32>
        %iota3A_710 = tpu.iota {dimensions = array<i32: 0>} : vector<16xi32>
        %xor3A = arith.constant 8 : i32
        %xor3A_711 = vector.broadcast %xor3A : i32 to vector<16xi32>
        %xor3A_712 = arith.xori %iota3A_710, %xor3A_711 : vector<16xi32>
        %broadcast_in_dim3A_713 = vector.shape_cast %xor3A_712 : vector<16xi32> to vector<16x1xi32>
        %gather3A = vector.shape_cast %broadcast_in_dim3A_713 : vector<16x1xi32> to vector<16xi32>
        %gather3A_714 = tpu.dynamic_gather %add3A_709[%gather3A] in [0] : vector<16xf32>, vector<16xi32> -> vector<16xf32>
        %add3A_715 = arith.addf %add3A_709, %gather3A_714 : vector<16xf32>
        %xor3A_716 = arith.constant 4 : i32
        %xor3A_717 = vector.broadcast %xor3A_716 : i32 to vector<16xi32>
        %xor3A_718 = arith.xori %iota3A_710, %xor3A_717 : vector<16xi32>
        %broadcast_in_dim3A_719 = vector.shape_cast %xor3A_718 : vector<16xi32> to vector<16x1xi32>
        %gather3A_720 = vector.shape_cast %broadcast_in_dim3A_719 : vector<16x1xi32> to vector<16xi32>
        %gather3A_721 = tpu.dynamic_gather %add3A_715[%gather3A_720] in [0] : vector<16xf32>, vector<16xi32> -> vector<16xf32>
        %add3A_722 = arith.addf %add3A_715, %gather3A_721 : vector<16xf32>
        %xor3A_723 = arith.constant 2 : i32
        %xor3A_724 = vector.broadcast %xor3A_723 : i32 to vector<16xi32>
        %xor3A_725 = arith.xori %iota3A_710, %xor3A_724 : vector<16xi32>
        %broadcast_in_dim3A_726 = vector.shape_cast %xor3A_725 : vector<16xi32> to vector<16x1xi32>
        %gather3A_727 = vector.shape_cast %broadcast_in_dim3A_726 : vector<16x1xi32> to vector<16xi32>
        %gather3A_728 = tpu.dynamic_gather %add3A_722[%gather3A_727] in [0] : vector<16xf32>, vector<16xi32> -> vector<16xf32>
        %add3A_729 = arith.addf %add3A_722, %gather3A_728 : vector<16xf32>
        %xor3A_730 = arith.constant 1 : i32
        %xor3A_731 = vector.broadcast %xor3A_730 : i32 to vector<16xi32>
        %xor3A_732 = arith.xori %iota3A_710, %xor3A_731 : vector<16xi32>
        %broadcast_in_dim3A_733 = vector.shape_cast %xor3A_732 : vector<16xi32> to vector<16x1xi32>
        %gather3A_734 = vector.shape_cast %broadcast_in_dim3A_733 : vector<16x1xi32> to vector<16xi32>
        %gather3A_735 = tpu.dynamic_gather %add3A_729[%gather3A_734] in [0] : vector<16xf32>, vector<16xi32> -> vector<16xf32>
        %add3A_736 = arith.addf %add3A_729, %gather3A_735 : vector<16xf32>
        %bitcast_convert_type3A = tpu.bitcast %add3A_736 : vector<16xf32> -> vector<16xi32>
        %shift_right_logical3A = arith.constant 1 : i32
        %shift_right_logical3A_737 = vector.broadcast %shift_right_logical3A : i32 to vector<16xi32>
        %shift_right_logical3A_738 = arith.shrui %bitcast_convert_type3A, %shift_right_logical3A_737 : vector<16xi32>
        %sub3A = arith.constant 1597463007 : i32
        %sub3A_739 = vector.broadcast %sub3A : i32 to vector<16xi32>
        %sub3A_740 = arith.subi %sub3A_739, %shift_right_logical3A_738 : vector<16xi32>
        %bitcast_convert_type3A_741 = tpu.bitcast %sub3A_740 : vector<16xi32> -> vector<16xf32>
        %mul3A_742 = arith.constant 5.000000e-01 : f32
        %mul3A_743 = vector.broadcast %mul3A_742 : f32 to vector<16xf32>
        %mul3A_744 = arith.mulf %mul3A_743, %add3A_736 : vector<16xf32>
        %mul3A_745 = arith.mulf %mul3A_744, %bitcast_convert_type3A_741 : vector<16xf32>
        %mul3A_746 = arith.mulf %mul3A_745, %bitcast_convert_type3A_741 : vector<16xf32>
        %sub3A_747 = arith.constant 1.500000e+00 : f32
        %sub3A_748 = vector.broadcast %sub3A_747 : f32 to vector<16xf32>
        %sub3A_749 = arith.subf %sub3A_748, %mul3A_746 : vector<16xf32>
        %mul3A_750 = arith.mulf %bitcast_convert_type3A_741, %sub3A_749 : vector<16xf32>
        %mul3A_751 = arith.constant 5.000000e-01 : f32
        %mul3A_752 = vector.broadcast %mul3A_751 : f32 to vector<16xf32>
        %mul3A_753 = arith.mulf %mul3A_752, %add3A_736 : vector<16xf32>
        %mul3A_754 = arith.mulf %mul3A_753, %mul3A_750 : vector<16xf32>
        %mul3A_755 = arith.mulf %mul3A_754, %mul3A_750 : vector<16xf32>
        %sub3A_756 = arith.constant 1.500000e+00 : f32
        %sub3A_757 = vector.broadcast %sub3A_756 : f32 to vector<16xf32>
        %sub3A_758 = arith.subf %sub3A_757, %mul3A_755 : vector<16xf32>
        %mul3A_759 = arith.mulf %mul3A_750, %sub3A_758 : vector<16xf32>
        %mul3A_760 = arith.constant 5.000000e-01 : f32
        %mul3A_761 = vector.broadcast %mul3A_760 : f32 to vector<16xf32>
        %mul3A_762 = arith.mulf %mul3A_761, %add3A_736 : vector<16xf32>
        %mul3A_763 = arith.mulf %mul3A_762, %mul3A_759 : vector<16xf32>
        %mul3A_764 = arith.mulf %mul3A_763, %mul3A_759 : vector<16xf32>
        %sub3A_765 = arith.constant 1.500000e+00 : f32
        %sub3A_766 = vector.broadcast %sub3A_765 : f32 to vector<16xf32>
        %sub3A_767 = arith.subf %sub3A_766, %mul3A_764 : vector<16xf32>
        %mul3A_768 = arith.mulf %mul3A_759, %sub3A_767 : vector<16xf32>
        %gt3A = arith.constant 1.000000e+00 : f32
        %gt3A_769 = vector.broadcast %gt3A : f32 to vector<16xf32>
        %gt3A_770 = arith.cmpf ogt, %add3A_736, %gt3A_769 : vector<16xf32>
        %jit3A_771 = arith.constant 1.000000e+00 : f32
        %broadcast_in_dim3A_772 = vector.broadcast %jit3A_771 : f32 to vector<16xf32>
        %select_n3A_773 = arith.select %gt3A_770, %mul3A_768, %broadcast_in_dim3A_772 : vector<16xi1>, vector<16xf32>
        %add3A_774 = arith.addi %mul3A_2, %scan3A_577 : i32
        %broadcast_in_dim3A_775 = vector.broadcast %add3A_774 : i32 to vector<16xi32>
        %lt3A = arith.constant 200 : i32
        %lt3A_776 = vector.broadcast %lt3A : i32 to vector<16xi32>
        %lt3A_777 = arith.cmpi slt, %broadcast_in_dim3A_775, %lt3A_776 : vector<16xi32>
        %jit3A_778 = arith.constant 0.000000e+00 : f32
        %broadcast_in_dim3A_779 = vector.broadcast %scan3A : f32 to vector<16xf32>
        %broadcast_in_dim3A_780 = vector.broadcast %jit3A_778 : f32 to vector<16xf32>
        %select_n3A_781 = arith.select %lt3A_777, %broadcast_in_dim3A_779, %broadcast_in_dim3A_780 : vector<16xi1>, vector<16xf32>
        %mul3A_782 = arith.mulf %select_n3A_773, %select_n3A_781 : vector<16xf32>
        %mul3A_783 = arith.mulf %get3A_600, %mul3A_782 : vector<16xf32>
        %add3A_784 = arith.addf %scan3A_578, %mul3A_783 : vector<16xf32>
        %mul3A_785 = arith.mulf %get3A_604, %mul3A_782 : vector<16xf32>
        %add3A_786 = arith.addf %scan3A_579, %mul3A_785 : vector<16xf32>
        %mul3A_787 = arith.mulf %get3A_608, %mul3A_782 : vector<16xf32>
        %add3A_788 = arith.addf %scan3A_580, %mul3A_787 : vector<16xf32>
        %mul3A_789 = arith.mulf %get3A_612, %mul3A_782 : vector<16xf32>
        %add3A_790 = arith.addf %scan3A_581, %mul3A_789 : vector<16xf32>
        %mul3A_791 = arith.mulf %get3A_616, %mul3A_782 : vector<16xf32>
        %add3A_792 = arith.addf %scan3A_582, %mul3A_791 : vector<16xf32>
        %mul3A_793 = arith.mulf %get3A_620, %mul3A_782 : vector<16xf32>
        %add3A_794 = arith.addf %scan3A_583, %mul3A_793 : vector<16xf32>
        %mul3A_795 = arith.mulf %get3A_624, %mul3A_782 : vector<16xf32>
        %add3A_796 = arith.addf %scan3A_584, %mul3A_795 : vector<16xf32>
        %mul3A_797 = arith.mulf %get3A_628, %mul3A_782 : vector<16xf32>
        %add3A_798 = arith.addf %scan3A_585, %mul3A_797 : vector<16xf32>
        %mul3A_799 = arith.mulf %get3A_632, %mul3A_782 : vector<16xf32>
        %add3A_800 = arith.addf %scan3A_586, %mul3A_799 : vector<16xf32>
        %mul3A_801 = arith.mulf %get3A_636, %mul3A_782 : vector<16xf32>
        %add3A_802 = arith.addf %scan3A_587, %mul3A_801 : vector<16xf32>
        %mul3A_803 = arith.mulf %get3A_640, %mul3A_782 : vector<16xf32>
        %add3A_804 = arith.addf %scan3A_588, %mul3A_803 : vector<16xf32>
        %mul3A_805 = arith.mulf %get3A_644, %mul3A_782 : vector<16xf32>
        %add3A_806 = arith.addf %scan3A_589, %mul3A_805 : vector<16xf32>
        %mul3A_807 = arith.mulf %get3A_648, %mul3A_782 : vector<16xf32>
        %add3A_808 = arith.addf %scan3A_590, %mul3A_807 : vector<16xf32>
        %mul3A_809 = arith.mulf %get3A_652, %mul3A_782 : vector<16xf32>
        %add3A_810 = arith.addf %scan3A_591, %mul3A_809 : vector<16xf32>
        %mul3A_811 = arith.mulf %get3A_656, %mul3A_782 : vector<16xf32>
        %add3A_812 = arith.addf %scan3A_592, %mul3A_811 : vector<16xf32>
        %mul3A_813 = arith.mulf %get3A_660, %mul3A_782 : vector<16xf32>
        %add3A_814 = arith.addf %scan3A_593, %mul3A_813 : vector<16xf32>
        %mul3A_815 = arith.mulf %get3A_664, %mul3A_782 : vector<16xf32>
        %add3A_816 = arith.addf %scan3A_594, %mul3A_815 : vector<16xf32>
        %mul3A_817 = arith.mulf %get3A_668, %mul3A_782 : vector<16xf32>
        %add3A_818 = arith.addf %scan3A_595, %mul3A_817 : vector<16xf32>
        %mul3A_819 = arith.mulf %mul3A_673, %mul3A_782 : vector<16xf32>
        %add3A_820 = arith.addf %scan3A_596, %mul3A_819 : vector<16xf32>
        scf.yield %add3A_784, %add3A_786, %add3A_788, %add3A_790, %add3A_792, %add3A_794, %add3A_796, %add3A_798, %add3A_800, %add3A_802, %add3A_804, %add3A_806, %add3A_808, %add3A_810, %add3A_812, %add3A_814, %add3A_816, %add3A_818, %add3A_820 : vector<16xf32>, vector<16xf32>, vector<16xf32>, vector<16xf32>, vector<16xf32>, vector<16xf32>, vector<16xf32>, vector<16xf32>, vector<16xf32>, vector<16xf32>, vector<16xf32>, vector<16xf32>, vector<16xf32>, vector<16xf32>, vector<16xf32>, vector<16xf32>, vector<16xf32>, vector<16xf32>, vector<16xf32>
      }
      %scan3A_496 = arith.constant 16 : i32
      %swap3A = arith.constant 0 : index
      %swap3A_497 = tpu.vector_load %arg7[%swap3A] {strides = array<i32>} : memref<304xf32, #tpu.memory_space<vmem>>, vector<16xf32>,
      %swap3A_498 = vector.shape_cast %swap3A_497 : vector<16xf32> to vector<16xf32>
      %swap3A_499 = vector.shape_cast %scan3A_495#0 : vector<16xf32> to vector<16xf32>
      tpu.vector_store %arg7[%swap3A], %swap3A_499 {strides = array<i32>} : memref<304xf32, #tpu.memory_space<vmem>>, vector<16xf32>,
      %swap3A_500 = arith.constant 16 : index
      %swap3A_501 = tpu.vector_load %arg7[%swap3A_500] {strides = array<i32>} : memref<304xf32, #tpu.memory_space<vmem>>, vector<16xf32>,
      %swap3A_502 = vector.shape_cast %swap3A_501 : vector<16xf32> to vector<16xf32>
      %swap3A_503 = vector.shape_cast %scan3A_495#1 : vector<16xf32> to vector<16xf32>
      tpu.vector_store %arg7[%swap3A_500], %swap3A_503 {strides = array<i32>} : memref<304xf32, #tpu.memory_space<vmem>>, vector<16xf32>,
      %swap3A_504 = arith.constant 32 : index
      %swap3A_505 = tpu.vector_load %arg7[%swap3A_504] {strides = array<i32>} : memref<304xf32, #tpu.memory_space<vmem>>, vector<16xf32>,
      %swap3A_506 = vector.shape_cast %swap3A_505 : vector<16xf32> to vector<16xf32>
      %swap3A_507 = vector.shape_cast %scan3A_495#2 : vector<16xf32> to vector<16xf32>
      tpu.vector_store %arg7[%swap3A_504], %swap3A_507 {strides = array<i32>} : memref<304xf32, #tpu.memory_space<vmem>>, vector<16xf32>,
      %swap3A_508 = arith.constant 48 : index
      %swap3A_509 = tpu.vector_load %arg7[%swap3A_508] {strides = array<i32>} : memref<304xf32, #tpu.memory_space<vmem>>, vector<16xf32>,
      %swap3A_510 = vector.shape_cast %swap3A_509 : vector<16xf32> to vector<16xf32>
      %swap3A_511 = vector.shape_cast %scan3A_495#3 : vector<16xf32> to vector<16xf32>
      tpu.vector_store %arg7[%swap3A_508], %swap3A_511 {strides = array<i32>} : memref<304xf32, #tpu.memory_space<vmem>>, vector<16xf32>,
      %swap3A_512 = arith.constant 64 : index
      %swap3A_513 = tpu.vector_load %arg7[%swap3A_512] {strides = array<i32>} : memref<304xf32, #tpu.memory_space<vmem>>, vector<16xf32>,
      %swap3A_514 = vector.shape_cast %swap3A_513 : vector<16xf32> to vector<16xf32>
      %swap3A_515 = vector.shape_cast %scan3A_495#4 : vector<16xf32> to vector<16xf32>
      tpu.vector_store %arg7[%swap3A_512], %swap3A_515 {strides = array<i32>} : memref<304xf32, #tpu.memory_space<vmem>>, vector<16xf32>,
      %swap3A_516 = arith.constant 80 : index
      %swap3A_517 = tpu.vector_load %arg7[%swap3A_516] {strides = array<i32>} : memref<304xf32, #tpu.memory_space<vmem>>, vector<16xf32>,
      %swap3A_518 = vector.shape_cast %swap3A_517 : vector<16xf32> to vector<16xf32>
      %swap3A_519 = vector.shape_cast %scan3A_495#5 : vector<16xf32> to vector<16xf32>
      tpu.vector_store %arg7[%swap3A_516], %swap3A_519 {strides = array<i32>} : memref<304xf32, #tpu.memory_space<vmem>>, vector<16xf32>,
      %swap3A_520 = arith.constant 96 : index
      %swap3A_521 = tpu.vector_load %arg7[%swap3A_520] {strides = array<i32>} : memref<304xf32, #tpu.memory_space<vmem>>, vector<16xf32>,
      %swap3A_522 = vector.shape_cast %swap3A_521 : vector<16xf32> to vector<16xf32>
      %swap3A_523 = vector.shape_cast %scan3A_495#6 : vector<16xf32> to vector<16xf32>
      tpu.vector_store %arg7[%swap3A_520], %swap3A_523 {strides = array<i32>} : memref<304xf32, #tpu.memory_space<vmem>>, vector<16xf32>,
      %swap3A_524 = arith.constant 112 : index
      %swap3A_525 = tpu.vector_load %arg7[%swap3A_524] {strides = array<i32>} : memref<304xf32, #tpu.memory_space<vmem>>, vector<16xf32>,
      %swap3A_526 = vector.shape_cast %swap3A_525 : vector<16xf32> to vector<16xf32>
      %swap3A_527 = vector.shape_cast %scan3A_495#7 : vector<16xf32> to vector<16xf32>
      tpu.vector_store %arg7[%swap3A_524], %swap3A_527 {strides = array<i32>} : memref<304xf32, #tpu.memory_space<vmem>>, vector<16xf32>,
      %swap3A_528 = arith.constant 128 : index
      %swap3A_529 = tpu.vector_load %arg7[%swap3A_528] {strides = array<i32>} : memref<304xf32, #tpu.memory_space<vmem>>, vector<16xf32>,
      %swap3A_530 = vector.shape_cast %swap3A_529 : vector<16xf32> to vector<16xf32>
      %swap3A_531 = vector.shape_cast %scan3A_495#8 : vector<16xf32> to vector<16xf32>
      tpu.vector_store %arg7[%swap3A_528], %swap3A_531 {strides = array<i32>} : memref<304xf32, #tpu.memory_space<vmem>>, vector<16xf32>,
      %swap3A_532 = arith.constant 144 : index
      %swap3A_533 = tpu.vector_load %arg7[%swap3A_532] {strides = array<i32>} : memref<304xf32, #tpu.memory_space<vmem>>, vector<16xf32>,
      %swap3A_534 = vector.shape_cast %swap3A_533 : vector<16xf32> to vector<16xf32>
      %swap3A_535 = vector.shape_cast %scan3A_495#9 : vector<16xf32> to vector<16xf32>
      tpu.vector_store %arg7[%swap3A_532], %swap3A_535 {strides = array<i32>} : memref<304xf32, #tpu.memory_space<vmem>>, vector<16xf32>,
      %swap3A_536 = arith.constant 160 : index
      %swap3A_537 = tpu.vector_load %arg7[%swap3A_536] {strides = array<i32>} : memref<304xf32, #tpu.memory_space<vmem>>, vector<16xf32>,
      %swap3A_538 = vector.shape_cast %swap3A_537 : vector<16xf32> to vector<16xf32>
      %swap3A_539 = vector.shape_cast %scan3A_495#10 : vector<16xf32> to vector<16xf32>
      tpu.vector_store %arg7[%swap3A_536], %swap3A_539 {strides = array<i32>} : memref<304xf32, #tpu.memory_space<vmem>>, vector<16xf32>,
      %swap3A_540 = arith.constant 176 : index
      %swap3A_541 = tpu.vector_load %arg7[%swap3A_540] {strides = array<i32>} : memref<304xf32, #tpu.memory_space<vmem>>, vector<16xf32>,
      %swap3A_542 = vector.shape_cast %swap3A_541 : vector<16xf32> to vector<16xf32>
      %swap3A_543 = vector.shape_cast %scan3A_495#11 : vector<16xf32> to vector<16xf32>
      tpu.vector_store %arg7[%swap3A_540], %swap3A_543 {strides = array<i32>} : memref<304xf32, #tpu.memory_space<vmem>>, vector<16xf32>,
      %swap3A_544 = arith.constant 192 : index
      %swap3A_545 = tpu.vector_load %arg7[%swap3A_544] {strides = array<i32>} : memref<304xf32, #tpu.memory_space<vmem>>, vector<16xf32>,
      %swap3A_546 = vector.shape_cast %swap3A_545 : vector<16xf32> to vector<16xf32>
      %swap3A_547 = vector.shape_cast %scan3A_495#12 : vector<16xf32> to vector<16xf32>
      tpu.vector_store %arg7[%swap3A_544], %swap3A_547 {strides = array<i32>} : memref<304xf32, #tpu.memory_space<vmem>>, vector<16xf32>,
      %swap3A_548 = arith.constant 208 : index
      %swap3A_549 = tpu.vector_load %arg7[%swap3A_548] {strides = array<i32>} : memref<304xf32, #tpu.memory_space<vmem>>, vector<16xf32>,
      %swap3A_550 = vector.shape_cast %swap3A_549 : vector<16xf32> to vector<16xf32>
      %swap3A_551 = vector.shape_cast %scan3A_495#13 : vector<16xf32> to vector<16xf32>
      tpu.vector_store %arg7[%swap3A_548], %swap3A_551 {strides = array<i32>} : memref<304xf32, #tpu.memory_space<vmem>>, vector<16xf32>,
      %swap3A_552 = arith.constant 224 : index
      %swap3A_553 = tpu.vector_load %arg7[%swap3A_552] {strides = array<i32>} : memref<304xf32, #tpu.memory_space<vmem>>, vector<16xf32>,
      %swap3A_554 = vector.shape_cast %swap3A_553 : vector<16xf32> to vector<16xf32>
      %swap3A_555 = vector.shape_cast %scan3A_495#14 : vector<16xf32> to vector<16xf32>
      tpu.vector_store %arg7[%swap3A_552], %swap3A_555 {strides = array<i32>} : memref<304xf32, #tpu.memory_space<vmem>>, vector<16xf32>,
      %swap3A_556 = arith.constant 240 : index
      %swap3A_557 = tpu.vector_load %arg7[%swap3A_556] {strides = array<i32>} : memref<304xf32, #tpu.memory_space<vmem>>, vector<16xf32>,
      %swap3A_558 = vector.shape_cast %swap3A_557 : vector<16xf32> to vector<16xf32>
      %swap3A_559 = vector.shape_cast %scan3A_495#15 : vector<16xf32> to vector<16xf32>
      tpu.vector_store %arg7[%swap3A_556], %swap3A_559 {strides = array<i32>} : memref<304xf32, #tpu.memory_space<vmem>>, vector<16xf32>,
      %swap3A_560 = arith.constant 256 : index
      %swap3A_561 = tpu.vector_load %arg7[%swap3A_560] {strides = array<i32>} : memref<304xf32, #tpu.memory_space<vmem>>, vector<16xf32>,
      %swap3A_562 = vector.shape_cast %swap3A_561 : vector<16xf32> to vector<16xf32>
      %swap3A_563 = vector.shape_cast %scan3A_495#16 : vector<16xf32> to vector<16xf32>
      tpu.vector_store %arg7[%swap3A_560], %swap3A_563 {strides = array<i32>} : memref<304xf32, #tpu.memory_space<vmem>>, vector<16xf32>,
      %swap3A_564 = arith.constant 272 : index
      %swap3A_565 = tpu.vector_load %arg7[%swap3A_564] {strides = array<i32>} : memref<304xf32, #tpu.memory_space<vmem>>, vector<16xf32>,
      %swap3A_566 = vector.shape_cast %swap3A_565 : vector<16xf32> to vector<16xf32>
      %swap3A_567 = vector.shape_cast %scan3A_495#17 : vector<16xf32> to vector<16xf32>
      tpu.vector_store %arg7[%swap3A_564], %swap3A_567 {strides = array<i32>} : memref<304xf32, #tpu.memory_space<vmem>>, vector<16xf32>,
      %swap3A_568 = arith.constant 288 : index
      %swap3A_569 = tpu.vector_load %arg7[%swap3A_568] {strides = array<i32>} : memref<304xf32, #tpu.memory_space<vmem>>, vector<16xf32>,
      %swap3A_570 = vector.shape_cast %swap3A_569 : vector<16xf32> to vector<16xf32>
      %swap3A_571 = vector.shape_cast %scan3A_495#18 : vector<16xf32> to vector<16xf32>
      tpu.vector_store %arg7[%swap3A_568], %swap3A_571 {strides = array<i32>} : memref<304xf32, #tpu.memory_space<vmem>>, vector<16xf32>,
      "tpu.region"() ({
        %run_scoped3A = tpu.sem_alloc : memref<!tpu.dma_semaphore, #tpu.memory_space<semaphore_mem>>
        %dma_start3A_577 = arith.constant 0 : i32
        %dma_start3A_578 = tpu.memref_slice %arg9[%arg1, %dma_start3A_577] : memref<16x304xf32, #tpu.memory_space<vmem_shared>> -> memref<1x304xf32, #tpu.memory_space<vmem_shared>>
        %dma_start3A_579 = tpu.memref_squeeze %dma_start3A_578 : memref<1x304xf32, #tpu.memory_space<vmem_shared>> -> memref<304xf32, #tpu.memory_space<vmem_shared>>
        %dma_start3A_580 = arith.constant 0 : i32
        %dma_start3A_581 = tpu.memref_slice %arg9[%arg1, %dma_start3A_580] : memref<16x304xf32, #tpu.memory_space<vmem_shared>> -> memref<1x304xf32, #tpu.memory_space<vmem_shared>>
        %dma_start3A_582 = tpu.memref_squeeze %dma_start3A_581 : memref<1x304xf32, #tpu.memory_space<vmem_shared>> -> memref<304xf32, #tpu.memory_space<vmem_shared>>
        tpu.enqueue_dma source(%arg7 : memref<304xf32, #tpu.memory_space<vmem>>) target(%dma_start3A_582 : memref<304xf32, #tpu.memory_space<vmem_shared>>) target_semaphore(%run_scoped3A : memref<!tpu.dma_semaphore, #tpu.memory_space<semaphore_mem>>)
        %dma_wait3A_583 = arith.constant 0 : i32
        %dma_wait3A_584 = tpu.memref_slice %arg9[%arg1, %dma_wait3A_583] : memref<16x304xf32, #tpu.memory_space<vmem_shared>> -> memref<1x304xf32, #tpu.memory_space<vmem_shared>>
        %dma_wait3A_585 = tpu.memref_squeeze %dma_wait3A_584 : memref<1x304xf32, #tpu.memory_space<vmem_shared>> -> memref<304xf32, #tpu.memory_space<vmem_shared>>
        %dma_wait3A_586 = arith.constant 0 : i32
        %dma_wait3A_587 = tpu.memref_slice %arg9[%arg1, %dma_wait3A_586] : memref<16x304xf32, #tpu.memory_space<vmem_shared>> -> memref<1x304xf32, #tpu.memory_space<vmem_shared>>
        %dma_wait3A_588 = tpu.memref_squeeze %dma_wait3A_587 : memref<1x304xf32, #tpu.memory_space<vmem_shared>> -> memref<304xf32, #tpu.memory_space<vmem_shared>>
        tpu.wait_dma2 semaphore(%run_scoped3A : memref<!tpu.dma_semaphore, #tpu.memory_space<semaphore_mem>>) src(%arg7 : memref<304xf32, #tpu.memory_space<vmem>>) dst(%dma_wait3A_588 : memref<304xf32, #tpu.memory_space<vmem_shared>>)
        tpu.yield
      }) : () -> ()
      %barrier3A = arith.constant 0 : index
      tpu.barrier barrier_id(%barrier3A)
      %eq3A_572 = arith.constant 0 : i32
      %eq3A_573 = arith.cmpi eq, %arg1, %eq3A_572 : i32
      %convert_element_type3A_574 = arith.extui %eq3A_573 : i1 to i32
      %cond3A_575 = arith.constant 0 : i32
      %cond3A_576 = arith.cmpi ne, %convert_element_type3A_574, %cond3A_575 : i32
      scf.if %cond3A_576 {
        "tpu.region"() ({
          %run_scoped3A_668 = tpu.sem_alloc : memref<!tpu.dma_semaphore, #tpu.memory_space<semaphore_mem>>
          tpu.enqueue_dma source(%arg9 : memref<16x304xf32, #tpu.memory_space<vmem_shared>>) target(%arg8 : memref<16x304xf32, #tpu.memory_space<vmem>>) target_semaphore(%run_scoped3A_668 : memref<!tpu.dma_semaphore, #tpu.memory_space<semaphore_mem>>)
          tpu.wait_dma2 semaphore(%run_scoped3A_668 : memref<!tpu.dma_semaphore, #tpu.memory_space<semaphore_mem>>) src(%arg9 : memref<16x304xf32, #tpu.memory_space<vmem_shared>>) dst(%arg8 : memref<16x304xf32, #tpu.memory_space<vmem>>)
          tpu.yield
        }) : () -> ()
        %broadcast_in_dim3A_577 = arith.constant 0.000000e+00 : f32
        %broadcast_in_dim3A_578 = vector.broadcast %broadcast_in_dim3A_577 : f32 to vector<16xf32>
        %scan3A_579 = arith.constant 0 : i32
        %scan3A_580 = arith.constant 16 : i32
        %scan3A_581 = arith.addi %scan3A_579, %scan3A_580 : i32
        %scan3A_582 = arith.constant 1 : i32
        %scan3A_583:19 = scf.for %scan3A_668 = %scan3A_579 to %scan3A_581 step %scan3A_582 iter_args(%scan3A_669 = %broadcast_in_dim3A_578, %scan3A_670 = %broadcast_in_dim3A_578, %scan3A_671 = %broadcast_in_dim3A_578, %scan3A_672 = %broadcast_in_dim3A_578, %scan3A_673 = %broadcast_in_dim3A_578, %scan3A_674 = %broadcast_in_dim3A_578, %scan3A_675 = %broadcast_in_dim3A_578, %scan3A_676 = %broadcast_in_dim3A_578, %scan3A_677 = %broadcast_in_dim3A_578, %scan3A_678 = %broadcast_in_dim3A_578, %scan3A_679 = %broadcast_in_dim3A_578, %scan3A_680 = %broadcast_in_dim3A_578, %scan3A_681 = %broadcast_in_dim3A_578, %scan3A_682 = %broadcast_in_dim3A_578, %scan3A_683 = %broadcast_in_dim3A_578, %scan3A_684 = %broadcast_in_dim3A_578, %scan3A_685 = %broadcast_in_dim3A_578, %scan3A_686 = %broadcast_in_dim3A_578, %scan3A_687 = %broadcast_in_dim3A_578) -> (vector<16xf32>, vector<16xf32>, vector<16xf32>, vector<16xf32>, vector<16xf32>, vector<16xf32>, vector<16xf32>, vector<16xf32>, vector<16xf32>, vector<16xf32>, vector<16xf32>, vector<16xf32>, vector<16xf32>, vector<16xf32>, vector<16xf32>, vector<16xf32>, vector<16xf32>, vector<16xf32>, vector<16xf32>)  : i32 {
          %get3A_688 = arith.index_cast %scan3A_668 : i32 to index
          %get3A_689 = arith.constant 0 : index
          %get3A_690 = tpu.vector_load %arg8[%get3A_688, %get3A_689] {strides = array<i32>} : memref<16x304xf32, #tpu.memory_space<vmem>>, vector<1x16xf32>,
          %get3A_691 = vector.shape_cast %get3A_690 : vector<1x16xf32> to vector<16xf32>
          %add3A_692 = arith.addf %scan3A_669, %get3A_691 : vector<16xf32>
          %get3A_693 = arith.index_cast %scan3A_668 : i32 to index
          %get3A_694 = arith.constant 16 : index
          %get3A_695 = tpu.vector_load %arg8[%get3A_693, %get3A_694] {strides = array<i32>} : memref<16x304xf32, #tpu.memory_space<vmem>>, vector<1x16xf32>,
          %get3A_696 = vector.shape_cast %get3A_695 : vector<1x16xf32> to vector<16xf32>
          %add3A_697 = arith.addf %scan3A_670, %get3A_696 : vector<16xf32>
          %get3A_698 = arith.index_cast %scan3A_668 : i32 to index
          %get3A_699 = arith.constant 32 : index
          %get3A_700 = tpu.vector_load %arg8[%get3A_698, %get3A_699] {strides = array<i32>} : memref<16x304xf32, #tpu.memory_space<vmem>>, vector<1x16xf32>,
          %get3A_701 = vector.shape_cast %get3A_700 : vector<1x16xf32> to vector<16xf32>
          %add3A_702 = arith.addf %scan3A_671, %get3A_701 : vector<16xf32>
          %get3A_703 = arith.index_cast %scan3A_668 : i32 to index
          %get3A_704 = arith.constant 48 : index
          %get3A_705 = tpu.vector_load %arg8[%get3A_703, %get3A_704] {strides = array<i32>} : memref<16x304xf32, #tpu.memory_space<vmem>>, vector<1x16xf32>,
          %get3A_706 = vector.shape_cast %get3A_705 : vector<1x16xf32> to vector<16xf32>
          %add3A_707 = arith.addf %scan3A_672, %get3A_706 : vector<16xf32>
          %get3A_708 = arith.index_cast %scan3A_668 : i32 to index
          %get3A_709 = arith.constant 64 : index
          %get3A_710 = tpu.vector_load %arg8[%get3A_708, %get3A_709] {strides = array<i32>} : memref<16x304xf32, #tpu.memory_space<vmem>>, vector<1x16xf32>,
          %get3A_711 = vector.shape_cast %get3A_710 : vector<1x16xf32> to vector<16xf32>
          %add3A_712 = arith.addf %scan3A_673, %get3A_711 : vector<16xf32>
          %get3A_713 = arith.index_cast %scan3A_668 : i32 to index
          %get3A_714 = arith.constant 80 : index
          %get3A_715 = tpu.vector_load %arg8[%get3A_713, %get3A_714] {strides = array<i32>} : memref<16x304xf32, #tpu.memory_space<vmem>>, vector<1x16xf32>,
          %get3A_716 = vector.shape_cast %get3A_715 : vector<1x16xf32> to vector<16xf32>
          %add3A_717 = arith.addf %scan3A_674, %get3A_716 : vector<16xf32>
          %get3A_718 = arith.index_cast %scan3A_668 : i32 to index
          %get3A_719 = arith.constant 96 : index
          %get3A_720 = tpu.vector_load %arg8[%get3A_718, %get3A_719] {strides = array<i32>} : memref<16x304xf32, #tpu.memory_space<vmem>>, vector<1x16xf32>,
          %get3A_721 = vector.shape_cast %get3A_720 : vector<1x16xf32> to vector<16xf32>
          %add3A_722 = arith.addf %scan3A_675, %get3A_721 : vector<16xf32>
          %get3A_723 = arith.index_cast %scan3A_668 : i32 to index
          %get3A_724 = arith.constant 112 : index
          %get3A_725 = tpu.vector_load %arg8[%get3A_723, %get3A_724] {strides = array<i32>} : memref<16x304xf32, #tpu.memory_space<vmem>>, vector<1x16xf32>,
          %get3A_726 = vector.shape_cast %get3A_725 : vector<1x16xf32> to vector<16xf32>
          %add3A_727 = arith.addf %scan3A_676, %get3A_726 : vector<16xf32>
          %get3A_728 = arith.index_cast %scan3A_668 : i32 to index
          %get3A_729 = arith.constant 128 : index
          %get3A_730 = tpu.vector_load %arg8[%get3A_728, %get3A_729] {strides = array<i32>} : memref<16x304xf32, #tpu.memory_space<vmem>>, vector<1x16xf32>,
          %get3A_731 = vector.shape_cast %get3A_730 : vector<1x16xf32> to vector<16xf32>
          %add3A_732 = arith.addf %scan3A_677, %get3A_731 : vector<16xf32>
          %get3A_733 = arith.index_cast %scan3A_668 : i32 to index
          %get3A_734 = arith.constant 144 : index
          %get3A_735 = tpu.vector_load %arg8[%get3A_733, %get3A_734] {strides = array<i32>} : memref<16x304xf32, #tpu.memory_space<vmem>>, vector<1x16xf32>,
          %get3A_736 = vector.shape_cast %get3A_735 : vector<1x16xf32> to vector<16xf32>
          %add3A_737 = arith.addf %scan3A_678, %get3A_736 : vector<16xf32>
          %get3A_738 = arith.index_cast %scan3A_668 : i32 to index
          %get3A_739 = arith.constant 160 : index
          %get3A_740 = tpu.vector_load %arg8[%get3A_738, %get3A_739] {strides = array<i32>} : memref<16x304xf32, #tpu.memory_space<vmem>>, vector<1x16xf32>,
          %get3A_741 = vector.shape_cast %get3A_740 : vector<1x16xf32> to vector<16xf32>
          %add3A_742 = arith.addf %scan3A_679, %get3A_741 : vector<16xf32>
          %get3A_743 = arith.index_cast %scan3A_668 : i32 to index
          %get3A_744 = arith.constant 176 : index
          %get3A_745 = tpu.vector_load %arg8[%get3A_743, %get3A_744] {strides = array<i32>} : memref<16x304xf32, #tpu.memory_space<vmem>>, vector<1x16xf32>,
          %get3A_746 = vector.shape_cast %get3A_745 : vector<1x16xf32> to vector<16xf32>
          %add3A_747 = arith.addf %scan3A_680, %get3A_746 : vector<16xf32>
          %get3A_748 = arith.index_cast %scan3A_668 : i32 to index
          %get3A_749 = arith.constant 192 : index
          %get3A_750 = tpu.vector_load %arg8[%get3A_748, %get3A_749] {strides = array<i32>} : memref<16x304xf32, #tpu.memory_space<vmem>>, vector<1x16xf32>,
          %get3A_751 = vector.shape_cast %get3A_750 : vector<1x16xf32> to vector<16xf32>
          %add3A_752 = arith.addf %scan3A_681, %get3A_751 : vector<16xf32>
          %get3A_753 = arith.index_cast %scan3A_668 : i32 to index
          %get3A_754 = arith.constant 208 : index
          %get3A_755 = tpu.vector_load %arg8[%get3A_753, %get3A_754] {strides = array<i32>} : memref<16x304xf32, #tpu.memory_space<vmem>>, vector<1x16xf32>,
          %get3A_756 = vector.shape_cast %get3A_755 : vector<1x16xf32> to vector<16xf32>
          %add3A_757 = arith.addf %scan3A_682, %get3A_756 : vector<16xf32>
          %get3A_758 = arith.index_cast %scan3A_668 : i32 to index
          %get3A_759 = arith.constant 224 : index
          %get3A_760 = tpu.vector_load %arg8[%get3A_758, %get3A_759] {strides = array<i32>} : memref<16x304xf32, #tpu.memory_space<vmem>>, vector<1x16xf32>,
          %get3A_761 = vector.shape_cast %get3A_760 : vector<1x16xf32> to vector<16xf32>
          %add3A_762 = arith.addf %scan3A_683, %get3A_761 : vector<16xf32>
          %get3A_763 = arith.index_cast %scan3A_668 : i32 to index
          %get3A_764 = arith.constant 240 : index
          %get3A_765 = tpu.vector_load %arg8[%get3A_763, %get3A_764] {strides = array<i32>} : memref<16x304xf32, #tpu.memory_space<vmem>>, vector<1x16xf32>,
          %get3A_766 = vector.shape_cast %get3A_765 : vector<1x16xf32> to vector<16xf32>
          %add3A_767 = arith.addf %scan3A_684, %get3A_766 : vector<16xf32>
          %get3A_768 = arith.index_cast %scan3A_668 : i32 to index
          %get3A_769 = arith.constant 256 : index
          %get3A_770 = tpu.vector_load %arg8[%get3A_768, %get3A_769] {strides = array<i32>} : memref<16x304xf32, #tpu.memory_space<vmem>>, vector<1x16xf32>,
          %get3A_771 = vector.shape_cast %get3A_770 : vector<1x16xf32> to vector<16xf32>
          %add3A_772 = arith.addf %scan3A_685, %get3A_771 : vector<16xf32>
          %get3A_773 = arith.index_cast %scan3A_668 : i32 to index
          %get3A_774 = arith.constant 272 : index
          %get3A_775 = tpu.vector_load %arg8[%get3A_773, %get3A_774] {strides = array<i32>} : memref<16x304xf32, #tpu.memory_space<vmem>>, vector<1x16xf32>,
          %get3A_776 = vector.shape_cast %get3A_775 : vector<1x16xf32> to vector<16xf32>
          %add3A_777 = arith.addf %scan3A_686, %get3A_776 : vector<16xf32>
          %get3A_778 = arith.index_cast %scan3A_668 : i32 to index
          %get3A_779 = arith.constant 288 : index
          %get3A_780 = tpu.vector_load %arg8[%get3A_778, %get3A_779] {strides = array<i32>} : memref<16x304xf32, #tpu.memory_space<vmem>>, vector<1x16xf32>,
          %get3A_781 = vector.shape_cast %get3A_780 : vector<1x16xf32> to vector<16xf32>
          %add3A_782 = arith.addf %scan3A_687, %get3A_781 : vector<16xf32>
          scf.yield %add3A_692, %add3A_697, %add3A_702, %add3A_707, %add3A_712, %add3A_717, %add3A_722, %add3A_727, %add3A_732, %add3A_737, %add3A_742, %add3A_747, %add3A_752, %add3A_757, %add3A_762, %add3A_767, %add3A_772, %add3A_777, %add3A_782 : vector<16xf32>, vector<16xf32>, vector<16xf32>, vector<16xf32>, vector<16xf32>, vector<16xf32>, vector<16xf32>, vector<16xf32>, vector<16xf32>, vector<16xf32>, vector<16xf32>, vector<16xf32>, vector<16xf32>, vector<16xf32>, vector<16xf32>, vector<16xf32>, vector<16xf32>, vector<16xf32>, vector<16xf32>
        }
        %scan3A_584 = arith.constant 16 : i32
        %swap3A_585 = arith.constant 0 : index
        %swap3A_586 = tpu.vector_load %arg7[%swap3A_585] {strides = array<i32>} : memref<304xf32, #tpu.memory_space<vmem>>, vector<16xf32>,
        %swap3A_587 = vector.shape_cast %swap3A_586 : vector<16xf32> to vector<16xf32>
        %swap3A_588 = vector.shape_cast %scan3A_583#0 : vector<16xf32> to vector<16xf32>
        tpu.vector_store %arg7[%swap3A_585], %swap3A_588 {strides = array<i32>} : memref<304xf32, #tpu.memory_space<vmem>>, vector<16xf32>,
        %swap3A_589 = arith.constant 16 : index
        %swap3A_590 = tpu.vector_load %arg7[%swap3A_589] {strides = array<i32>} : memref<304xf32, #tpu.memory_space<vmem>>, vector<16xf32>,
        %swap3A_591 = vector.shape_cast %swap3A_590 : vector<16xf32> to vector<16xf32>
        %swap3A_592 = vector.shape_cast %scan3A_583#1 : vector<16xf32> to vector<16xf32>
        tpu.vector_store %arg7[%swap3A_589], %swap3A_592 {strides = array<i32>} : memref<304xf32, #tpu.memory_space<vmem>>, vector<16xf32>,
        %swap3A_593 = arith.constant 32 : index
        %swap3A_594 = tpu.vector_load %arg7[%swap3A_593] {strides = array<i32>} : memref<304xf32, #tpu.memory_space<vmem>>, vector<16xf32>,
        %swap3A_595 = vector.shape_cast %swap3A_594 : vector<16xf32> to vector<16xf32>
        %swap3A_596 = vector.shape_cast %scan3A_583#2 : vector<16xf32> to vector<16xf32>
        tpu.vector_store %arg7[%swap3A_593], %swap3A_596 {strides = array<i32>} : memref<304xf32, #tpu.memory_space<vmem>>, vector<16xf32>,
        %swap3A_597 = arith.constant 48 : index
        %swap3A_598 = tpu.vector_load %arg7[%swap3A_597] {strides = array<i32>} : memref<304xf32, #tpu.memory_space<vmem>>, vector<16xf32>,
        %swap3A_599 = vector.shape_cast %swap3A_598 : vector<16xf32> to vector<16xf32>
        %swap3A_600 = vector.shape_cast %scan3A_583#3 : vector<16xf32> to vector<16xf32>
        tpu.vector_store %arg7[%swap3A_597], %swap3A_600 {strides = array<i32>} : memref<304xf32, #tpu.memory_space<vmem>>, vector<16xf32>,
        %swap3A_601 = arith.constant 64 : index
        %swap3A_602 = tpu.vector_load %arg7[%swap3A_601] {strides = array<i32>} : memref<304xf32, #tpu.memory_space<vmem>>, vector<16xf32>,
        %swap3A_603 = vector.shape_cast %swap3A_602 : vector<16xf32> to vector<16xf32>
        %swap3A_604 = vector.shape_cast %scan3A_583#4 : vector<16xf32> to vector<16xf32>
        tpu.vector_store %arg7[%swap3A_601], %swap3A_604 {strides = array<i32>} : memref<304xf32, #tpu.memory_space<vmem>>, vector<16xf32>,
        %swap3A_605 = arith.constant 80 : index
        %swap3A_606 = tpu.vector_load %arg7[%swap3A_605] {strides = array<i32>} : memref<304xf32, #tpu.memory_space<vmem>>, vector<16xf32>,
        %swap3A_607 = vector.shape_cast %swap3A_606 : vector<16xf32> to vector<16xf32>
        %swap3A_608 = vector.shape_cast %scan3A_583#5 : vector<16xf32> to vector<16xf32>
        tpu.vector_store %arg7[%swap3A_605], %swap3A_608 {strides = array<i32>} : memref<304xf32, #tpu.memory_space<vmem>>, vector<16xf32>,
        %swap3A_609 = arith.constant 96 : index
        %swap3A_610 = tpu.vector_load %arg7[%swap3A_609] {strides = array<i32>} : memref<304xf32, #tpu.memory_space<vmem>>, vector<16xf32>,
        %swap3A_611 = vector.shape_cast %swap3A_610 : vector<16xf32> to vector<16xf32>
        %swap3A_612 = vector.shape_cast %scan3A_583#6 : vector<16xf32> to vector<16xf32>
        tpu.vector_store %arg7[%swap3A_609], %swap3A_612 {strides = array<i32>} : memref<304xf32, #tpu.memory_space<vmem>>, vector<16xf32>,
        %swap3A_613 = arith.constant 112 : index
        %swap3A_614 = tpu.vector_load %arg7[%swap3A_613] {strides = array<i32>} : memref<304xf32, #tpu.memory_space<vmem>>, vector<16xf32>,
        %swap3A_615 = vector.shape_cast %swap3A_614 : vector<16xf32> to vector<16xf32>
        %swap3A_616 = vector.shape_cast %scan3A_583#7 : vector<16xf32> to vector<16xf32>
        tpu.vector_store %arg7[%swap3A_613], %swap3A_616 {strides = array<i32>} : memref<304xf32, #tpu.memory_space<vmem>>, vector<16xf32>,
        %swap3A_617 = arith.constant 128 : index
        %swap3A_618 = tpu.vector_load %arg7[%swap3A_617] {strides = array<i32>} : memref<304xf32, #tpu.memory_space<vmem>>, vector<16xf32>,
        %swap3A_619 = vector.shape_cast %swap3A_618 : vector<16xf32> to vector<16xf32>
        %swap3A_620 = vector.shape_cast %scan3A_583#8 : vector<16xf32> to vector<16xf32>
        tpu.vector_store %arg7[%swap3A_617], %swap3A_620 {strides = array<i32>} : memref<304xf32, #tpu.memory_space<vmem>>, vector<16xf32>,
        %swap3A_621 = arith.constant 144 : index
        %swap3A_622 = tpu.vector_load %arg7[%swap3A_621] {strides = array<i32>} : memref<304xf32, #tpu.memory_space<vmem>>, vector<16xf32>,
        %swap3A_623 = vector.shape_cast %swap3A_622 : vector<16xf32> to vector<16xf32>
        %swap3A_624 = vector.shape_cast %scan3A_583#9 : vector<16xf32> to vector<16xf32>
        tpu.vector_store %arg7[%swap3A_621], %swap3A_624 {strides = array<i32>} : memref<304xf32, #tpu.memory_space<vmem>>, vector<16xf32>,
        %swap3A_625 = arith.constant 160 : index
        %swap3A_626 = tpu.vector_load %arg7[%swap3A_625] {strides = array<i32>} : memref<304xf32, #tpu.memory_space<vmem>>, vector<16xf32>,
        %swap3A_627 = vector.shape_cast %swap3A_626 : vector<16xf32> to vector<16xf32>
        %swap3A_628 = vector.shape_cast %scan3A_583#10 : vector<16xf32> to vector<16xf32>
        tpu.vector_store %arg7[%swap3A_625], %swap3A_628 {strides = array<i32>} : memref<304xf32, #tpu.memory_space<vmem>>, vector<16xf32>,
        %swap3A_629 = arith.constant 176 : index
        %swap3A_630 = tpu.vector_load %arg7[%swap3A_629] {strides = array<i32>} : memref<304xf32, #tpu.memory_space<vmem>>, vector<16xf32>,
        %swap3A_631 = vector.shape_cast %swap3A_630 : vector<16xf32> to vector<16xf32>
        %swap3A_632 = vector.shape_cast %scan3A_583#11 : vector<16xf32> to vector<16xf32>
        tpu.vector_store %arg7[%swap3A_629], %swap3A_632 {strides = array<i32>} : memref<304xf32, #tpu.memory_space<vmem>>, vector<16xf32>,
        %swap3A_633 = arith.constant 192 : index
        %swap3A_634 = tpu.vector_load %arg7[%swap3A_633] {strides = array<i32>} : memref<304xf32, #tpu.memory_space<vmem>>, vector<16xf32>,
        %swap3A_635 = vector.shape_cast %swap3A_634 : vector<16xf32> to vector<16xf32>
        %swap3A_636 = vector.shape_cast %scan3A_583#12 : vector<16xf32> to vector<16xf32>
        tpu.vector_store %arg7[%swap3A_633], %swap3A_636 {strides = array<i32>} : memref<304xf32, #tpu.memory_space<vmem>>, vector<16xf32>,
        %swap3A_637 = arith.constant 208 : index
        %swap3A_638 = tpu.vector_load %arg7[%swap3A_637] {strides = array<i32>} : memref<304xf32, #tpu.memory_space<vmem>>, vector<16xf32>,
        %swap3A_639 = vector.shape_cast %swap3A_638 : vector<16xf32> to vector<16xf32>
        %swap3A_640 = vector.shape_cast %scan3A_583#13 : vector<16xf32> to vector<16xf32>
        tpu.vector_store %arg7[%swap3A_637], %swap3A_640 {strides = array<i32>} : memref<304xf32, #tpu.memory_space<vmem>>, vector<16xf32>,
        %swap3A_641 = arith.constant 224 : index
        %swap3A_642 = tpu.vector_load %arg7[%swap3A_641] {strides = array<i32>} : memref<304xf32, #tpu.memory_space<vmem>>, vector<16xf32>,
        %swap3A_643 = vector.shape_cast %swap3A_642 : vector<16xf32> to vector<16xf32>
        %swap3A_644 = vector.shape_cast %scan3A_583#14 : vector<16xf32> to vector<16xf32>
        tpu.vector_store %arg7[%swap3A_641], %swap3A_644 {strides = array<i32>} : memref<304xf32, #tpu.memory_space<vmem>>, vector<16xf32>,
        %swap3A_645 = arith.constant 240 : index
        %swap3A_646 = tpu.vector_load %arg7[%swap3A_645] {strides = array<i32>} : memref<304xf32, #tpu.memory_space<vmem>>, vector<16xf32>,
        %swap3A_647 = vector.shape_cast %swap3A_646 : vector<16xf32> to vector<16xf32>
        %swap3A_648 = vector.shape_cast %scan3A_583#15 : vector<16xf32> to vector<16xf32>
        tpu.vector_store %arg7[%swap3A_645], %swap3A_648 {strides = array<i32>} : memref<304xf32, #tpu.memory_space<vmem>>, vector<16xf32>,
        %swap3A_649 = arith.constant 256 : index
        %swap3A_650 = tpu.vector_load %arg7[%swap3A_649] {strides = array<i32>} : memref<304xf32, #tpu.memory_space<vmem>>, vector<16xf32>,
        %swap3A_651 = vector.shape_cast %swap3A_650 : vector<16xf32> to vector<16xf32>
        %swap3A_652 = vector.shape_cast %scan3A_583#16 : vector<16xf32> to vector<16xf32>
        tpu.vector_store %arg7[%swap3A_649], %swap3A_652 {strides = array<i32>} : memref<304xf32, #tpu.memory_space<vmem>>, vector<16xf32>,
        %swap3A_653 = arith.constant 272 : index
        %swap3A_654 = tpu.vector_load %arg7[%swap3A_653] {strides = array<i32>} : memref<304xf32, #tpu.memory_space<vmem>>, vector<16xf32>,
        %swap3A_655 = vector.shape_cast %swap3A_654 : vector<16xf32> to vector<16xf32>
        %swap3A_656 = vector.shape_cast %scan3A_583#17 : vector<16xf32> to vector<16xf32>
        tpu.vector_store %arg7[%swap3A_653], %swap3A_656 {strides = array<i32>} : memref<304xf32, #tpu.memory_space<vmem>>, vector<16xf32>,
        %swap3A_657 = arith.constant 288 : index
        %swap3A_658 = tpu.vector_load %arg7[%swap3A_657] {strides = array<i32>} : memref<304xf32, #tpu.memory_space<vmem>>, vector<16xf32>,
        %swap3A_659 = vector.shape_cast %swap3A_658 : vector<16xf32> to vector<16xf32>
        %swap3A_660 = vector.shape_cast %broadcast_in_dim3A_578 : vector<16xf32> to vector<16xf32>
        tpu.vector_store %arg7[%swap3A_657], %swap3A_660 {strides = array<i32>} : memref<304xf32, #tpu.memory_space<vmem>>, vector<16xf32>,
        %get3A_661 = arith.constant 284 : index
        %get3A_662 = tpu.vector_load %arg7[%get3A_661] {strides = array<i32>} : memref<304xf32, #tpu.memory_space<vmem>>, vector<16xf32>,
        %get3A_663 = vector.shape_cast %get3A_662 : vector<16xf32> to vector<16xf32>
        %add3A = arith.addf %get3A_663, %scan3A_583#18 : vector<16xf32>
        %swap3A_664 = arith.constant 284 : index
        %swap3A_665 = tpu.vector_load %arg7[%swap3A_664] {strides = array<i32>} : memref<304xf32, #tpu.memory_space<vmem>>, vector<16xf32>,
        %swap3A_666 = vector.shape_cast %swap3A_665 : vector<16xf32> to vector<16xf32>
        %swap3A_667 = vector.shape_cast %add3A : vector<16xf32> to vector<16xf32>
        tpu.vector_store %arg7[%swap3A_664], %swap3A_667 {strides = array<i32>} : memref<304xf32, #tpu.memory_space<vmem>>, vector<16xf32>,
        %run_scoped3A = arith.constant 0 : i32
        "tpu.region"() ({
          %run_scoped3A_668 = tpu.sem_alloc : memref<!tpu.dma_semaphore, #tpu.memory_space<semaphore_mem>>
          %dma_start3A_669 = arith.constant 0 : i32
          %dma_start3A_670 = tpu.memref_slice %arg4[%run_scoped3A, %dma_start3A_669] : memref<1x304xf32, #tpu.memory_space<hbm>> -> memref<1x304xf32, #tpu.memory_space<hbm>>
          %dma_start3A_671 = tpu.memref_squeeze %dma_start3A_670 : memref<1x304xf32, #tpu.memory_space<hbm>> -> memref<304xf32, #tpu.memory_space<hbm>>
          %dma_start3A_672 = arith.constant 0 : i32
          %dma_start3A_673 = tpu.memref_slice %arg4[%run_scoped3A, %dma_start3A_672] : memref<1x304xf32, #tpu.memory_space<hbm>> -> memref<1x304xf32, #tpu.memory_space<hbm>>
          %dma_start3A_674 = tpu.memref_squeeze %dma_start3A_673 : memref<1x304xf32, #tpu.memory_space<hbm>> -> memref<304xf32, #tpu.memory_space<hbm>>
          tpu.enqueue_dma source(%arg7 : memref<304xf32, #tpu.memory_space<vmem>>) target(%dma_start3A_674 : memref<304xf32, #tpu.memory_space<hbm>>) target_semaphore(%run_scoped3A_668 : memref<!tpu.dma_semaphore, #tpu.memory_space<semaphore_mem>>)
          %dma_wait3A_675 = arith.constant 0 : i32
          %dma_wait3A_676 = tpu.memref_slice %arg4[%run_scoped3A, %dma_wait3A_675] : memref<1x304xf32, #tpu.memory_space<hbm>> -> memref<1x304xf32, #tpu.memory_space<hbm>>
          %dma_wait3A_677 = tpu.memref_squeeze %dma_wait3A_676 : memref<1x304xf32, #tpu.memory_space<hbm>> -> memref<304xf32, #tpu.memory_space<hbm>>
          %dma_wait3A_678 = arith.constant 0 : i32
          %dma_wait3A_679 = tpu.memref_slice %arg4[%run_scoped3A, %dma_wait3A_678] : memref<1x304xf32, #tpu.memory_space<hbm>> -> memref<1x304xf32, #tpu.memory_space<hbm>>
          %dma_wait3A_680 = tpu.memref_squeeze %dma_wait3A_679 : memref<1x304xf32, #tpu.memory_space<hbm>> -> memref<304xf32, #tpu.memory_space<hbm>>
          tpu.wait_dma2 semaphore(%run_scoped3A_668 : memref<!tpu.dma_semaphore, #tpu.memory_space<semaphore_mem>>) src(%arg7 : memref<304xf32, #tpu.memory_space<vmem>>) dst(%dma_wait3A_680 : memref<304xf32, #tpu.memory_space<hbm>>)
          tpu.yield
        }) : () -> ()
      } else {
      }
    } else {
    }
    return
  }
}

module attributes {stable_mosaic.version = 14 : i64} {
  func.func @_proj_body(%arg0: i32, %arg1: memref<1x304xf32, #tpu.memory_space<vmem>>, %arg2: memref<10000x300xf32, #tpu.memory_space<vmem>>, %arg3: memref<1x1x10000xf32, #tpu.memory_space<vmem>>) attributes {dimension_semantics = [#tpu.dimension_semantics<arbitrary>], iteration_bounds = array<i64: 10>, scalar_prefetch = 0 : i64, scratch_operands = 0 : i64, tpu.core_type = #tpu.core_type<tc>, window_params = [{pipeline_mode = #tpu.pipeline_mode<synchronous>, transform_indices = @transform_0, window_bounds = array<i64: 1, 304>}, {transform_indices = @transform_1, window_bounds = array<i64: 10000, 300>}, {transform_indices = @transform_2, window_bounds = array<i64: 1, 1, 10000>}]} {
    %get3A = arith.constant 0 : index
    %get3A_0 = arith.constant 0 : index
    %get3A_1 = vector.load %arg1[%get3A, %get3A_0] : memref<1x304xf32, #tpu.memory_space<vmem>>, vector<1x304xf32>
    %slice3A = vector.extract_strided_slice %get3A_1 {offsets = [0, 0], sizes = [1, 300], strides = [1, 1]} : vector<1x304xf32> to vector<1x300xf32>
    %get3A_2 = arith.constant 0 : index
    %get3A_3 = arith.constant 0 : index
    %get3A_4 = vector.load %arg2[%get3A_2, %get3A_3] : memref<10000x300xf32, #tpu.memory_space<vmem>>, vector<10000x300xf32>
    %dot_general3A = arith.constant dense<0.000000e+00> : vector<1x10000xf32>
    %dot_general3A_5 = tpu.matmul %slice3A, %get3A_4, %dot_general3A {dimension_numbers = #tpu.dot_dimension_numbers<[1], [1], [0], [0], [0, 0, 1, 0], [], []>, transpose_lhs_hint = false} : vector<1x300xf32>, vector<10000x300xf32>, vector<1x10000xf32> -> vector<1x10000xf32>
    %swap3A = arith.constant 0 : index
    %swap3A_6 = arith.constant 0 : index
    %swap3A_7 = arith.constant 0 : index
    %swap3A_8 = vector.load %arg3[%swap3A, %swap3A_6, %swap3A_7] : memref<1x1x10000xf32, #tpu.memory_space<vmem>>, vector<1x1x10000xf32>
    %swap3A_9 = vector.shape_cast %swap3A_8 : vector<1x1x10000xf32> to vector<1x10000xf32>
    %swap3A_10 = vector.shape_cast %dot_general3A_5 : vector<1x10000xf32> to vector<1x1x10000xf32>
    tpu.vector_store %arg3[%swap3A, %swap3A_6, %swap3A_7], %swap3A_10 {strides = array<i32>} : memref<1x1x10000xf32, #tpu.memory_space<vmem>>, vector<1x1x10000xf32>,
    return
  }
  func.func @transform_0(%arg0: i32) -> (i32, i32) {
    %c0_i32 = arith.constant 0 : i32
    %c0_i32_0 = arith.constant 0 : i32
    %c0_i32_1 = arith.constant 0 : i32
    return %c0_i32, %c0_i32_0 : i32, i32
  }
  func.func @transform_1(%arg0: i32) -> (i32, i32) {
    %c0_i32 = arith.constant 0 : i32
    %c0_i32_0 = arith.constant 0 : i32
    return %arg0, %c0_i32 : i32, i32
  }
  func.func @transform_2(%arg0: i32) -> (i32, i32, i32) {
    %c0_i32 = arith.constant 0 : i32
    %c0_i32_0 = arith.constant 0 : i32
    %c0_i32_1 = arith.constant 0 : i32
    return %arg0, %c0_i32, %c0_i32_0 : i32, i32, i32
  }
}

</mosaic_0001>

<sc_bundles>
// kernel: sc_emb_mean.3.cloned.1.call-start
scs
__scs_entry_jumppad:
0x0: {  	(pc) =	sbr.rel $0x88, $3  }
0x1: {  	(tag) =	ssettag $0x0;
	lr =	simm.s32 $0x1  }
0x2: {  	[smem:$0x3F9D] =	sst lr;
	_ =	strace $0xD0000000  }
0x3: {  	_ = 	snop  }
0x4: {  	_ = 	snop  }
0x5: {  	_ = 	snop  }
0x6: {  	_ = 	snop  }
0x7: {  	_ = 	snop  }
__scs_overlays_trampoline_lowered:
0x8: {  	[smem:$0x3FAC] =	sst s0  }
0x9: {  	[smem:$0x3FAD] =	sst s1  }
0xa: {  	[smem:$0x3FAE] =	sst s2  }
0xb: {  	[smem:$0x3FAF] =	sst s3  }
0xc: {  	[smem:$0x3FB0] =	sst s4  }
0xd: {  	[smem:$0x3FB1] =	sst s5  }
0xe: {  	[smem:$0x3FB2] =	sst s6  }
0xf: {  	[smem:$0x3FB3] =	sst s7  }
0x10: {  	[smem:$0x3FB4] =	sst s8  }
0x11: {  	[smem:$0x3FB5] =	sst s9;
	s0 =	simm.s32 @!p0 $0x0  }
0x12: {  	s1 =	sld [smem:$0x3F9B];
	s0 =	simm.s32 @p0 $0x1  }
0x13: {  	[smem:$0x3FB6] =	sst s0;
	s0 =	simm.s32 @!p1 $0x0  }
0x14: {  	s2 =	sld [smem:$0x3F9A];
	s0 =	simm.s32 @p1 $0x1  }
0x15: {  	[smem:$0x3FB7] =	sst s0;
	s0 =	simm.s32 @!p2 $0x0  }
0x16: {  	s3 =	sld [smem:$0x3FDB];
	s0 =	simm.s32 @p2 $0x1  }
0x17: {  	s4 =	simm.s32 $0x1BF5;
	[smem:$0x3FB9] =	sst s0  }
0x18: {  	s0 =	sld [smem:$0x3F9C];
	_ =	swait.ge [sflag:s4], $0x0  }
0x19: {  	s7 =	sld [smem:$0x3F9D]  }
0x1a: {  	s8 =	sadd.s32 $0xFFFFE003, lr  }
0x1b: {  	s9 =	sadd.s32 $0xFFFFFEF7, lr;
	s5 =	simm.s32 $0xFFFFFFFF;
	p2 =	slt.u32 s8, $0xFFFFF086  }
0x1c: {  	p1 =	slt.u32 s9, $0xF7A;
	s5 =	simm.s32 @!p2 $0x0  }
0x1d: {  	s5 =	simm.s32 @p1 $0x1;
	p0 =	seq.s32 s7, s2  }
0x1e: {  	s7 =	smul.u32 @!p0 $0xF7A, s2;
	p2 =	seq.s32 @!p0 s5, $0x0  }
0x1f: {  	s9 =	smul.u32 $0xF7A, s1;
	s8 =	simm.s32 @!p0 $0x1BF5;
	p2 =	por !p2, p0  }
0x20: {  	[sflag:s8] =	ssyncset.s32 @!p0 $0xFFFFF086;
	s6 =	sadd.s32 @!p0 s3, s7;
	s7 =	simm.s32 @!p0 $0x108  }
0x21: {  	s3 =	sadd.s32 s3, s9;
	s6 =	sadd.s32 @!p0 $0x88, s6;
	s7 =	simm.s32 @p2 $0x1082  }
0x22: {  	[simem:s7], [sflag:s8] =	dma.local @!p0 [hbm:s6], $0xF7A  }
0x23: {  	s9 =	sor.u32 $0xD0000000, s2;
	s6 =	simm.s32 $0x108;
	_ =	swait.ge @!p0 [sflag:s8], $0x0  }
0x24: {  	s3 =	sadd.s32 $0x88, s3;
	s6 =	simm.s32 @!p1 $0x1082;
	[sflag:s4] =	ssyncset.s32 $0xFFFFF086  }
0x25: {  	[simem:s6], [sflag:s4] =	dma.local [hbm:s3], $0xF7A  }
0x26: {  	[smem:$0x3F9D] =	sst s1;
	(tag) =	ssettag s2;
	_ =	strace s9  }
0x27: {  	s1 =	sld [smem:$0x3FAD]  }
0x28: {  	s2 =	sld [smem:$0x3FAE]  }
0x29: {  	s4 =	sld [smem:$0x3FB0]  }
0x2a: {  	p0 =	seq.s32 s5, $0x0;
	s5 =	sld [smem:$0x3FB1]  }
0x2b: {  	s6 =	sld [smem:$0x3FB2]  }
0x2c: {  	s7 =	sld [smem:$0x3FB3]  }
0x2d: {  	s3 =	simm.s32 $0x108;
	s8 =	sld [smem:$0x3FB4]  }
0x2e: {  	s3 =	simm.s32 @!p0 $0x1082;
	s9 =	sld [smem:$0x3FB5]  }
0x2f: {  	lr =	sadd.s32 s0, s3;
	s0 =	sld [smem:$0x3FAC]  }
0x30: {  	s3 =	sld [smem:$0x3FAF]  }
0x31: {  	[smem:$0x3FB8] =	sst s10  }
0x32: {  	s10 =	sld [smem:$0x3FB6];
	_ =	sdelay $0x3  }
0x33: {  	p0 =	seq.s32 s10, $0x1;
	s10 =	sld [smem:$0x3FB8];
	_ =	sdelay $0x3  }
0x34: {  	[smem:$0x3FB8] =	sst s10  }
0x35: {  	s10 =	sld [smem:$0x3FB7];
	_ =	sdelay $0x3  }
0x36: {  	p1 =	seq.s32 s10, $0x1;
	s10 =	sld [smem:$0x3FB8];
	_ =	sdelay $0x3  }
0x37: {  	[smem:$0x3FB8] =	sst s10  }
0x38: {  	s10 =	sld [smem:$0x3FB9]  }
0x39: {  	_ = 	snop;
	(pc) =	sbr.ind lr, $3  }
0x3a: {  	_ = 	snop  }
0x3b: {  	_ = 	snop  }
0x3c: {  	p2 =	seq.s32 s10, $0x1;
	s10 =	sld [smem:$0x3FB8]  }
0x3d: {  	_ =	shalt  }
0x3e: {  	_ =	shalt  }
0x3f: {  	_ =	shalt  }
0x40: {  	_ =	shalt  }
0x41: {  	_ =	shalt  }
0x42: {  	_ =	shalt  }
0x43: {  	_ =	shalt  }
0x44: {  	_ =	shalt  }
0x45: {  	_ =	shalt  }
0x46: {  	_ =	shalt  }
0x47: {  	_ =	shalt  }
0x48: {  	_ =	shalt  }
0x49: {  	_ =	shalt  }
0x4a: {  	_ =	shalt  }
0x4b: {  	_ =	shalt  }
0x4c: {  	_ =	shalt  }
0x4d: {  	_ =	shalt  }
0x4e: {  	_ =	shalt  }
0x4f: {  	_ =	shalt  }
0x50: {  	_ =	shalt  }
0x51: {  	_ =	shalt  }
0x52: {  	_ =	shalt  }
0x53: {  	_ =	shalt  }
0x54: {  	_ =	shalt  }
0x55: {  	_ =	shalt  }
0x56: {  	_ =	shalt  }
0x57: {  	_ =	shalt  }
0x58: {  	_ =	shalt  }
0x59: {  	_ =	shalt  }
0x5a: {  	_ =	shalt  }
0x5b: {  	_ =	shalt  }
0x5c: {  	_ =	shalt  }
0x5d: {  	_ =	shalt  }
0x5e: {  	_ =	shalt  }
0x5f: {  	_ =	shalt  }
0x60: {  	_ =	shalt  }
0x61: {  	_ =	shalt  }
0x62: {  	_ =	shalt  }
0x63: {  	_ =	shalt  }
0x64: {  	_ =	shalt  }
0x65: {  	_ =	shalt  }
0x66: {  	_ =	shalt  }
0x67: {  	_ =	shalt  }
0x68: {  	_ =	shalt  }
0x69: {  	_ =	shalt  }
0x6a: {  	_ =	shalt  }
0x6b: {  	_ =	shalt  }
0x6c: {  	_ =	shalt  }
0x6d: {  	_ =	shalt  }
0x6e: {  	_ =	shalt  }
0x6f: {  	_ =	shalt  }
0x70: {  	_ =	shalt  }
0x71: {  	_ =	shalt  }
0x72: {  	_ =	shalt  }
0x73: {  	_ =	shalt  }
0x74: {  	_ =	shalt  }
0x75: {  	_ =	shalt  }
0x76: {  	_ =	shalt  }
0x77: {  	_ =	shalt  }
0x78: {  	_ =	shalt  }
0x79: {  	_ =	shalt  }
0x7a: {  	_ =	shalt  }
0x7b: {  	_ =	shalt  }
0x7c: {  	_ =	shalt  }
0x7d: {  	_ =	shalt  }
0x7e: {  	_ =	shalt  }
0x7f: {  	_ =	shalt  }
0x80: {  	_ =	shalt  }
0x81: {  	_ =	shalt  }
0x82: {  	_ =	shalt  }
0x83: {  	_ =	shalt  }
0x84: {  	_ =	shalt  }
0x85: {  	_ =	shalt  }
0x86: {  	_ =	shalt  }
0x87: {  	_ =	shalt  }
.Lfunc_end0:
.L_simem_size_0:
called_computation_lowered:
.L_overlay_start_0:
0x88: {  	s2 =	sld [smem:$0x3FD9]  }
0x89: {  	s3 =	sld [smem:$0x3FFE];
	_ =	sdelay $0x1  }
0x8a: {  	s1 =	srdreg.scid  }
0x8b: {  	s0 =	sand.u32 $0x1, s1  }
0x8c: {  	s17 =	sshll.u32 s0, $0xA;
	s2 =	sadd.s32 s3, s2  }
0x8d: {  	s2 =	sadd.s32 s2, s17  }
0x8e: {  	[smem:$0x3FC4] =	sst s2  }
0x8f: {  	_ = 	snop  }
0x90: {  	s2 =	sld [smem:$0x3FD0];
	(tm) =	ssettm $0x1  }
0x91: {  	s18 =	sld [smem:$0x3FFB];
	_ =	sdelay $0x3  }
0x92: {  	_ =	strace s18  }
0x93: {  	s3 =	sld [smem:$0x3FFC];
	_ =	sdelay $0x3  }
0x94: {  	_ =	strace s3  }
0x95: {  	s3 =	sld [smem:$0x3FFD];
	_ =	sdelay $0x3  }
0x96: {  	_ =	strace s3  }
0x97: {  	_ =	strace $0x8FFFFFFF  }
0x98: {  	s19 =	sld [smem:$0x3FDB];
	_ =	sdelay $0x1  }
0x99: {  	s4 =	simm.s32 $_scs_section_size  }
0x9a: {  	s5 =	simm.s32 $_size__tile_overlayer_lowered;
	s6 =	simm.s32 $_tile_overlayer_lowered  }
0x9b: {  	s22 =	simm.s32 $0x1BFF;
	s21 =	sshll.u32 s6, $0x1;
	s3 =	sadd.s32 s4, s19  }
0x9c: {  	s7 =	simm.s32 $0x0;
	s20 =	sshll.u32 s5, $0x1;
	s5 =	sadd.s32 s21, s3  }
0x9d: {  	[timem:s7], [sflag:s22] =	dma.local [hbm:s5], s20  }
0x9e: {  	_ =	swait.ge [sflag:s22], s20  }
0x9f: {  	s4 =	ssub.s32 $0x0, s20;
	[sflag:s22] =	ssyncset.done $0x0  }
0xa0: {  	[sflag:s22] =	ssyncadd.s32 s4;
	_ =	sdelay $0x1  }
0xa1: {  	s23 =	simm.s32 $0x1B8B  }
0xa2: {  	_ =	swait.ge [sflag:s23], $0x1  }
0xa3: {  	[sflag:s23] =	ssyncset.done $0x0  }
0xa4: {  	s25 =	simm.s32 $0x1B8E;
	s24 =	sld [smem:$0x3FFE];
	[sflag:s23] =	ssyncadd.s32 $0xFFFFFFFF  }
0xa5: {  	s26 =	simm.s32 $execute0_lowered;
	[smem:$0x3FD2] =	sst s25  }
0xa6: {  	s5 =	sshll.u32 s26, $0x1;
	_ =	strace $0x80000046;
	[dreg:$0x1] =	wrdreg $0xFFFFFFFF  }
0xa7: {  	s28 =	simm.s32 $_size_execute0_lowered;
	s3 =	sadd.s32 s3, s5;
	[dreg:$0x0] =	wrdreg $0x0  }
0xa8: {  	s5 =	sshll.u32 s28, $0x1;
	[dreg:$0x2] =	wrdreg s3  }
0xa9: {  	[dreg:$0x3] =	wrdreg s5  }
0xaa: {  	[dreg:$0x4] =	wrdreg $0xC0  }
0xab: {  	_ =	task [dreg:s7], $0x5FFFF  }
0xac: {  	[dreg:$0x1] =	wrdreg $0xFFFFFFFF  }
0xad: {  	[dreg:$0x0] =	wrdreg $0x60  }
0xae: {  	[dreg:$0x2] =	wrdreg s24  }
0xaf: {  	[dreg:$0x3] =	wrdreg s2  }
0xb0: {  	[dreg:$0x4] =	wrdreg $0x32000  }
0xb1: {  	[dreg:$0x5] =	wrdreg $0x9  }
0xb2: {  	_ =	task.clear_ibuf [dreg:s7], $0x6FFFF;
	_ =	strace $0x90000046  }
0xb3: {  	s29 =	simm.s32 $0x9;
	_ =	strace $0x80000048  }
0xb4: {  	_ =	swait.ge [sflag:s29], $0x1  }
0xb5: {  	[sflag:s29] =	ssyncadd.s32 $0xFFFFFFFF  }
0xb6: {  	_ =	strace $0x90000048  }
0xb7: {  	_ =	sfence  }
0xb8: {  	s30 =	sld [smem:$0x0];
	_ =	sdelay $0x2  }
0xb9: {  	s31 =	sshll.u32 s1, $0xD;
	s1 =	sshrl.u32 s1, $0x2  }
0xba: {  	s3 =	sand.u32 $0x4000, s31;
	s1 =	sadd.s32 s1, s30  }
0xbb: {  	s0 =	sor.u32 s3, s0;
	s1 =	sshll.u32 s1, $0x11  }
0xbc: {  	s0 =	sor.u32 s1, s0  }
0xbd: {  	s0 =	sadd.s32 $0x8F2B, s0  }
0xbe: {  	[sflag:s0] =	ssyncadd.remote.s32 $0x1  }
0xbf: {  	_ =	sfence.sel $0xFFFF  }
0xc0: {  	[dreg:$0x0] =	wrdreg $0xFFFFFFFF;
	(pc) =	sbr.abs _section_cstart, $3  }
0xc1: {  	[dreg:$0x1] =	wrdreg $0xFFFFFFFF  }
0xc2: {  	_ =	task.clear_ibuf [dreg:s7], $0x2FFFF;
	_ =	strace $0x9FFFFFFF  }
0xc3: {  	(tm) =	ssettm $0x7FFFFFFF  }
tec
execute0_lowered:
.L_overlay_start_1:
0x0: {  	(tag) =	ssettag $0x1  }
0x1: {  	s2 =	srdreg.scid  }
0x2: {  	s2 =	sand.u32 $0x1, s2  }
0x3: {  	p0 =	seq.s32 s2, $0x1  }
.Ltmp0:
0x4: {  	s5 =	rddreg [dreg:$0x0];
	(pc) =	sbr.rel @p0 .LBB2_7-.Ltmp0, $4  }
0x5: {  	s1 =	rddreg [dreg:$0x1]  }
0x6: {  	s3 =	rddreg [dreg:$0x2];
	s4 =	simm.s32 $0x0  }
0x7: {  	[smem:$0x7FF] =	sst s4  }
0x8: {  	s0 =	rddreg [dreg:$0x3];
	_ =	strace $0x80000047;
	s2 =	stileid.u32  }
0x9: {  	s6 =	sadd.s32 $0x494400, s5;
	s7 =	sshll.u32 s2, $0x1  }
0xa: {  	s16 =	simm.s32 $0x2;
	s6 =	sadd.s32 s6, s7  }
0xb: {  	[tilespmem:s4], [sflag:$0x2] =	stream.linear.gather [hbm4b:s6+s4], $0x10, $0x38;
	[tilespmem:$0x3330] =	vst v63  }
0xc: {  	_ =	swait.ge [sflag:s16], $0x10  }
0xd: {  	[sflag:s16] =	ssyncset.done $0x0  }
0xe: {  	[sflag:s16] =	ssyncadd.s32 $0xFFFFFFF0  }
0xf: {  	v0 =	vld [tilespmem:$0x0];
	_ =	sdelay $0x4  }
0x10: {  	(v2sf) =	vpush v0, $0x0;
	_ =	sdelay $0x7  }
0x11: {  	(v2sf) =	vpush v0, $0x1;
	_ =	sdelay $0x6  }
0x12: {  	s17 =	spop (v2sf)  }
0x13: {  	s18 =	sshrl.u32 s17, $0x3  }
0x14: {  	s6 =	sshll.u32 s17, $0x7;
	s7 =	smul.u32 $0xC00, s18  }
0x15: {  	(v2sf) =	vpush v0, $0x2;
	s6 =	sand.u32 $0x380, s6  }
0x16: {  	s6 =	sor.u32 s6, s7  }
0x17: {  	s5 =	sadd.s32 $0x600, s5;
	s6 =	sshrl.u32 s6, $0x3  }
0x18: {  	s19 =	simm.s32 $0x80;
	s6 =	sadd.s32 s5, s6  }
0x19: {  	[tilespmem:s19], [sflag:$0x1] =	stream.linear.gather [hbm4b:s6+s4], $0x80, $0x38;
	[tilespmem:$0x3330] =	vst v63  }
0x1a: {  	s8 =	simm.s32 $0x480;
	s22 =	spop (v2sf);
	s20 =	sadd.s32 $0x80, s6  }
0x1b: {  	[tilespmem:s8], [sflag:$0x1] =	stream.linear.gather [hbm4b:s20+s4], $0x80, $0x38;
	[tilespmem:$0x3330] =	vst v63  }
0x1c: {  	s21 =	simm.s32 $0x880;
	s23 =	sshrl.u32 s22, $0x3;
	s6 =	sadd.s32 $0x100, s6  }
0x1d: {  	[tilespmem:s21], [sflag:$0x1] =	stream.linear.gather [hbm4b:s6+s4], $0x80, $0x38;
	[tilespmem:$0x3330] =	vst v63  }
0x1e: {  	s7 =	smul.u32 $0xC00, s23;
	s6 =	sshll.u32 s22, $0x7  }
0x1f: {  	(v2sf) =	vpush v0, $0x3;
	s6 =	sand.u32 $0x380, s6  }
0x20: {  	s6 =	sor.u32 s6, s7  }
0x21: {  	s6 =	sshrl.u32 s6, $0x3  }
0x22: {  	s24 =	simm.s32 $0x100;
	s6 =	sadd.s32 s5, s6  }
0x23: {  	[tilespmem:s24], [sflag:$0x1] =	stream.linear.gather [hbm4b:s6+s4], $0x80, $0x38;
	[tilespmem:$0x3330] =	vst v63  }
0x24: {  	s26 =	simm.s32 $0x500;
	s29 =	spop (v2sf);
	s25 =	sadd.s32 $0x80, s6  }
0x25: {  	[tilespmem:s26], [sflag:$0x1] =	stream.linear.gather [hbm4b:s25+s4], $0x80, $0x38;
	[tilespmem:$0x3330] =	vst v63  }
0x26: {  	s28 =	simm.s32 $0x900;
	s6 =	sadd.s32 $0x100, s6;
	s30 =	sshrl.u32 s29, $0x3  }
0x27: {  	[tilespmem:s28], [sflag:$0x1] =	stream.linear.gather [hbm4b:s6+s4], $0x80, $0x38;
	[tilespmem:$0x3330] =	vst v63  }
0x28: {  	s7 =	smul.u32 $0xC00, s30;
	s6 =	sshll.u32 s29, $0x7  }
0x29: {  	(v2sf) =	vpush v0, $0x4;
	s6 =	sand.u32 $0x380, s6  }
0x2a: {  	s6 =	sor.u32 s6, s7  }
0x2b: {  	s6 =	sshrl.u32 s6, $0x3  }
0x2c: {  	s31 =	simm.s32 $0x180;
	s6 =	sadd.s32 s5, s6  }
0x2d: {  	[tilespmem:s31], [sflag:$0x1] =	stream.linear.gather [hbm4b:s6+s4], $0x80, $0x38;
	[tilespmem:$0x3330] =	vst v63  }
0x2e: {  	s9 =	simm.s32 $0x580;
	s11 =	spop (v2sf);
	s8 =	sadd.s32 $0x80, s6  }
0x2f: {  	[tilespmem:s9], [sflag:$0x1] =	stream.linear.gather [hbm4b:s8+s4], $0x80, $0x38;
	[tilespmem:$0x3330] =	vst v63  }
0x30: {  	s10 =	simm.s32 $0x980;
	s12 =	sshrl.u32 s11, $0x3;
	s6 =	sadd.s32 $0x100, s6  }
0x31: {  	[tilespmem:s10], [sflag:$0x1] =	stream.linear.gather [hbm4b:s6+s4], $0x80, $0x38;
	[tilespmem:$0x3330] =	vst v63  }
0x32: {  	s7 =	smul.u32 $0xC00, s12;
	s6 =	sshll.u32 s11, $0x7  }
0x33: {  	(v2sf) =	vpush v0, $0x5;
	s6 =	sand.u32 $0x380, s6  }
0x34: {  	s6 =	sor.u32 s6, s7  }
0x35: {  	s6 =	sshrl.u32 s6, $0x3  }
0x36: {  	s13 =	simm.s32 $0x200;
	s6 =	sadd.s32 s5, s6  }
0x37: {  	[tilespmem:s13], [sflag:$0x1] =	stream.linear.gather [hbm4b:s6+s4], $0x80, $0x38;
	[tilespmem:$0x3330] =	vst v63  }
0x38: {  	s15 =	simm.s32 $0x600;
	s17 =	spop (v2sf);
	s14 =	sadd.s32 $0x80, s6  }
0x39: {  	[tilespmem:s15], [sflag:$0x1] =	stream.linear.gather [hbm4b:s14+s4], $0x80, $0x38;
	[tilespmem:$0x3330] =	vst v63  }
0x3a: {  	s16 =	simm.s32 $0xA00;
	s18 =	sshrl.u32 s17, $0x3;
	s6 =	sadd.s32 $0x100, s6  }
0x3b: {  	[tilespmem:s16], [sflag:$0x1] =	stream.linear.gather [hbm4b:s6+s4], $0x80, $0x38;
	[tilespmem:$0x3330] =	vst v63  }
0x3c: {  	s7 =	smul.u32 $0xC00, s18;
	s6 =	sshll.u32 s17, $0x7  }
0x3d: {  	(v2sf) =	vpush v0, $0x6;
	s6 =	sand.u32 $0x380, s6  }
0x3e: {  	s6 =	sor.u32 s6, s7  }
0x3f: {  	s6 =	sshrl.u32 s6, $0x3  }
0x40: {  	s19 =	simm.s32 $0x280;
	s6 =	sadd.s32 s5, s6  }
0x41: {  	[tilespmem:s19], [sflag:$0x1] =	stream.linear.gather [hbm4b:s6+s4], $0x80, $0x38;
	[tilespmem:$0x3330] =	vst v63  }
0x42: {  	s21 =	simm.s32 $0x680;
	s23 =	spop (v2sf);
	s20 =	sadd.s32 $0x80, s6  }
0x43: {  	[tilespmem:s21], [sflag:$0x1] =	stream.linear.gather [hbm4b:s20+s4], $0x80, $0x38;
	[tilespmem:$0x3330] =	vst v63  }
0x44: {  	s22 =	simm.s32 $0xA80;
	s24 =	sshrl.u32 s23, $0x3;
	s6 =	sadd.s32 $0x100, s6  }
0x45: {  	[tilespmem:s22], [sflag:$0x1] =	stream.linear.gather [hbm4b:s6+s4], $0x80, $0x38;
	[tilespmem:$0x3330] =	vst v63  }
0x46: {  	s7 =	smul.u32 $0xC00, s24;
	s6 =	sshll.u32 s23, $0x7  }
0x47: {  	(v2sf) =	vpush v0, $0x7;
	s6 =	sand.u32 $0x380, s6  }
0x48: {  	s6 =	sor.u32 s6, s7  }
0x49: {  	s6 =	sshrl.u32 s6, $0x3  }
0x4a: {  	s25 =	simm.s32 $0x300;
	s6 =	sadd.s32 s5, s6  }
0x4b: {  	[tilespmem:s25], [sflag:$0x1] =	stream.linear.gather [hbm4b:s6+s4], $0x80, $0x38;
	[tilespmem:$0x3330] =	vst v63  }
0x4c: {  	s28 =	simm.s32 $0x700;
	s30 =	spop (v2sf);
	s26 =	sadd.s32 $0x80, s6  }
0x4d: {  	[tilespmem:s28], [sflag:$0x1] =	stream.linear.gather [hbm4b:s26+s4], $0x80, $0x38;
	[tilespmem:$0x3330] =	vst v63  }
0x4e: {  	s29 =	simm.s32 $0xB00;
	s31 =	sshrl.u32 s30, $0x3;
	s6 =	sadd.s32 $0x100, s6  }
0x4f: {  	[tilespmem:s29], [sflag:$0x1] =	stream.linear.gather [hbm4b:s6+s4], $0x80, $0x38;
	[tilespmem:$0x3330] =	vst v63  }
0x50: {  	s7 =	smul.u32 $0xC00, s31;
	s6 =	sshll.u32 s30, $0x7  }
0x51: {  	(v2sf) =	vpush v0, $0x8;
	s6 =	sand.u32 $0x380, s6  }
0x52: {  	s6 =	sor.u32 s6, s7  }
0x53: {  	s6 =	sshrl.u32 s6, $0x3  }
0x54: {  	s8 =	simm.s32 $0x380;
	s6 =	sadd.s32 s5, s6  }
0x55: {  	[tilespmem:s8], [sflag:$0x1] =	stream.linear.gather [hbm4b:s6+s4], $0x80, $0x38;
	[tilespmem:$0x3330] =	vst v63  }
0x56: {  	s10 =	simm.s32 $0x780;
	s12 =	spop (v2sf);
	s9 =	sadd.s32 $0x80, s6  }
0x57: {  	[tilespmem:s10], [sflag:$0x1] =	stream.linear.gather [hbm4b:s9+s4], $0x80, $0x38;
	[tilespmem:$0x3330] =	vst v63  }
0x58: {  	s11 =	simm.s32 $0xB80;
	s13 =	sshrl.u32 s12, $0x3;
	s6 =	sadd.s32 $0x100, s6  }
0x59: {  	[tilespmem:s11], [sflag:$0x1] =	stream.linear.gather [hbm4b:s6+s4], $0x80, $0x38;
	[tilespmem:$0x3330] =	vst v63  }
0x5a: {  	s7 =	smul.u32 $0xC00, s13;
	s6 =	sshll.u32 s12, $0x7  }
0x5b: {  	(v2sf) =	vpush v0, $0x9;
	s6 =	sand.u32 $0x380, s6  }
0x5c: {  	s6 =	sor.u32 s6, s7  }
0x5d: {  	s6 =	sshrl.u32 s6, $0x3  }
0x5e: {  	s14 =	simm.s32 $0x400;
	s6 =	sadd.s32 s5, s6  }
0x5f: {  	[tilespmem:s14], [sflag:$0x1] =	stream.linear.gather [hbm4b:s6+s4], $0x80, $0x38;
	[tilespmem:$0x3330] =	vst v63  }
0x60: {  	s16 =	simm.s32 $0x800;
	s18 =	spop (v2sf);
	s15 =	sadd.s32 $0x80, s6  }
0x61: {  	[tilespmem:s16], [sflag:$0x1] =	stream.linear.gather [hbm4b:s15+s4], $0x80, $0x38;
	[tilespmem:$0x3330] =	vst v63  }
0x62: {  	s17 =	simm.s32 $0xC00;
	s19 =	sshrl.u32 s18, $0x3;
	s6 =	sadd.s32 $0x100, s6  }
0x63: {  	[tilespmem:s17], [sflag:$0x1] =	stream.linear.gather [hbm4b:s6+s4], $0x80, $0x38;
	[tilespmem:$0x3330] =	vst v63  }
0x64: {  	s7 =	smul.u32 $0xC00, s19;
	s6 =	sshll.u32 s18, $0x7  }
0x65: {  	(v2sf) =	vpush v0, $0xA;
	s6 =	sand.u32 $0x380, s6  }
0x66: {  	s6 =	sor.u32 s6, s7  }
0x67: {  	s6 =	sshrl.u32 s6, $0x3  }
0x68: {  	s20 =	simm.s32 $0xC80;
	s6 =	sadd.s32 s5, s6  }
0x69: {  	[tilespmem:s20], [sflag:$0x1] =	stream.linear.gather [hbm4b:s6+s4], $0x80, $0x38;
	[tilespmem:$0x3330] =	vst v63  }
0x6a: {  	s22 =	simm.s32 $0x1080;
	s24 =	spop (v2sf);
	s21 =	sadd.s32 $0x80, s6  }
0x6b: {  	[tilespmem:s22], [sflag:$0x1] =	stream.linear.gather [hbm4b:s21+s4], $0x80, $0x38;
	[tilespmem:$0x3330] =	vst v63  }
0x6c: {  	s23 =	simm.s32 $0x1480;
	s25 =	sshrl.u32 s24, $0x3;
	s6 =	sadd.s32 $0x100, s6  }
0x6d: {  	[tilespmem:s23], [sflag:$0x1] =	stream.linear.gather [hbm4b:s6+s4], $0x80, $0x38;
	[tilespmem:$0x3330] =	vst v63  }
0x6e: {  	s7 =	smul.u32 $0xC00, s25;
	s6 =	sshll.u32 s24, $0x7  }
0x6f: {  	(v2sf) =	vpush v0, $0xB;
	s6 =	sand.u32 $0x380, s6  }
0x70: {  	s6 =	sor.u32 s6, s7  }
0x71: {  	s6 =	sshrl.u32 s6, $0x3  }
0x72: {  	s26 =	simm.s32 $0xD00;
	s6 =	sadd.s32 s5, s6  }
0x73: {  	[tilespmem:s26], [sflag:$0x1] =	stream.linear.gather [hbm4b:s6+s4], $0x80, $0x38;
	[tilespmem:$0x3330] =	vst v63  }
0x74: {  	s29 =	simm.s32 $0x1100;
	s31 =	spop (v2sf);
	s28 =	sadd.s32 $0x80, s6  }
0x75: {  	[tilespmem:s29], [sflag:$0x1] =	stream.linear.gather [hbm4b:s28+s4], $0x80, $0x38;
	[tilespmem:$0x3330] =	vst v63  }
0x76: {  	s30 =	simm.s32 $0x1500;
	s8 =	sshrl.u32 s31, $0x3;
	s6 =	sadd.s32 $0x100, s6  }
0x77: {  	[tilespmem:s30], [sflag:$0x1] =	stream.linear.gather [hbm4b:s6+s4], $0x80, $0x38;
	[tilespmem:$0x3330] =	vst v63  }
0x78: {  	s7 =	smul.u32 $0xC00, s8;
	s6 =	sshll.u32 s31, $0x7  }
0x79: {  	(v2sf) =	vpush v0, $0xC;
	s6 =	sand.u32 $0x380, s6  }
0x7a: {  	s6 =	sor.u32 s6, s7  }
0x7b: {  	s6 =	sshrl.u32 s6, $0x3  }
0x7c: {  	s9 =	simm.s32 $0xD80;
	s6 =	sadd.s32 s5, s6  }
0x7d: {  	[tilespmem:s9], [sflag:$0x1] =	stream.linear.gather [hbm4b:s6+s4], $0x80, $0x38;
	[tilespmem:$0x3330] =	vst v63  }
0x7e: {  	s11 =	simm.s32 $0x1180;
	s13 =	spop (v2sf);
	s10 =	sadd.s32 $0x80, s6  }
0x7f: {  	[tilespmem:s11], [sflag:$0x1] =	stream.linear.gather [hbm4b:s10+s4], $0x80, $0x38;
	[tilespmem:$0x3330] =	vst v63  }
0x80: {  	s12 =	simm.s32 $0x1580;
	s14 =	sshrl.u32 s13, $0x3;
	s6 =	sadd.s32 $0x100, s6  }
0x81: {  	[tilespmem:s12], [sflag:$0x1] =	stream.linear.gather [hbm4b:s6+s4], $0x80, $0x38;
	[tilespmem:$0x3330] =	vst v63  }
0x82: {  	s7 =	smul.u32 $0xC00, s14;
	s6 =	sshll.u32 s13, $0x7  }
0x83: {  	(v2sf) =	vpush v0, $0xD;
	s6 =	sand.u32 $0x380, s6  }
0x84: {  	s6 =	sor.u32 s6, s7  }
0x85: {  	s6 =	sshrl.u32 s6, $0x3  }
0x86: {  	s15 =	simm.s32 $0xE00;
	s6 =	sadd.s32 s5, s6  }
0x87: {  	[tilespmem:s15], [sflag:$0x1] =	stream.linear.gather [hbm4b:s6+s4], $0x80, $0x38;
	[tilespmem:$0x3330] =	vst v63  }
0x88: {  	s17 =	simm.s32 $0x1200;
	s19 =	spop (v2sf);
	s16 =	sadd.s32 $0x80, s6  }
0x89: {  	[tilespmem:s17], [sflag:$0x1] =	stream.linear.gather [hbm4b:s16+s4], $0x80, $0x38;
	[tilespmem:$0x3330] =	vst v63  }
0x8a: {  	s18 =	simm.s32 $0x1600;
	s20 =	sshrl.u32 s19, $0x3;
	s6 =	sadd.s32 $0x100, s6  }
0x8b: {  	[tilespmem:s18], [sflag:$0x1] =	stream.linear.gather [hbm4b:s6+s4], $0x80, $0x38;
	[tilespmem:$0x3330] =	vst v63  }
0x8c: {  	s7 =	smul.u32 $0xC00, s20;
	s6 =	sshll.u32 s19, $0x7  }
0x8d: {  	(v2sf) =	vpush v0, $0xE;
	s6 =	sand.u32 $0x380, s6  }
0x8e: {  	s6 =	sor.u32 s6, s7  }
0x8f: {  	s6 =	sshrl.u32 s6, $0x3  }
0x90: {  	s21 =	simm.s32 $0xE80;
	s6 =	sadd.s32 s5, s6  }
0x91: {  	[tilespmem:s21], [sflag:$0x1] =	stream.linear.gather [hbm4b:s6+s4], $0x80, $0x38;
	[tilespmem:$0x3330] =	vst v63  }
0x92: {  	s23 =	simm.s32 $0x1280;
	s25 =	spop (v2sf);
	s22 =	sadd.s32 $0x80, s6  }
0x93: {  	[tilespmem:s23], [sflag:$0x1] =	stream.linear.gather [hbm4b:s22+s4], $0x80, $0x38;
	[tilespmem:$0x3330] =	vst v63  }
0x94: {  	s24 =	simm.s32 $0x1680;
	s26 =	sshrl.u32 s25, $0x3;
	s6 =	sadd.s32 $0x100, s6  }
0x95: {  	[tilespmem:s24], [sflag:$0x1] =	stream.linear.gather [hbm4b:s6+s4], $0x80, $0x38;
	[tilespmem:$0x3330] =	vst v63  }
0x96: {  	s7 =	smul.u32 $0xC00, s26;
	s6 =	sshll.u32 s25, $0x7  }
0x97: {  	(v2sf) =	vpush v0, $0xF;
	s6 =	sand.u32 $0x380, s6  }
0x98: {  	s6 =	sor.u32 s6, s7  }
0x99: {  	s6 =	sshrl.u32 s6, $0x3  }
0x9a: {  	s28 =	simm.s32 $0xF00;
	s6 =	sadd.s32 s5, s6  }
0x9b: {  	[tilespmem:s28], [sflag:$0x1] =	stream.linear.gather [hbm4b:s6+s4], $0x80, $0x38;
	[tilespmem:$0x3330] =	vst v63  }
0x9c: {  	s30 =	simm.s32 $0x1300;
	s31 =	spop (v2sf);
	s29 =	sadd.s32 $0x80, s6  }
0x9d: {  	[tilespmem:s30], [sflag:$0x1] =	stream.linear.gather [hbm4b:s29+s4], $0x80, $0x38;
	[tilespmem:$0x3330] =	vst v63  }
0x9e: {  	s9 =	simm.s32 $0x1700;
	s10 =	sshrl.u32 s31, $0x3;
	s6 =	sadd.s32 $0x100, s6  }
0x9f: {  	[tilespmem:s9], [sflag:$0x1] =	stream.linear.gather [hbm4b:s6+s4], $0x80, $0x38;
	[tilespmem:$0x3330] =	vst v63  }
0xa0: {  	s7 =	sshll.u32 s31, $0x7;
	s6 =	smul.u32 $0xC00, s10  }
0xa1: {  	s7 =	sand.u32 $0x380, s7  }
0xa2: {  	s6 =	sor.u32 s7, s6  }
0xa3: {  	s6 =	sshrl.u32 s6, $0x3  }
0xa4: {  	s11 =	simm.s32 $0xF80;
	s6 =	sadd.s32 s5, s6  }
0xa5: {  	[tilespmem:s11], [sflag:$0x1] =	stream.linear.gather [hbm4b:s6+s4], $0x80, $0x38;
	[tilespmem:$0x3330] =	vst v63  }
0xa6: {  	s13 =	simm.s32 $0x1380;
	s15 =	spop (v2sf);
	s12 =	sadd.s32 $0x80, s6  }
0xa7: {  	[tilespmem:s13], [sflag:$0x1] =	stream.linear.gather [hbm4b:s12+s4], $0x80, $0x38;
	[tilespmem:$0x3330] =	vst v63  }
0xa8: {  	s14 =	simm.s32 $0x1780;
	s16 =	sshrl.u32 s15, $0x3;
	s6 =	sadd.s32 $0x100, s6  }
0xa9: {  	[tilespmem:s14], [sflag:$0x1] =	stream.linear.gather [hbm4b:s6+s4], $0x80, $0x38;
	[tilespmem:$0x3330] =	vst v63  }
0xaa: {  	s7 =	smul.u32 $0xC00, s16;
	s6 =	sshll.u32 s15, $0x7  }
0xab: {  	s6 =	sand.u32 $0x380, s6  }
0xac: {  	s6 =	sor.u32 s6, s7  }
0xad: {  	s6 =	sshrl.u32 s6, $0x3  }
0xae: {  	s17 =	simm.s32 $0x1000;
	s5 =	sadd.s32 s5, s6  }
0xaf: {  	[tilespmem:s17], [sflag:$0x1] =	stream.linear.gather [hbm4b:s5+s4], $0x80, $0x38;
	[tilespmem:$0x3330] =	vst v63  }
0xb0: {  	s19 =	simm.s32 $0x1400;
	s18 =	sadd.s32 $0x80, s5  }
0xb1: {  	[tilespmem:s19], [sflag:$0x1] =	stream.linear.gather [hbm4b:s18+s4], $0x80, $0x38;
	[tilespmem:$0x3330] =	vst v63  }
0xb2: {  	s20 =	simm.s32 $0x1800;
	s21 =	simm.s32 $0x1;
	s5 =	sadd.s32 $0x100, s5  }
0xb3: {  	[tilespmem:s20], [sflag:$0x1] =	stream.linear.gather [hbm4b:s5+s4], $0x80, $0x38;
	[tilespmem:$0x3330] =	vst v63  }
0xb4: {  	_ =	swait.ge [sflag:s21], $0x180  }
0xb5: {  	[sflag:s21] =	ssyncset.done $0x0  }
0xb6: {  	[sflag:s21] =	ssyncadd.s32 $0xFFFFFE80  }
0xb7: {  	_ =	swait.ge [sflag:s21], $0x180  }
0xb8: {  	[sflag:s21] =	ssyncset.done $0x0  }
0xb9: {  	[sflag:s21] =	ssyncadd.s32 $0xFFFFFE80  }
0xba: {  	_ =	swait.ge [sflag:s21], $0x180  }
0xbb: {  	[sflag:s21] =	ssyncset.done $0x0  }
0xbc: {  	[sflag:s21] =	ssyncadd.s32 $0xFFFFFE80  }
0xbd: {  	_ =	swait.ge [sflag:s21], $0x180  }
0xbe: {  	[sflag:s21] =	ssyncset.done $0x0  }
0xbf: {  	[sflag:s21] =	ssyncadd.s32 $0xFFFFFE80  }
0xc0: {  	_ =	swait.ge [sflag:s21], $0x180  }
0xc1: {  	[sflag:s21] =	ssyncset.done $0x0  }
0xc2: {  	[sflag:s21] =	ssyncadd.s32 $0xFFFFFE80  }
0xc3: {  	_ =	swait.ge [sflag:s21], $0x180  }
0xc4: {  	[sflag:s21] =	ssyncset.done $0x0  }
0xc5: {  	[sflag:s21] =	ssyncadd.s32 $0xFFFFFE80  }
0xc6: {  	_ =	swait.ge [sflag:s21], $0x180  }
0xc7: {  	[sflag:s21] =	ssyncset.done $0x0  }
0xc8: {  	[sflag:s21] =	ssyncadd.s32 $0xFFFFFE80  }
0xc9: {  	_ =	swait.ge [sflag:s21], $0x180  }
0xca: {  	[sflag:s21] =	ssyncset.done $0x0  }
0xcb: {  	[sflag:s21] =	ssyncadd.s32 $0xFFFFFE80  }
0xcc: {  	_ =	swait.ge [sflag:s21], $0x180  }
0xcd: {  	[sflag:s21] =	ssyncset.done $0x0  }
0xce: {  	[sflag:s21] =	ssyncadd.s32 $0xFFFFFE80  }
0xcf: {  	_ =	swait.ge [sflag:s21], $0x180  }
0xd0: {  	[sflag:s21] =	ssyncset.done $0x0  }
0xd1: {  	[sflag:s21] =	ssyncadd.s32 $0xFFFFFE80  }
0xd2: {  	_ =	swait.ge [sflag:s21], $0x180  }
0xd3: {  	[sflag:s21] =	ssyncset.done $0x0  }
0xd4: {  	[sflag:s21] =	ssyncadd.s32 $0xFFFFFE80  }
0xd5: {  	_ =	swait.ge [sflag:s21], $0x180  }
0xd6: {  	[sflag:s21] =	ssyncset.done $0x0  }
0xd7: {  	[sflag:s21] =	ssyncadd.s32 $0xFFFFFE80  }
0xd8: {  	_ =	swait.ge [sflag:s21], $0x180  }
0xd9: {  	[sflag:s21] =	ssyncset.done $0x0  }
0xda: {  	[sflag:s21] =	ssyncadd.s32 $0xFFFFFE80  }
0xdb: {  	_ =	swait.ge [sflag:s21], $0x180  }
0xdc: {  	[sflag:s21] =	ssyncset.done $0x0  }
0xdd: {  	[sflag:s21] =	ssyncadd.s32 $0xFFFFFE80  }
0xde: {  	_ =	swait.ge [sflag:s21], $0x180  }
0xdf: {  	s22 =	simm.s32 $0x0;
	[sflag:s21] =	ssyncset.done $0x0  }
0xe0: {  	s6 =	smul.u32 $0x3000, s22;
	[sflag:s21] =	ssyncadd.s32 $0xFFFFFE80  }
0xe1: {  	v1 =	vimm.s32 $0xBA987654;
	v0 =	vimm.s32 $0x3210FEDC;
	_ =	swait.ge [sflag:s21], $0x180  }
0xe2: {  	v1 =	vunpack.c.l.s4.s8 v1;
	v0 =	vunpack.c.l.s4.s8 v0;
	s23 =	sand.u32 $0x380, s4;
	s6 =	sshra.s32 s6, $0x2;
	[sflag:s21] =	ssyncset.done $0x0  }
0xe3: {  	s4 =	sor.u32 s23, s6;
	[sflag:s21] =	ssyncadd.s32 $0xFFFFFE80  }
0xe4: {  	v2 =	vunpack.c.0.s8.s32 v1;
	v0 =	vunpack.c.0.s8.s32 v0;
	v28 =	vld [tilespmem:s4+$0x890]  }
0xe5: {  	v31 =	vld [tilespmem:s4+$0x80]  }
0xe6: {  	vm0 =	vcmask $0xF00;
	v1 =	vimm.s32 $0x3F800000;
	v3 =	vcombine.low v2, v0;
	v4 =	vld.msk [tilespmem:s4+$0x8A0], $0xfff  }
0xe7: {  	v1 =	vsel vm0, $0x0, v1;
	v27 =	vld [tilespmem:s4+$0x90]  }
0xe8: {  	v17 =	vperm.xlane v1, v3  }
0xe9: {  	v30 =	vld [tilespmem:s4+$0xA0]  }
0xea: {  	v34 =	vmul.f32 v17, v28  }
0xeb: {  	v5 =	vmul.f32 v31, v31;
	v35 =	vmul.f32 v17, v4  }
0xec: {  	v1 =	vand.u32 $0xF, v3;
	v32 =	vld [tilespmem:s4+$0xB0];
	v3 =	vmul.f32 v27, v27;
	v4 =	vmul.f32 v34, v34  }
0xed: {  	v36 =	vld [tilespmem:s4+$0xC0];
	v5 =	vperm.xlane v5, v1;
	v6 =	vmul.f32 v35, v35  }
0xee: {  	v7 =	vmul.f32 v30, v30  }
0xef: {  	v33 =	vld [tilespmem:s4+$0xD0];
	v3 =	vperm.xlane v3, v1;
	v4 =	vadd.f32 v5, v4;
	v5 =	vadd.f32 v5, v6  }
0xf0: {  	v7 =	vperm.xlane v7, v1  }
0xf1: {  	v38 =	vld [tilespmem:s4+$0xE0];
	v6 =	vmul.f32 v32, v32;
	v4 =	vadd.f32 v3, v4;
	v3 =	vadd.f32 v3, v5  }
0xf2: {  	v5 =	vmul.f32 v36, v36  }
0xf3: {  	v39 =	vld [tilespmem:s4+$0xF0];
	v6 =	vperm.xlane v6, v1;
	v4 =	vadd.f32 v7, v4;
	v3 =	vadd.f32 v7, v3  }
0xf4: {  	v7 =	vmul.f32 v33, v33  }
0xf5: {  	v40 =	vld [tilespmem:s4+$0x480];
	v5 =	vperm.xlane v5, v1;
	v4 =	vadd.f32 v6, v4;
	v3 =	vadd.f32 v6, v3  }
0xf6: {  	v6 =	vmul.f32 v38, v38  }
0xf7: {  	v41 =	vld [tilespmem:s4+$0x490];
	v7 =	vperm.xlane v7, v1;
	v4 =	vadd.f32 v5, v4;
	v3 =	vadd.f32 v5, v3  }
0xf8: {  	v5 =	vmul.f32 v39, v39  }
0xf9: {  	v43 =	vld [tilespmem:s4+$0x4A0];
	v6 =	vperm.xlane v6, v1;
	v4 =	vadd.f32 v7, v4;
	v3 =	vadd.f32 v7, v3  }
0xfa: {  	v7 =	vmul.f32 v40, v40  }
0xfb: {  	v42 =	vld [tilespmem:s4+$0x4B0];
	v5 =	vperm.xlane v5, v1;
	v4 =	vadd.f32 v6, v4;
	v3 =	vadd.f32 v6, v3  }
0xfc: {  	v6 =	vmul.f32 v41, v41  }
0xfd: {  	v45 =	vld [tilespmem:s4+$0x4C0];
	v7 =	vperm.xlane v7, v1;
	v4 =	vadd.f32 v5, v4;
	v3 =	vadd.f32 v5, v3  }
0xfe: {  	v5 =	vmul.f32 v43, v43  }
0xff: {  	v47 =	vld [tilespmem:s4+$0x4D0];
	v6 =	vperm.xlane v6, v1;
	v4 =	vadd.f32 v7, v4;
	v3 =	vadd.f32 v7, v3  }
0x100: {  	v7 =	vmul.f32 v42, v42  }
0x101: {  	v5 =	vperm.xlane v5, v1;
	v4 =	vadd.f32 v6, v4;
	v3 =	vadd.f32 v6, v3  }
0x102: {  	v48 =	vld [tilespmem:s4+$0x4E0];
	v6 =	vmul.f32 v45, v45  }
0x103: {  	v49 =	vld [tilespmem:s4+$0x4F0];
	v7 =	vperm.xlane v7, v1;
	v4 =	vadd.f32 v5, v4;
	v3 =	vadd.f32 v5, v3  }
0x104: {  	v5 =	vmul.f32 v47, v47  }
0x105: {  	v19 =	vld [tilespmem:s4+$0x880];
	v6 =	vperm.xlane v6, v1;
	v4 =	vadd.f32 v7, v4;
	v3 =	vadd.f32 v7, v3  }
0x106: {  	v5 =	vperm.xlane v5, v1  }
0x107: {  	v7 =	vmul.f32 v48, v48;
	v4 =	vadd.f32 v6, v4;
	v3 =	vadd.f32 v6, v3  }
0x108: {  	v6 =	vmul.f32 v49, v49  }
0x109: {  	v7 =	vperm.xlane v7, v1;
	v4 =	vadd.f32 v5, v4;
	v3 =	vadd.f32 v5, v3  }
0x10a: {  	s24 =	simm.s32 $0x0;
	v5 =	vmul.f32 v19, v19  }
0x10b: {  	s4 =	smul.u32 $0x3000, s24;
	v6 =	vperm.xlane v6, v1;
	v4 =	vadd.f32 v7, v4;
	v3 =	vadd.f32 v7, v3  }
0x10c: {  	s25 =	simm.s32 $0x80;
	v7 =	vmul.f32 v28, v28  }
0x10d: {  	s5 =	sand.u32 $0x380, s25;
	s4 =	sshra.s32 s4, $0x2;
	v5 =	vperm.xlane v5, v1;
	v4 =	vadd.f32 v6, v4;
	v3 =	vadd.f32 v6, v3  }
0x10e: {  	s4 =	sor.u32 s5, s4;
	v6 =	vimm.s32 $0x7654BA98  }
0x10f: {  	v15 =	vld [tilespmem:s4+$0x890];
	v7 =	vperm.xlane v7, v1;
	v4 =	vadd.f32 v5, v4;
	v3 =	vadd.f32 v5, v3  }
0x110: {  	v12 =	vld [tilespmem:s4+$0x4E0];
	v5 =	vunpack.c.l.s4.s8 v6;
	v6 =	vimm.s32 $0xFEDC3210  }
0x111: {  	v13 =	vld [tilespmem:s4+$0x4D0];
	v6 =	vunpack.c.l.s4.s8 v6;
	v4 =	vadd.f32 v7, v4;
	v3 =	vadd.f32 v7, v3  }
0x112: {  	vm1 =	vcmask $0x1F30;
	v5 =	vunpack.c.0.s8.s32 v5  }
0x113: {  	v6 =	vunpack.c.0.s8.s32 v6;
	v7 =	vperm.xlane v4, v1;
	v8 =	vperm.xlane v3, v1  }
0x114: {  	vm2 =	vcmask $0xF20;
	v0 =	vcombine.low v0, v2;
	v14 =	vld [tilespmem:s4+$0x490];
	v2 =	vmul.f32 v15, v15  }
0x115: {  	v21 =	vmul.f32 v12, v12;
	v5 =	vcombine.low v6, v5;
	v6 =	vsel vm1, v8, v7  }
0x116: {  	v16 =	vld [tilespmem:s4+$0x90];
	v23 =	vmul.f32 v13, v13;
	v7 =	vimm.s32 $0x98BA5476;
	v6 =	vperm.xlane v6, v1  }
0x117: {  	v8 =	vimm.s32 $0xAB896745;
	v53 =	vand.u32 $0xF, v5;
	v5 =	vunpack.c.l.s4.s8 v7  }
0x118: {  	v7 =	vimm.s32 $0x1032DCFE;
	v4 =	vadd.f32 v6, v4;
	v3 =	vadd.f32 v6, v3  }
0x119: {  	v58 =	vld [tilespmem:s4+$0xB0];
	v24 =	vmul.f32 v14, v14;
	v6 =	vunpack.c.l.s4.s8 v7;
	v7 =	vunpack.c.l.s4.s8 v8  }
0x11a: {  	v11 =	vld [tilespmem:s4+$0x880];
	v8 =	vimm.s32 $0x2301EFCD;
	v9 =	vperm.xlane v4, v53;
	v10 =	vperm.xlane v3, v53  }
0x11b: {  	v56 =	vmul.f32 v16, v16;
	[tilespmem:$0x1FEE0] =	vst v15;
	v15 =	vmul.f32 v17, v15;
	v8 =	vunpack.c.l.s4.s8 v8  }
0x11c: {  	v5 =	vunpack.c.0.s8.s32 v5;
	v6 =	vunpack.c.0.s8.s32 v6;
	v9 =	vsel vm2, v10, v9  }
0x11d: {  	v7 =	vunpack.c.0.s8.s32 v7;
	v8 =	vunpack.c.0.s8.s32 v8;
	v9 =	vperm.xlane v9, v1  }
0x11e: {  	v62 =	vmul.f32 v58, v58;
	v10 =	vld [tilespmem:s4+$0x4B0];
	v5 =	vcombine.low v6, v5  }
0x11f: {  	[tilespmem:$0x1FE70] =	vst v11;
	v6 =	vcombine.low v8, v7;
	v7 =	vld.msk [tilespmem:s4+$0x8A0], $0xfff;
	v4 =	vadd.f32 v9, v4;
	v3 =	vadd.f32 v9, v3  }
0x120: {  	[tilespmem:$0x1FEB0] =	vst v13;
	v13 =	vperm.xlane v56, v1;
	v9 =	vand.u32 $0xF, v5;
	v5 =	vmul.f32 v11, v11;
	v11 =	vld [tilespmem:s4+$0x80]  }
0x121: {  	[tilespmem:$0x1FE80] =	vst v9;
	v8 =	vperm.xlane v4, v9;
	v9 =	vperm.xlane v3, v9  }
0x122: {  	vm0 =	vmmov $0xf;
	[tilespmem:$0x1FF00] =	vst v17;
	v26 =	vperm.xlane v62, v1;
	v24 =	vperm.xlane v24, v1  }
0x123: {  	v23 =	vperm.xlane v23, v1;
	[tilespmem:$0x1FEA0] =	vst v10;
	v22 =	vmul.f32 v10, v10;
	v10 =	vld [tilespmem:s4+$0xC0];
	v8 =	vsel vm0, v8, v9  }
0x124: {  	[tilespmem:$0x1FED0] =	vst v16;
	v21 =	vperm.xlane v21, v1;
	v9 =	vld [tilespmem:s4+$0xD0];
	v8 =	vperm.xlane v8, v1  }
0x125: {  	v16 =	vmul.f32 v17, v7;
	v17 =	vand.u32 $0xF, v6;
	[tilespmem:$0x1FEF0] =	vst v11;
	v57 =	vmul.f32 v11, v11;
	v11 =	vld [tilespmem:s4+$0xA0]  }
0x126: {  	v6 =	vmul.f32 v15, v15;
	v4 =	vadd.f32 v8, v4;
	v3 =	vadd.f32 v8, v3  }
0x127: {  	v60 =	vmul.f32 v16, v16;
	v7 =	vperm.xlane v57, v1  }
0x128: {  	v8 =	vperm.xlane v4, v17;
	v59 =	vperm.xlane v3, v17  }
0x129: {  	[tilespmem:$0x1FF70] =	vst v10;
	v18 =	vmul.f32 v10, v10;
	v10 =	vld [tilespmem:s4+$0xE0];
	v20 =	vmul.f32 v9, v9;
	v6 =	vadd.f32 v7, v6  }
0x12a: {  	[tilespmem:$0x1FF40] =	vst v9;
	v7 =	vadd.f32 v7, v60;
	v9 =	vld [tilespmem:s4+$0x4A0];
	v61 =	vmul.f32 v11, v11;
	v8 =	vsel vm0, v8, v59  }
0x12b: {  	v29 =	vperm.xlane v18, v1;
	v8 =	vperm.xlane v8, v1  }
0x12c: {  	v6 =	vadd.f32 v13, v6;
	v7 =	vadd.f32 v13, v7;
	v25 =	vperm.xlane v61, v1  }
0x12d: {  	v20 =	vperm.xlane v20, v1;
	v4 =	vadd.f32 v8, v4;
	v3 =	vadd.f32 v8, v3  }
0x12e: {  	[tilespmem:$0x1FF50] =	vst v11;
	v11 =	vld [tilespmem:s4+$0xF0];
	v50 =	vmul.f32 v10, v10;
	v6 =	vadd.f32 v25, v6;
	v7 =	vadd.f32 v25, v7  }
0x12f: {  	[tilespmem:$0x1FE90] =	vst v12;
	v12 =	vmul.f32 v9, v9;
	v8 =	vshrl.u32 v4, $0x1;
	v25 =	vmul.f32 $5.000000000e-01, v4  }
0x130: {  	v18 =	vshrl.u32 v3, $0x1;
	v37 =	vmul.f32 $5.000000000e-01, v3;
	v6 =	vadd.f32 v26, v6  }
0x131: {  	[tilespmem:$0x1FF80] =	vst v10;
	v10 =	vld [tilespmem:s4+$0x480];
	v7 =	vadd.f32 v26, v7;
	v8 =	vsub.s32 $0x5F3759DF, v8;
	v44 =	vsub.s32 $0x5F3759DF, v18  }
0x132: {  	v46 =	vmul.f32 v8, v25;
	v51 =	vmul.f32 v44, v37  }
0x133: {  	v63 =	vmul.f32 v11, v11;
	v6 =	vadd.f32 v29, v6;
	v7 =	vadd.f32 v29, v7  }
0x134: {  	v26 =	vmul.f32 v8, v46;
	v51 =	vmul.f32 v44, v51  }
0x135: {  	v29 =	vperm.xlane v50, v1;
	v6 =	vadd.f32 v20, v6;
	v7 =	vadd.f32 v20, v7  }
0x136: {  	v52 =	vmul.f32 v10, v10;
	v26 =	vsub.f32 $1.500000000e+00, v26;
	v51 =	vsub.f32 $1.500000000e+00, v51  }
0x137: {  	v46 =	vperm.xlane v63, v1;
	v6 =	vadd.f32 v29, v6;
	v7 =	vadd.f32 v29, v7  }
0x138: {  	v8 =	vmul.f32 v8, v26;
	v26 =	vmul.f32 v44, v51  }
0x139: {  	[tilespmem:$0x1FFA0] =	vst v9;
	v9 =	vld [tilespmem:s4+$0x4C0];
	v29 =	vperm.xlane v52, v1;
	v6 =	vadd.f32 v46, v6;
	v7 =	vadd.f32 v46, v7  }
0x13a: {  	v13 =	vmul.f32 v8, v25;
	v51 =	vmul.f32 v26, v37  }
0x13b: {  	v2 =	vperm.xlane v2, v1;
	v6 =	vadd.f32 v29, v6;
	v7 =	vadd.f32 v29, v7  }
0x13c: {  	[tilespmem:$0x1FEC0] =	vst v14;
	v44 =	vmul.f32 v13, v8;
	v14 =	vmul.f32 v51, v26  }
0x13d: {  	v29 =	vperm.xlane v12, v1;
	v6 =	vadd.f32 v24, v6;
	v7 =	vadd.f32 v24, v7  }
0x13e: {  	[tilespmem:$0x1FF10] =	vst v15;
	v15 =	vmul.f32 v9, v9;
	v44 =	vsub.f32 $1.500000000e+00, v44;
	v46 =	vsub.f32 $1.500000000e+00, v14  }
0x13f: {  	v24 =	vperm.xlane v22, v1;
	v6 =	vadd.f32 v29, v6;
	v7 =	vadd.f32 v29, v7  }
0x140: {  	[tilespmem:$0x1FFC0] =	vst v9;
	v9 =	vld [tilespmem:s4+$0x4F0];
	v8 =	vmul.f32 v44, v8;
	v26 =	vmul.f32 v46, v26  }
0x141: {  	v29 =	vperm.xlane v15, v1;
	v6 =	vadd.f32 v24, v6;
	v7 =	vadd.f32 v24, v7  }
0x142: {  	v25 =	vmul.f32 v8, v25;
	v37 =	vmul.f32 v26, v37  }
0x143: {  	v5 =	vperm.xlane v5, v1;
	v6 =	vadd.f32 v29, v6;
	v7 =	vadd.f32 v29, v7  }
0x144: {  	v24 =	vmul.f32 v25, v8;
	v25 =	vmul.f32 v37, v26  }
0x145: {  	v29 =	vmul.f32 v9, v9;
	v6 =	vadd.f32 v23, v6;
	v7 =	vadd.f32 v23, v7  }
0x146: {  	vm3 =	vgt.f32 v4, $1.000000000e+00;
	s4 =	sshll.u32 s2, $0x4;
	v24 =	vsub.f32 $1.500000000e+00, v24;
	v25 =	vsub.f32 $1.500000000e+00, v25  }
0x147: {  	[tilespmem:$0x1FFB0] =	vst v10;
	v10 =	vimm.f32 $4.999999890e-03;
	s26 =	sadd.s32 $0x0, s4;
	v23 =	vperm.xlane v29, v1;
	v6 =	vadd.f32 v21, v6  }
0x148: {  	p0 =	slt.s32 s26, $0xC8;
	v7 =	vadd.f32 v21, v7;
	v8 =	vmul.f32 v24, v8;
	v24 =	vmul.f32 v25, v26  }
0x149: {  	vm4 =	vgt.f32 v3, $1.000000000e+00;
	v51 =	vpsel !p0, $0x0, v10;
	v3 =	vadd.f32 v23, v6  }
0x14a: {  	v7 =	vadd.f32 v23, v7;
	v4 =	vnsel vm3, $0x3F800000, v8;
	v6 =	vnsel vm4, $0x3F800000, v24  }
0x14b: {  	v4 =	vmul.f32 v4, v51;
	v6 =	vmul.f32 v6, v51  }
0x14c: {  	v8 =	vand.u32 $0xF, v0;
	v0 =	vadd.f32 v5, v3;
	v3 =	vadd.f32 v5, v7  }
0x14d: {  	v5 =	vperm.xlane v4, v8;
	v7 =	vperm.xlane v6, v8  }
0x14e: {  	v0 =	vadd.f32 v2, v0;
	v2 =	vadd.f32 v2, v3;
	v4 =	vmul.f32 v4, v34  }
0x14f: {  	v46 =	vimm.f32 $0.0e+00;
	v6 =	vmul.f32 v6, v35;
	v44 =	vsel vm0, v5, v7  }
0x150: {  	v34 =	vadd.f32 v4, v46;
	v4 =	vperm.xlane v0, v1;
	v7 =	vperm.xlane v2, v1  }
0x151: {  	v3 =	vmul.f32 v44, v31;
	v5 =	vmul.f32 v44, v28  }
0x152: {  	s28 =	simm.s32 $0x0;
	[tilespmem:$0x1FFE0] =	vst v8;
	v35 =	vadd.f32 v6, v46;
	v6 =	vmul.f32 v44, v27;
	v8 =	vmul.f32 v44, v30  }
0x153: {  	v55 =	vimm.f32 $0.0e+00;
	s5 =	smul.u32 $0x3000, s28;
	v23 =	vmul.f32 v44, v36;
	v26 =	vmul.f32 v44, v39  }
0x154: {  	v54 =	vimm.f32 $0.0e+00;
	s8 =	simm.s32 $0x100;
	v25 =	vmul.f32 v44, v43;
	v29 =	vmul.f32 v44, v42  }
0x155: {  	s29 =	sand.u32 $0x380, s8;
	s5 =	sshra.s32 s5, $0x2;
	v51 =	vimm.f32 $0.0e+00;
	v24 =	vmul.f32 v44, v45;
	v21 =	vmul.f32 v44, v47  }
0x156: {  	s9 =	sor.u32 s29, s5;
	v62 =	vmul.f32 v44, v48;
	v59 =	vmul.f32 v44, v49;
	v4 =	vsel vm1, v7, v4  }
0x157: {  	[tilespmem:$0x1FF60] =	vst v58;
	v58 =	vld [tilespmem:s9+$0xE0];
	v49 =	vimm.f32 $0.0e+00;
	v48 =	vimm.f32 $0.0e+00;
	v4 =	vperm.xlane v4, v1  }
0x158: {  	v30 =	vld [tilespmem:s9+$0x880];
	v47 =	vimm.f32 $0.0e+00;
	v36 =	vadd.f32 v5, v46;
	v37 =	vadd.f32 v3, v46  }
0x159: {  	v31 =	vld [tilespmem:s9+$0x890];
	v7 =	vmul.f32 v44, v32;
	v52 =	vadd.f32 v4, v0;
	v4 =	vadd.f32 v4, v2  }
0x15a: {  	v27 =	vld [tilespmem:s9+$0x4E0];
	v3 =	vmul.f32 v44, v38;
	v38 =	vadd.f32 v6, v46;
	v0 =	vmul.f32 v44, v41  }
0x15b: {  	v28 =	vld [tilespmem:s9+$0x4D0];
	v41 =	vadd.f32 v8, v46;
	v6 =	vperm.xlane v52, v53;
	v8 =	vperm.xlane v4, v53  }
0x15c: {  	s30 =	sshrl.u32 s2, $0x3;
	v56 =	vld [tilespmem:s9+$0x4B0];
	v5 =	vmul.f32 v44, v33;
	v42 =	vadd.f32 v23, v46;
	v43 =	vadd.f32 v26, v46  }
0x15d: {  	s5 =	smul.u32 $0x3000, s30;
	[tilespmem:$0x1FFF0] =	vst v53;
	v57 =	vld [tilespmem:s9+$0xF0];
	v39 =	vadd.f32 v7, v46;
	v2 =	vmul.f32 v44, v40;
	v6 =	vsel vm2, v8, v6  }
0x15e: {  	[tilespmem:$0x1FF20] =	vst v17;
	v60 =	vld [tilespmem:s9+$0x90];
	v45 =	vadd.f32 v5, v46;
	v63 =	vmul.f32 v30, v30;
	v6 =	vperm.xlane v6, v1  }
0x15f: {  	s31 =	sshll.u32 s2, $0x7;
	s5 =	sshrl.u32 s5, $0x2;
	[tilespmem:$0x1FF30] =	vst v16;
	v50 =	vld [tilespmem:s9+$0x80];
	v40 =	vadd.f32 v3, v46;
	v61 =	vmul.f32 v31, v31;
	v23 =	vmul.f32 v27, v27  }
0x160: {  	s10 =	simm.s32 $0x3;
	s6 =	sand.u32 $0x380, s31;
	s5 =	sadd.s32 s5, s3;
	[tilespmem:$0x1FF90] =	vst v11;
	v32 =	vld [tilespmem:s9+$0x4A0];
	v3 =	vmul.f32 v28, v28;
	v53 =	vimm.f32 $0.0e+00;
	v7 =	vadd.f32 v6, v52  }
0x161: {  	s7 =	simm.s32 $0x1;
	s5 =	sadd.s32 s6, s5;
	s6 =	simm.s32 $0x2;
	[tilespmem:$0x1FFD0] =	vst v9;
	v33 =	vld [tilespmem:s9+$0x490];
	v8 =	vadd.f32 v6, v4;
	v4 =	vmul.f32 v56, v56;
	v52 =	vimm.f32 $0.0e+00  }
.LBB2_2:
0x162: {  	v16 =	vld [tilespmem:$0x1FF80]  }
0x163: {  	v6 =	vld.msk [tilespmem:s9+$0x8A0], $0xfff  }
0x164: {  	v9 =	vld [tilespmem:$0x1FE80]  }
0x165: {  	v46 =	vadd.f32 v2, v46;
	v2 =	vld [tilespmem:$0x1FEA0]  }
0x166: {  	v17 =	vld [tilespmem:$0x1FF00]  }
0x167: {  	v53 =	vadd.f32 v25, v53;
	v25 =	vmov v16;
	v16 =	vld [tilespmem:$0x1FED0]  }
0x168: {  	v52 =	vadd.f32 v24, v52  }
0x169: {  	v51 =	vadd.f32 v21, v51;
	v14 =	vperm.xlane v7, v9;
	v9 =	vperm.xlane v8, v9  }
0x16a: {  	v12 =	vmul.f32 v58, v58;
	v13 =	vmul.f32 v57, v57;
	v5 =	vmovc v57;
	v57 =	vld [tilespmem:s9+$0xA0];
	v26 =	vmov v2  }
0x16b: {  	v2 =	vld [tilespmem:$0x1FF90];
	[tilespmem:$0x1FF90] =	vst v5;
	v5 =	vmul.f32 v17, v31;
	v6 =	vmul.f32 v17, v6;
	v15 =	vsel vm0, v14, v9  }
0x16c: {  	v55 =	vadd.f32 v0, v55;
	v18 =	vperm.xlane v15, v1;
	v15 =	vmul.f32 v50, v50;
	v24 =	vmovc v16;
	v16 =	vld [tilespmem:$0x1FF20]  }
0x16d: {  	v0 =	vmovc v56;
	v9 =	vmul.f32 v60, v60;
	v21 =	vmul.f32 v6, v6;
	v14 =	vmov v58  }
0x16e: {  	v54 =	vadd.f32 v29, v54;
	v29 =	vld [tilespmem:s9+$0xB0];
	[tilespmem:$0x1FF80] =	vst v14;
	v14 =	vmul.f32 v5, v5;
	v15 =	vperm.xlane v15, v1  }
0x16f: {  	v56 =	vld [tilespmem:s9+$0xC0];
	v9 =	vperm.xlane v9, v1;
	v7 =	vadd.f32 v18, v7;
	v8 =	vadd.f32 v18, v8  }
0x170: {  	v14 =	vadd.f32 v15, v14;
	v15 =	vadd.f32 v15, v21;
	v21 =	vmul.f32 v57, v57  }
0x171: {  	[tilespmem:$0x1FEA0] =	vst v0;
	v0 =	vmov v2;
	v2 =	vld [tilespmem:s9+$0xD0];
	v58 =	vperm.xlane v7, v16;
	v16 =	vperm.xlane v8, v16  }
0x172: {  	v14 =	vadd.f32 v9, v14;
	v9 =	vadd.f32 v9, v15  }
0x173: {  	v15 =	vperm.xlane v21, v1;
	v16 =	vsel vm0, v58, v16;
	v58 =	vmul.f32 v29, v29  }
0x174: {  	v49 =	vadd.f32 v62, v49;
	v62 =	vmul.f32 v56, v56;
	v16 =	vperm.xlane v16, v1  }
0x175: {  	v14 =	vadd.f32 v15, v14;
	v9 =	vadd.f32 v15, v9;
	v58 =	vperm.xlane v58, v1  }
0x176: {  	v17 =	vmovc v60;
	v60 =	vmul.f32 v2, v2;
	v7 =	vadd.f32 v16, v7;
	v8 =	vadd.f32 v16, v8  }
0x177: {  	v62 =	vperm.xlane v62, v1;
	v14 =	vadd.f32 v58, v14;
	v9 =	vadd.f32 v58, v9  }
0x178: {  	[tilespmem:$0x1FED0] =	vst v17;
	v58 =	vperm.xlane v60, v1;
	v15 =	vshrl.u32 v7, $0x1;
	v17 =	vmul.f32 $5.000000000e-01, v7  }
0x179: {  	v21 =	vld [tilespmem:s9+$0x480];
	v16 =	vshrl.u32 v8, $0x1;
	v18 =	vmul.f32 $5.000000000e-01, v8;
	v15 =	vsub.s32 $0x5F3759DF, v15  }
0x17a: {  	v22 =	vmovc v19;
	v16 =	vsub.s32 $0x5F3759DF, v16;
	v14 =	vadd.f32 v62, v14;
	v19 =	vmul.f32 v15, v17  }
0x17b: {  	v48 =	vadd.f32 v59, v48;
	v9 =	vadd.f32 v62, v9;
	v20 =	vmul.f32 v16, v18  }
0x17c: {  	v12 =	vperm.xlane v12, v1;
	v14 =	vadd.f32 v58, v14;
	v19 =	vmul.f32 v15, v19  }
0x17d: {  	v13 =	vperm.xlane v13, v1;
	v9 =	vadd.f32 v58, v9;
	v20 =	vmul.f32 v16, v20  }
0x17e: {  	v60 =	vmul.f32 v21, v21;
	v14 =	vadd.f32 v12, v14;
	v19 =	vsub.f32 $1.500000000e+00, v19  }
0x17f: {  	v10 =	vmul.f32 v33, v33;
	v9 =	vadd.f32 v12, v9;
	v20 =	vsub.f32 $1.500000000e+00, v20  }
0x180: {  	v59 =	vperm.xlane v60, v1;
	v58 =	vld [tilespmem:s9+$0x4C0];
	v62 =	vadd.f32 v13, v14;
	v15 =	vmul.f32 v15, v19  }
0x181: {  	v11 =	vmul.f32 v32, v32;
	v9 =	vadd.f32 v13, v9;
	v16 =	vmul.f32 v16, v20  }
0x182: {  	v10 =	vperm.xlane v10, v1;
	v12 =	vadd.f32 v59, v62;
	v19 =	vmul.f32 v15, v17  }
0x183: {  	v9 =	vadd.f32 v59, v9;
	v20 =	vmul.f32 v16, v18  }
0x184: {  	v11 =	vperm.xlane v11, v1;
	v12 =	vadd.f32 v10, v12;
	v60 =	vmul.f32 v19, v15  }
0x185: {  	v62 =	vmul.f32 v58, v58;
	v9 =	vadd.f32 v10, v9;
	v19 =	vmul.f32 v20, v16  }
0x186: {  	v59 =	vperm.xlane v4, v1;
	v4 =	vld [tilespmem:s9+$0x4F0];
	v10 =	vadd.f32 v11, v12;
	v13 =	vsub.f32 $1.500000000e+00, v60  }
0x187: {  	v9 =	vadd.f32 v11, v9;
	v19 =	vsub.f32 $1.500000000e+00, v19  }
0x188: {  	v11 =	vperm.xlane v62, v1;
	v10 =	vadd.f32 v59, v10;
	v13 =	vmul.f32 v13, v15  }
0x189: {  	v9 =	vadd.f32 v59, v9;
	v15 =	vmul.f32 v19, v16  }
0x18a: {  	v3 =	vperm.xlane v3, v1;
	v10 =	vadd.f32 v11, v10;
	v60 =	vmul.f32 v13, v17  }
0x18b: {  	v9 =	vadd.f32 v11, v9;
	v11 =	vmul.f32 v4, v4;
	v16 =	vmul.f32 v15, v18  }
0x18c: {  	v17 =	vperm.xlane v23, v1;
	v10 =	vadd.f32 v3, v10;
	v62 =	vmul.f32 v60, v13  }
0x18d: {  	v3 =	vadd.f32 v3, v9;
	v59 =	vmul.f32 v16, v15  }
0x18e: {  	v9 =	vperm.xlane v11, v1;
	v10 =	vadd.f32 v17, v10;
	v12 =	vsub.f32 $1.500000000e+00, v62  }
0x18f: {  	vm3 =	vgt.f32 v7, $1.000000000e+00;
	vm4 =	vgt.f32 v8, $1.000000000e+00;
	v14 =	vsub.f32 $1.500000000e+00, v59  }
0x190: {  	s30 =	sadd.s32 s7, s4;
	v11 =	vperm.xlane v63, v1;
	v7 =	vadd.f32 v9, v10;
	v12 =	vmul.f32 v12, v13  }
0x191: {  	p1 =	slt.s32 s30, $0xC8;
	v16 =	vimm.f32 $4.999999890e-03;
	v3 =	vadd.f32 v17, v3;
	v62 =	vld [tilespmem:$0x1FFE0];
	v60 =	vmul.f32 v14, v15  }
0x192: {  	v16 =	vpsel !p1, $0x0, v16;
	v17 =	vmul.f32 v44, v22;
	v44 =	vld [tilespmem:$0x1FF10];
	v8 =	vnsel vm3, $0x3F800000, v12  }
0x193: {  	v59 =	vld [tilespmem:$0x1FF30];
	v3 =	vadd.f32 v9, v3;
	v10 =	vnsel vm4, $0x3F800000, v60;
	v8 =	vmul.f32 v8, v16  }
0x194: {  	v15 =	vadd.f32 v11, v7;
	v9 =	vmul.f32 v10, v16;
	v10 =	vperm.xlane v61, v1;
	v61 =	vld [tilespmem:$0x1FE70];
	v7 =	vmovc v6  }
0x195: {  	v3 =	vadd.f32 v11, v3;
	[tilespmem:$0x1FF30] =	vst v7;
	v7 =	vld [tilespmem:$0x1FEE0]  }
0x196: {  	v11 =	vperm.xlane v8, v62  }
0x197: {  	v60 =	vmovc v5;
	v13 =	vperm.xlane v9, v62;
	v5 =	vadd.f32 v10, v15;
	v3 =	vadd.f32 v10, v3  }
0x198: {  	v16 =	vmul.f32 v8, v44;
	v8 =	vmov v31  }
0x199: {  	v44 =	vsel vm0, v11, v13;
	v10 =	vperm.xlane v3, v1;
	[tilespmem:$0x1FEE0] =	vst v8;
	v8 =	vperm.xlane v5, v1  }
0x19a: {  	v11 =	vld [tilespmem:$0x1FF50];
	v19 =	vmov v61;
	v61 =	vmul.f32 v44, v7;
	v7 =	vmov v57  }
0x19b: {  	[tilespmem:$0x1FF50] =	vst v7;
	v7 =	vsel vm1, v10, v8;
	v8 =	vld [tilespmem:$0x1FF60];
	_ =	sdelay $0x1  }
0x19c: {  	v13 =	vmul.f32 v44, v0;
	v0 =	vmov v29  }
0x19d: {  	[tilespmem:$0x1FF60] =	vst v0;
	v0 =	vld [tilespmem:$0x1FFB0];
	_ =	sdelay $0x1  }
0x19e: {  	v63 =	vmov v30;
	v8 =	vmul.f32 v44, v8;
	_ =	sdelay $0x2  }
0x19f: {  	s31 =	sshrl.u32 s10, $0x3;
	[tilespmem:$0x1FE70] =	vst v63;
	v6 =	vld [tilespmem:$0x1FEF0];
	v63 =	vmov v2;
	v2 =	vmul.f32 v44, v0;
	v0 =	vmov v21  }
0x1a0: {  	s9 =	smul.u32 $0x3000, s31;
	[tilespmem:$0x1FFB0] =	vst v0;
	v0 =	vld [tilespmem:$0x1FEC0];
	v39 =	vadd.f32 v8, v39;
	v8 =	vmov v33  }
0x1a1: {  	s8 =	sadd.s32 $0x80, s8;
	[tilespmem:$0x1FEC0] =	vst v8;
	v8 =	vld [tilespmem:$0x1FFC0]  }
0x1a2: {  	s11 =	sand.u32 $0x380, s8;
	s9 =	sshra.s32 s9, $0x2  }
0x1a3: {  	s9 =	sor.u32 s11, s9  }
0x1a4: {  	v30 =	vld [tilespmem:s9+$0x880];
	v14 =	vmul.f32 v9, v59;
	v9 =	vmov v50;
	v6 =	vmul.f32 v44, v6  }
0x1a5: {  	v62 =	vmov v56;
	v56 =	vld [tilespmem:s9+$0x4B0];
	[tilespmem:$0x1FEF0] =	vst v9  }
0x1a6: {  	v9 =	vmul.f32 v44, v24;
	v37 =	vadd.f32 v6, v37;
	v6 =	vld [tilespmem:$0x1FF40];
	v24 =	vmul.f32 v44, v8;
	v8 =	vmovc v58  }
0x1a7: {  	v7 =	vperm.xlane v7, v1;
	[tilespmem:$0x1FFC0] =	vst v8;
	v8 =	vld [tilespmem:$0x1FEB0]  }
0x1a8: {  	v31 =	vld [tilespmem:s9+$0x890];
	v11 =	vmul.f32 v44, v11  }
0x1a9: {  	v5 =	vadd.f32 v7, v5;
	v3 =	vadd.f32 v7, v3;
	v7 =	vld [tilespmem:$0x1FFA0]  }
0x1aa: {  	v41 =	vadd.f32 v11, v41;
	v11 =	vld [tilespmem:$0x1FFF0]  }
0x1ab: {  	v47 =	vadd.f32 v17, v47;
	v10 =	vld [tilespmem:$0x1FF70]  }
0x1ac: {  	[tilespmem:$0x1FF10] =	vst v60;
	v34 =	vadd.f32 v16, v34;
	v6 =	vmul.f32 v44, v6;
	v21 =	vmul.f32 v44, v8;
	v8 =	vld [tilespmem:$0x1FE90]  }
0x1ad: {  	v60 =	vld [tilespmem:s9+$0x90];
	v29 =	vmul.f32 v44, v26;
	[tilespmem:$0x1FF40] =	vst v63;
	v38 =	vadd.f32 v9, v38;
	v9 =	vmul.f32 v44, v25  }
0x1ae: {  	v63 =	vmul.f32 v30, v30;
	v45 =	vadd.f32 v6, v45;
	v6 =	vld [tilespmem:$0x1FFD0];
	v25 =	vmul.f32 v44, v7;
	v7 =	vmovc v32  }
0x1af: {  	v35 =	vadd.f32 v14, v35;
	v50 =	vld [tilespmem:s9+$0x4E0];
	[tilespmem:$0x1FFA0] =	vst v7;
	v7 =	vperm.xlane v5, v11;
	v11 =	vperm.xlane v3, v11  }
0x1b0: {  	p0 =	sne.s32 s10, $0xF;
	v14 =	vld [tilespmem:s9+$0x4D0];
	[tilespmem:$0x1FF70] =	vst v62;
	v43 =	vadd.f32 v13, v43;
	v36 =	vadd.f32 v61, v36;
	v61 =	vmul.f32 v31, v31  }
.Ltmp1:
0x1b1: {  	v57 =	vld [tilespmem:s9+$0xF0];
	v10 =	vmul.f32 v44, v10;
	v7 =	vsel vm2, v11, v7;
	v62 =	vmul.f32 v44, v8;
	v8 =	vmovc v27;
	(pc) =	sbr.rel @p0 .LBB2_2-.Ltmp1, $4  }
0x1b2: {  	v40 =	vadd.f32 v9, v40;
	v32 =	vld [tilespmem:s9+$0x4A0];
	v0 =	vmul.f32 v44, v0;
	[tilespmem:$0x1FE90] =	vst v8;
	v8 =	vperm.xlane v7, v1  }
0x1b3: {  	v42 =	vadd.f32 v10, v42;
	v33 =	vld [tilespmem:s9+$0x490];
	v59 =	vmul.f32 v44, v6;
	v6 =	vmovc v4;
	v4 =	vmul.f32 v56, v56  }
0x1b4: {  	[tilespmem:$0x1FFD0] =	vst v6;
	v58 =	vld [tilespmem:s9+$0xE0];
	v27 =	vmovc v50;
	v7 =	vadd.f32 v8, v5;
	v8 =	vadd.f32 v8, v3;
	v3 =	vmov v28  }
0x1b5: {  	s7 =	smov.u32 s6;
	s6 =	smov.u32 s10;
	s10 =	sadd.s32 $0x1, s10;
	v23 =	vmul.f32 v50, v27;
	v50 =	vld [tilespmem:s9+$0x80];
	v28 =	vmov v14;
	[tilespmem:$0x1FEB0] =	vst v3;
	v3 =	vmul.f32 v14, v14  }
0x1b6: {  	v5 =	vld.msk [tilespmem:s9+$0x8A0], $0xfff  }
0x1b7: {  	v9 =	vld [tilespmem:$0x1FF00];
	_ =	sdelay $0x2  }
0x1b8: {  	v13 =	vld [tilespmem:s9+$0xA0]  }
0x1b9: {  	v6 =	vmul.f32 v50, v50  }
0x1ba: {  	v14 =	vld [tilespmem:s9+$0xB0];
	v10 =	vmul.f32 v9, v31;
	v11 =	vmul.f32 v9, v5  }
0x1bb: {  	v17 =	vmul.f32 v60, v60;
	v16 =	vperm.xlane v6, v1  }
0x1bc: {  	v18 =	vmul.f32 v10, v10;
	v20 =	vmul.f32 v11, v11  }
0x1bd: {  	v12 =	vld [tilespmem:s9+$0xC0];
	v22 =	vmul.f32 v13, v13  }
0x1be: {  	v26 =	vld [tilespmem:s9+$0xD0];
	v6 =	vperm.xlane v17, v1;
	v9 =	vadd.f32 v16, v18;
	v5 =	vadd.f32 v16, v20  }
0x1bf: {  	v17 =	vmul.f32 v14, v14  }
0x1c0: {  	v16 =	vperm.xlane v22, v1;
	v9 =	vadd.f32 v6, v9;
	v5 =	vadd.f32 v6, v5  }
0x1c1: {  	v18 =	vperm.xlane v17, v1  }
0x1c2: {  	v20 =	vmul.f32 v12, v12;
	v9 =	vadd.f32 v16, v9;
	v5 =	vadd.f32 v16, v5  }
0x1c3: {  	[tilespmem:$0x1FE20] =	vst v26;
	v26 =	vmul.f32 v26, v26  }
0x1c4: {  	[tilespmem:$0x1FE10] =	vst v12;
	v12 =	vld [tilespmem:s9+$0x480];
	v22 =	vperm.xlane v20, v1;
	v9 =	vadd.f32 v18, v9;
	v5 =	vadd.f32 v18, v5  }
0x1c5: {  	v18 =	vmul.f32 v58, v58  }
0x1c6: {  	v17 =	vperm.xlane v26, v1;
	v16 =	vadd.f32 v22, v9;
	v5 =	vadd.f32 v22, v5  }
0x1c7: {  	v20 =	vperm.xlane v18, v1  }
0x1c8: {  	v22 =	vmul.f32 v57, v57;
	v6 =	vadd.f32 v17, v16;
	v5 =	vadd.f32 v17, v5  }
0x1c9: {  	[tilespmem:$0x1FDF0] =	vst v13;
	v13 =	vmul.f32 v12, v12  }
0x1ca: {  	v26 =	vperm.xlane v22, v1;
	v6 =	vadd.f32 v20, v6;
	v5 =	vadd.f32 v20, v5  }
0x1cb: {  	v15 =	vmul.f32 v33, v33  }
0x1cc: {  	[tilespmem:$0x1FE00] =	vst v14;
	v14 =	vperm.xlane v13, v1;
	v6 =	vadd.f32 v26, v6;
	v5 =	vadd.f32 v26, v5  }
0x1cd: {  	v16 =	vperm.xlane v15, v1;
	v26 =	vld [tilespmem:s9+$0x4C0]  }
0x1ce: {  	v17 =	vmul.f32 v32, v32;
	v6 =	vadd.f32 v14, v6;
	v5 =	vadd.f32 v14, v5;
	_ =	sdelay $0x1  }
0x1cf: {  	v18 =	vperm.xlane v17, v1;
	v6 =	vadd.f32 v16, v6;
	v5 =	vadd.f32 v16, v5  }
0x1d0: {  	v4 =	vperm.xlane v4, v1  }
0x1d1: {  	v20 =	vmul.f32 v26, v26;
	v6 =	vadd.f32 v18, v6;
	v5 =	vadd.f32 v18, v5  }
0x1d2: {  	v22 =	vld [tilespmem:s9+$0x4F0]  }
0x1d3: {  	v9 =	vperm.xlane v20, v1;
	v6 =	vadd.f32 v4, v6;
	v4 =	vadd.f32 v4, v5;
	_ =	sdelay $0x1  }
0x1d4: {  	v3 =	vperm.xlane v3, v1;
	[tilespmem:$0x1FE50] =	vst v12;
	v12 =	vadd.f32 v9, v6;
	v4 =	vadd.f32 v9, v4  }
0x1d5: {  	v13 =	vperm.xlane v23, v1  }
0x1d6: {  	v14 =	vmul.f32 v22, v22;
	v5 =	vadd.f32 v3, v12;
	v3 =	vadd.f32 v3, v4;
	v12 =	vld [tilespmem:$0x1FE80];
	_ =	sdelay $0x1  }
0x1d7: {  	v15 =	vperm.xlane v14, v1;
	v5 =	vadd.f32 v13, v5;
	v3 =	vadd.f32 v13, v3;
	_ =	sdelay $0x1  }
0x1d8: {  	v16 =	vperm.xlane v63, v1;
	v5 =	vadd.f32 v15, v5;
	v3 =	vadd.f32 v15, v3  }
0x1d9: {  	v18 =	vperm.xlane v7, v12;
	v20 =	vperm.xlane v8, v12  }
0x1da: {  	v17 =	vperm.xlane v61, v1;
	v5 =	vadd.f32 v16, v5;
	v3 =	vadd.f32 v16, v3  }
0x1db: {  	v15 =	vld [tilespmem:$0x1FF20];
	v4 =	vsel vm0, v18, v20  }
0x1dc: {  	v5 =	vadd.f32 v17, v5;
	v3 =	vadd.f32 v17, v3;
	v4 =	vperm.xlane v4, v1;
	_ =	sdelay $0x1  }
0x1dd: {  	[tilespmem:$0x1FE60] =	vst v22;
	v22 =	vperm.xlane v5, v1;
	v23 =	vperm.xlane v3, v1;
	v63 =	vadd.f32 v4, v7  }
0x1de: {  	v4 =	vadd.f32 v4, v8  }
0x1df: {  	v14 =	vld [tilespmem:$0x1FFF0];
	v61 =	vsel vm1, v23, v22;
	v13 =	vperm.xlane v63, v15  }
0x1e0: {  	v8 =	vperm.xlane v4, v15;
	v6 =	vperm.xlane v61, v1;
	_ =	sdelay $0x1  }
0x1e1: {  	v5 =	vadd.f32 v6, v5;
	v3 =	vadd.f32 v6, v3;
	v6 =	vsel vm0, v13, v8  }
0x1e2: {  	v6 =	vperm.xlane v6, v1  }
0x1e3: {  	v16 =	vperm.xlane v5, v14;
	v9 =	vperm.xlane v3, v14;
	_ =	sdelay $0x1  }
0x1e4: {  	v7 =	vadd.f32 v6, v63;
	v8 =	vsel vm2, v9, v16  }
0x1e5: {  	v4 =	vadd.f32 v6, v4;
	v8 =	vperm.xlane v8, v1  }
0x1e6: {  	v17 =	vshrl.u32 v7, $0x1  }
0x1e7: {  	[tilespmem:$0x1FE30] =	vst v10;
	v18 =	vshrl.u32 v4, $0x1;
	v10 =	vmul.f32 $5.000000000e-01, v4;
	v5 =	vadd.f32 v8, v5  }
0x1e8: {  	v9 =	vsub.s32 $0x5F3759DF, v18;
	v3 =	vadd.f32 v8, v3;
	v8 =	vmul.f32 $5.000000000e-01, v7  }
0x1e9: {  	v6 =	vsub.s32 $0x5F3759DF, v17;
	v23 =	vmul.f32 v9, v10;
	v20 =	vperm.xlane v5, v12  }
0x1ea: {  	v12 =	vperm.xlane v3, v12;
	v22 =	vmul.f32 v6, v8;
	_ =	sdelay $0x1  }
0x1eb: {  	[tilespmem:$0x1FE40] =	vst v11;
	v63 =	vmul.f32 v9, v23;
	v11 =	vsel vm0, v20, v12;
	v61 =	vmul.f32 v6, v22  }
0x1ec: {  	v11 =	vperm.xlane v11, v1  }
0x1ed: {  	v13 =	vsub.f32 $1.500000000e+00, v63;
	v12 =	vsub.f32 $1.500000000e+00, v61  }
0x1ee: {  	v5 =	vadd.f32 v11, v5;
	v3 =	vadd.f32 v11, v3  }
0x1ef: {  	v9 =	vmul.f32 v9, v13;
	v6 =	vmul.f32 v6, v12  }
0x1f0: {  	v16 =	vperm.xlane v5, v15;
	v17 =	vperm.xlane v3, v15  }
0x1f1: {  	v20 =	vmul.f32 v9, v10  }
0x1f2: {  	v18 =	vmul.f32 v6, v8;
	v11 =	vsel vm0, v16, v17  }
0x1f3: {  	v61 =	vmul.f32 v20, v9;
	v23 =	vperm.xlane v11, v1  }
0x1f4: {  	v22 =	vmul.f32 v18, v6  }
0x1f5: {  	v11 =	vsub.f32 $1.500000000e+00, v61;
	v5 =	vadd.f32 v23, v5  }
0x1f6: {  	v12 =	vsub.f32 $1.500000000e+00, v22;
	v1 =	vadd.f32 v23, v3  }
0x1f7: {  	v63 =	vmul.f32 v11, v9;
	v18 =	vshrl.u32 v5, $0x1;
	v11 =	vmul.f32 $5.000000000e-01, v5  }
0x1f8: {  	v20 =	vshrl.u32 v1, $0x1;
	v13 =	vmul.f32 $5.000000000e-01, v1;
	v9 =	vsub.s32 $0x5F3759DF, v18  }
0x1f9: {  	v6 =	vmul.f32 v12, v6;
	v12 =	vsub.s32 $0x5F3759DF, v20;
	v22 =	vmul.f32 v9, v11  }
0x1fa: {  	v23 =	vmul.f32 v12, v13  }
0x1fb: {  	v14 =	vmul.f32 v9, v22  }
0x1fc: {  	v2 =	vadd.f32 v2, v46;
	vm12 =	vgt.f32 v7, $1.000000000e+00;
	v15 =	vmul.f32 v12, v23  }
0x1fd: {  	vm13 =	vgt.f32 v4, $1.000000000e+00;
	v10 =	vmul.f32 v63, v10;
	v14 =	vsub.f32 $1.500000000e+00, v14  }
0x1fe: {  	v16 =	vadd.f32 v25, v53;
	v8 =	vmul.f32 v6, v8;
	v15 =	vsub.f32 $1.500000000e+00, v15  }
0x1ff: {  	v18 =	vadd.f32 v24, v52;
	v10 =	vmul.f32 v10, v63;
	v24 =	vmul.f32 v9, v14  }
0x200: {  	v17 =	vadd.f32 v29, v54;
	v8 =	vmul.f32 v8, v6;
	v25 =	vmul.f32 v12, v15  }
0x201: {  	s7 =	sadd.s32 s7, s4;
	v10 =	vsub.f32 $1.500000000e+00, v10;
	v9 =	vadd.f32 v21, v51;
	v51 =	vmul.f32 v24, v11  }
0x202: {  	p0 =	slt.s32 s7, $0xC8;
	v52 =	vimm.f32 $4.999999890e-03;
	v8 =	vsub.f32 $1.500000000e+00, v8;
	v12 =	vmul.f32 v25, v13  }
0x203: {  	v53 =	vpsel !p0, $0x0, v52;
	v3 =	vmul.f32 v10, v63;
	v4 =	vmul.f32 v51, v24  }
0x204: {  	v6 =	vmul.f32 v8, v6;
	v54 =	vmul.f32 v12, v25;
	v12 =	vadd.f32 v59, v48;
	v59 =	vld [tilespmem:$0x1FFE0]  }
0x205: {  	v46 =	vld [tilespmem:$0x1FF90];
	v3 =	vnsel vm13, $0x3F800000, v3;
	v14 =	vadd.f32 v62, v49;
	v4 =	vsub.f32 $1.500000000e+00, v4  }
0x206: {  	v62 =	vld [tilespmem:$0x1FF10];
	v3 =	vmul.f32 v3, v53;
	v6 =	vnsel vm12, $0x3F800000, v6;
	v7 =	vsub.f32 $1.500000000e+00, v54  }
0x207: {  	v6 =	vmul.f32 v6, v53;
	v4 =	vmul.f32 v4, v24;
	v24 =	vld [tilespmem:$0x1FEE0]  }
0x208: {  	v7 =	vmul.f32 v7, v25;
	v25 =	vld [tilespmem:$0x1FED0]  }
0x209: {  	v63 =	vld [tilespmem:$0x1FF30];
	v61 =	vperm.xlane v6, v59;
	v20 =	vperm.xlane v3, v59  }
0x20a: {  	v0 =	vadd.f32 v0, v55;
	v55 =	vmul.f32 v44, v19;
	v23 =	vld [tilespmem:$0x1FEF0]  }
0x20b: {  	vm14 =	vgt.f32 v5, $1.000000000e+00;
	v22 =	vld [tilespmem:$0x1FF60];
	v6 =	vmul.f32 v6, v62;
	v19 =	vsel vm0, v61, v20  }
0x20c: {  	vm15 =	vgt.f32 v1, $1.000000000e+00;
	v49 =	vld [tilespmem:$0x1FFA0];
	v11 =	vmul.f32 v4, v11;
	v10 =	vmul.f32 v19, v24  }
0x20d: {  	v13 =	vmul.f32 v7, v13;
	v6 =	vadd.f32 v6, v34;
	v34 =	vld [tilespmem:$0x1FF50];
	v20 =	vmul.f32 v19, v25  }
0x20e: {  	v3 =	vmul.f32 v3, v63;
	v11 =	vmul.f32 v11, v4;
	v10 =	vadd.f32 v10, v36;
	v36 =	vld [tilespmem:$0x1FF70]  }
0x20f: {  	v15 =	vadd.f32 v55, v47;
	v13 =	vmul.f32 v13, v7;
	v20 =	vadd.f32 v20, v38;
	v38 =	vld [tilespmem:$0x1FF40]  }
0x210: {  	v48 =	vld [tilespmem:$0x1FEC0];
	v3 =	vadd.f32 v3, v35;
	v8 =	vmul.f32 v19, v23;
	v11 =	vsub.f32 $1.500000000e+00, v11  }
0x211: {  	v35 =	vmul.f32 v19, v22;
	v51 =	vmul.f32 v19, v49;
	v13 =	vsub.f32 $1.500000000e+00, v13  }
0x212: {  	v47 =	vld [tilespmem:$0x1FFB0];
	v8 =	vadd.f32 v8, v37;
	v21 =	vmul.f32 v19, v34;
	v4 =	vmul.f32 v11, v4  }
0x213: {  	v61 =	vld [tilespmem:$0x1FEB0];
	v23 =	vadd.f32 v35, v39;
	v7 =	vmul.f32 v13, v7;
	v11 =	vmul.f32 v19, v46  }
0x214: {  	s28 =	sadd.s32 s6, s4;
	v54 =	vld [tilespmem:$0x1FEA0];
	v21 =	vadd.f32 v21, v41;
	v37 =	vmul.f32 v19, v36;
	v41 =	vmul.f32 v19, v38  }
0x215: {  	p6 =	slt.s32 s28, $0xC8;
	v35 =	vld [tilespmem:$0x1FE90];
	v13 =	vmul.f32 v19, v48;
	v4 =	vnsel vm14, $0x3F800000, v4;
	v7 =	vnsel vm15, $0x3F800000, v7  }
0x216: {  	v24 =	vadd.f32 v37, v42;
	v25 =	vadd.f32 v41, v45;
	v42 =	vld [tilespmem:$0x1FF80];
	v45 =	vpsel !p6, $0x0, v52  }
0x217: {  	v16 =	vadd.f32 v51, v16;
	v4 =	vmul.f32 v4, v45;
	v5 =	vmul.f32 v7, v45  }
0x218: {  	v55 =	vld [tilespmem:$0x1FFC0];
	v62 =	vmul.f32 v19, v61;
	v11 =	vadd.f32 v11, v43;
	v7 =	vmul.f32 v19, v47  }
0x219: {  	v0 =	vadd.f32 v13, v0;
	v38 =	vld [tilespmem:$0x1FE00];
	v52 =	vperm.xlane v4, v59;
	v53 =	vperm.xlane v5, v59  }
0x21a: {  	v44 =	vld [tilespmem:$0x1FE30];
	v13 =	vmul.f32 v19, v54;
	v9 =	vadd.f32 v62, v9;
	v29 =	vmul.f32 v19, v35  }
0x21b: {  	v46 =	vld [tilespmem:$0x1FE40];
	v2 =	vadd.f32 v7, v2;
	v1 =	vmul.f32 v19, v42;
	v7 =	vsel vm0, v52, v53  }
0x21c: {  	v54 =	vimm.s32 $0x3210FEDC;
	v13 =	vadd.f32 v13, v17;
	v36 =	vld [tilespmem:$0x1FFD0];
	v22 =	vmul.f32 v7, v50  }
0x21d: {  	v14 =	vadd.f32 v29, v14;
	v34 =	vmul.f32 v7, v60;
	v1 =	vadd.f32 v1, v40;
	v40 =	vld [tilespmem:$0x1FE10]  }
0x21e: {  	v41 =	vld [tilespmem:$0x1FE70];
	v59 =	vmul.f32 v19, v55;
	v29 =	vmul.f32 v7, v38;
	v8 =	vadd.f32 v22, v8  }
0x21f: {  	v4 =	vmul.f32 v4, v44;
	v47 =	vmul.f32 v7, v57;
	v20 =	vadd.f32 v34, v20  }
0x220: {  	v5 =	vmul.f32 v5, v46;
	v49 =	vmul.f32 v7, v33;
	v42 =	vadd.f32 v29, v23;
	[tilespmem:$0x1880] =	vst v8  }
0x221: {  	v48 =	vld [tilespmem:$0x1FE50];
	v63 =	vadd.f32 v59, v18;
	v50 =	vmul.f32 v7, v32;
	v11 =	vadd.f32 v47, v11;
	[tilespmem:$0x1890] =	vst v20  }
0x222: {  	v37 =	vld [tilespmem:$0x1FDF0];
	v18 =	vmul.f32 v19, v36;
	v0 =	vadd.f32 v49, v0;
	[tilespmem:$0x18B0] =	vst v42;
	v8 =	vmul.f32 v7, v40  }
0x223: {  	v19 =	vmul.f32 v19, v41;
	v57 =	vmul.f32 v7, v27;
	v16 =	vadd.f32 v50, v16;
	[tilespmem:$0x18F0] =	vst v11  }
0x224: {  	v53 =	vimm.s32 $0xBA987654;
	v45 =	vmul.f32 v7, v58;
	[tilespmem:$0x1910] =	vst v0;
	v8 =	vadd.f32 v8, v24  }
0x225: {  	v43 =	vld [tilespmem:$0x1FE20];
	v60 =	vmul.f32 v7, v30;
	v15 =	vadd.f32 v19, v15;
	v59 =	vadd.f32 v57, v14;
	[tilespmem:$0x1920] =	vst v16  }
0x226: {  	v4 =	vadd.f32 v4, v6;
	v58 =	vld [tilespmem:$0x1FE60];
	v1 =	vadd.f32 v45, v1;
	[tilespmem:$0x18C0] =	vst v8;
	v8 =	vmul.f32 v7, v48  }
0x227: {  	v51 =	vmul.f32 v7, v56;
	v22 =	vmul.f32 v7, v37;
	v61 =	vadd.f32 v60, v15;
	[tilespmem:$0x1960] =	vst v59  }
0x228: {  	v55 =	vunpack.c.l.s4.s8 v53;
	v11 =	vunpack.c.l.s4.s8 v54;
	[tilespmem:$0x18E0] =	vst v1;
	v2 =	vadd.f32 v8, v2  }
0x229: {  	v56 =	vmul.f32 v7, v28;
	v39 =	vadd.f32 v22, v21;
	v1 =	vadd.f32 v51, v13;
	[tilespmem:$0x1980] =	vst v61  }
0x22a: {  	v20 =	vmul.f32 v7, v43;
	v11 =	vunpack.c.0.s8.s32 v11;
	[tilespmem:$0x1900] =	vst v2;
	v2 =	vunpack.c.0.s8.s32 v55  }
0x22b: {  	v12 =	vadd.f32 v18, v12;
	v0 =	vadd.f32 v56, v9;
	[tilespmem:$0x1930] =	vst v1;
	v1 =	vmul.f32 v7, v58  }
0x22c: {  	v52 =	vmul.f32 v7, v26;
	[tilespmem:$0x18A0] =	vst v39;
	v20 =	vadd.f32 v20, v25;
	v2 =	vcombine.low v11, v2  }
0x22d: {  	v3 =	vadd.f32 v5, v3;
	[tilespmem:$0x1950] =	vst v0;
	v1 =	vadd.f32 v1, v12;
	v7 =	vmul.f32 v7, v31  }
0x22e: {  	[tilespmem:$0x18D0] =	vst v20;
	v8 =	vadd.f32 v52, v63;
	v2 =	vand.u32 $0xF, v2  }
0x22f: {  	[tilespmem:$0x1970] =	vst v1;
	v62 =	vadd.f32 v7, v10;
	v4 =	vperm.xlane v4, v2;
	v2 =	vperm.xlane v3, v2  }
0x230: {  	[tilespmem:$0x1940] =	vst v8  }
0x231: {  	s29 =	simm.s32 $0x80;
	s30 =	simm.s32 $0x400;
	[tilespmem:$0x1990] =	vst v62;
	v63 =	vsel vm0, v4, v2  }
0x232: {  	s31 =	simm.s32 $0x1880;
	s4 =	simm.s32 $0x2;
	p0 =	sne.s32 s2, $0x0;
	[tilespmem:$0x19A0] =	vst v63  }
0x233: {  	[spmem:s5] =	stream.strided.scatter [tilespmem:s31], [sflag:$0x2], $0x180, s30, s29, $0x38;
	[tilespmem:$0x3330] =	vst v63  }
.Ltmp2:
0x234: {  	_ =	swait.ge [sflag:s4], $0x180;
	(pc) =	sbr.rel @p0 .LBB2_7-.Ltmp2, $3  }
0x235: {  	[sflag:s4] =	ssyncset.done $0x0  }
0x236: {  	[sflag:s4] =	ssyncadd.s32 $0xFFFFFE80  }
0x237: {  	[bflag:$0x0] =	sbarrier.arrive $0xFFFF;
	_ =	sdelay $0x1  }
0x238: {  	s5 =	simm.s32 $0x1A00;
	s30 =	simm.s32 $0x0  }
0x239: {  	[tilespmem:s5], [sflag:$0x2] =	stream.linear.gather [spmem:s3], $0x1800, $0x38;
	[tilespmem:$0x3330] =	vst v63  }
0x23a: {  	s31 =	smul.u32 $0x3000, s30  }
0x23b: {  	s3 =	simm.s32 $0x0;
	_ =	swait.ge [sflag:s4], $0x1800  }
0x23c: {  	s6 =	sand.u32 $0x380, s3;
	[sflag:s4] =	ssyncset.done $0x0;
	s5 =	sshra.s32 s31, $0x2  }
0x23d: {  	[sflag:s4] =	ssyncadd.s32 $0xFFFFE800;
	s4 =	sor.u32 s6, s5  }
0x23e: {  	v0 =	vld [tilespmem:s4+$0x2220]  }
0x23f: {  	v1 =	vld [tilespmem:s4+$0x1A00]  }
0x240: {  	v3 =	vld [tilespmem:s4+$0x1A10]  }
0x241: {  	v4 =	vld [tilespmem:s4+$0x1A20]  }
0x242: {  	v5 =	vld [tilespmem:s4+$0x1A30]  }
0x243: {  	v6 =	vld [tilespmem:s4+$0x1A40]  }
0x244: {  	v7 =	vld [tilespmem:s4+$0x1A50]  }
0x245: {  	v8 =	vld [tilespmem:s4+$0x1A60]  }
0x246: {  	v2 =	vimm.f32 $0.0e+00;
	v9 =	vld [tilespmem:s4+$0x1A70]  }
0x247: {  	v18 =	vld [tilespmem:s4+$0x1E00];
	v0 =	vadd.f32 v0, v2  }
0x248: {  	v17 =	vadd.f32 v1, v2;
	v16 =	vadd.f32 v3, v2  }
0x249: {  	v15 =	vadd.f32 v4, v2;
	v14 =	vadd.f32 v5, v2  }
0x24a: {  	v23 =	vld [tilespmem:s4+$0x1E10];
	v11 =	vadd.f32 v6, v2;
	v12 =	vadd.f32 v7, v2  }
0x24b: {  	v21 =	vld [tilespmem:s4+$0x1E20];
	v13 =	vadd.f32 v8, v2;
	v10 =	vadd.f32 v9, v2  }
0x24c: {  	v19 =	vld [tilespmem:s4+$0x1E30];
	v9 =	vadd.f32 v18, v2;
	v8 =	vimm.f32 $0.0e+00;
	v6 =	vimm.f32 $0.0e+00  }
0x24d: {  	v20 =	vld [tilespmem:s4+$0x1E40];
	v7 =	vimm.f32 $0.0e+00;
	v5 =	vimm.f32 $0.0e+00;
	v3 =	vimm.f32 $0.0e+00  }
0x24e: {  	s6 =	simm.s32 $0x0;
	s5 =	simm.s32 $0x2;
	v22 =	vld [tilespmem:s4+$0x1E50];
	v4 =	vimm.f32 $0.0e+00;
	v1 =	vimm.f32 $0.0e+00;
	v18 =	vimm.f32 $0.0e+00  }
.LBB2_5:
0x24f: {  	p0 =	sne.s32 s5, $0xF;
	s6 =	smul.u32 $0x3000, s6;
	v2 =	vadd.f32 v23, v2;
	v23 =	vld [tilespmem:s4+$0x1E60]  }
0x250: {  	s3 =	sadd.s32 $0x80, s3;
	v8 =	vadd.f32 v21, v8;
	v21 =	vld [tilespmem:s4+$0x1E70]  }
0x251: {  	s7 =	sand.u32 $0x380, s3;
	s6 =	sshra.s32 s6, $0x2;
	v6 =	vadd.f32 v19, v6;
	v19 =	vld [tilespmem:s4+$0x2200]  }
0x252: {  	v7 =	vadd.f32 v20, v7;
	v20 =	vld [tilespmem:s4+$0x2210];
	s4 =	sor.u32 s7, s6  }
0x253: {  	v24 =	vld [tilespmem:s4+$0x2220];
	v5 =	vadd.f32 v22, v5  }
0x254: {  	v22 =	vld [tilespmem:s4+$0x1A00];
	v3 =	vadd.f32 v23, v3  }
0x255: {  	v23 =	vld [tilespmem:s4+$0x1A10];
	v4 =	vadd.f32 v21, v4  }
0x256: {  	v21 =	vld [tilespmem:s4+$0x1A20];
	v1 =	vadd.f32 v19, v1  }
0x257: {  	v19 =	vld [tilespmem:s4+$0x1A30];
	v18 =	vadd.f32 v20, v18  }
0x258: {  	v20 =	vld [tilespmem:s4+$0x1A40];
	v0 =	vadd.f32 v24, v0  }
0x259: {  	v17 =	vadd.f32 v22, v17;
	v22 =	vld [tilespmem:s4+$0x1A50]  }
0x25a: {  	v16 =	vadd.f32 v23, v16;
	v24 =	vld [tilespmem:s4+$0x1A60]  }
0x25b: {  	v15 =	vadd.f32 v21, v15;
	v25 =	vld [tilespmem:s4+$0x1A70]  }
0x25c: {  	v14 =	vadd.f32 v19, v14;
	v26 =	vld [tilespmem:s4+$0x1E00]  }
.Ltmp3:
0x25d: {  	v11 =	vadd.f32 v20, v11;
	v23 =	vld [tilespmem:s4+$0x1E10];
	(pc) =	sbr.rel @p0 .LBB2_5-.Ltmp3, $4  }
0x25e: {  	v12 =	vadd.f32 v22, v12;
	v21 =	vld [tilespmem:s4+$0x1E20]  }
0x25f: {  	v13 =	vadd.f32 v24, v13;
	v19 =	vld [tilespmem:s4+$0x1E30]  }
0x260: {  	v10 =	vadd.f32 v25, v10;
	v20 =	vld [tilespmem:s4+$0x1E40]  }
0x261: {  	s6 =	sshrl.u32 s5, $0x3;
	s5 =	sadd.s32 $0x1, s5;
	v9 =	vadd.f32 v26, v9;
	v22 =	vld [tilespmem:s4+$0x1E50]  }
0x262: {  	s5 =	smul.u32 $0x3000, s6;
	v24 =	vld [tilespmem:s4+$0x1E60]  }
0x263: {  	v25 =	vld [tilespmem:s4+$0x1E70];
	s3 =	sadd.s32 $0x80, s3  }
0x264: {  	v26 =	vld [tilespmem:s4+$0x2200];
	s3 =	sand.u32 $0x380, s3;
	s5 =	sshra.s32 s5, $0x2  }
0x265: {  	v27 =	vld [tilespmem:s4+$0x2210];
	s3 =	sor.u32 s3, s5  }
0x266: {  	v28 =	vld [tilespmem:s3+$0x2220]  }
0x267: {  	v29 =	vld [tilespmem:s3+$0x1A00]  }
0x268: {  	v30 =	vld [tilespmem:s3+$0x1A10]  }
0x269: {  	v31 =	vld [tilespmem:s3+$0x1A20]  }
0x26a: {  	v32 =	vld [tilespmem:s3+$0x1A30]  }
0x26b: {  	v33 =	vld [tilespmem:s3+$0x1A40]  }
0x26c: {  	v34 =	vld [tilespmem:s3+$0x1A50]  }
0x26d: {  	v35 =	vld [tilespmem:s3+$0x1A60]  }
0x26e: {  	v36 =	vld [tilespmem:s3+$0x1A70]  }
0x26f: {  	v37 =	vld [tilespmem:s3+$0x1E00]  }
0x270: {  	v38 =	vld [tilespmem:s3+$0x1E10]  }
0x271: {  	v39 =	vld [tilespmem:s3+$0x1E20]  }
0x272: {  	v40 =	vld [tilespmem:s3+$0x1E30]  }
0x273: {  	v41 =	vld [tilespmem:s3+$0x1E40]  }
0x274: {  	v42 =	vld [tilespmem:s3+$0x1E50]  }
0x275: {  	v43 =	vld [tilespmem:s3+$0x1E60]  }
0x276: {  	v44 =	vld [tilespmem:s3+$0x1E70]  }
0x277: {  	v61 =	vimm.f32 $0.0e+00;
	v55 =	vld [tilespmem:s3+$0x2200];
	v17 =	vadd.f32 v29, v17  }
0x278: {  	v56 =	vld [tilespmem:s3+$0x2210];
	[tilespmem:$0x19A0] =	vst v61;
	v16 =	vadd.f32 v30, v16  }
0x279: {  	v15 =	vadd.f32 v31, v15;
	[tilespmem:$0x1880] =	vst v17  }
0x27a: {  	v14 =	vadd.f32 v32, v14;
	[tilespmem:$0x1890] =	vst v16  }
0x27b: {  	v11 =	vadd.f32 v33, v11;
	[tilespmem:$0x18A0] =	vst v15  }
0x27c: {  	v12 =	vadd.f32 v34, v12;
	[tilespmem:$0x18B0] =	vst v14  }
0x27d: {  	v13 =	vadd.f32 v35, v13;
	[tilespmem:$0x18C0] =	vst v11  }
0x27e: {  	v2 =	vadd.f32 v23, v2;
	v10 =	vadd.f32 v36, v10;
	[tilespmem:$0x18D0] =	vst v12  }
0x27f: {  	v57 =	vadd.f32 v27, v18;
	v9 =	vadd.f32 v37, v9;
	[tilespmem:$0x18E0] =	vst v13  }
0x280: {  	v8 =	vadd.f32 v21, v8;
	v2 =	vadd.f32 v38, v2;
	[tilespmem:$0x18F0] =	vst v10  }
0x281: {  	v6 =	vadd.f32 v19, v6;
	v58 =	vadd.f32 v56, v57;
	[tilespmem:$0x1900] =	vst v9  }
0x282: {  	v5 =	vadd.f32 v22, v5;
	v60 =	vadd.f32 v39, v8;
	[tilespmem:$0x1910] =	vst v2  }
0x283: {  	v3 =	vadd.f32 v24, v3;
	v6 =	vadd.f32 v40, v6;
	[tilespmem:$0x1990] =	vst v58  }
0x284: {  	v4 =	vadd.f32 v25, v4;
	v5 =	vadd.f32 v42, v5;
	[tilespmem:$0x1920] =	vst v60;
	v62 =	vld [tilespmem:$0x199C]  }
0x285: {  	v1 =	vadd.f32 v26, v1;
	v3 =	vadd.f32 v43, v3;
	[tilespmem:$0x1930] =	vst v6  }
0x286: {  	v59 =	vadd.f32 v20, v7;
	v63 =	vadd.f32 v44, v4;
	[tilespmem:$0x1950] =	vst v5  }
0x287: {  	v0 =	vadd.f32 v28, v0;
	v1 =	vadd.f32 v55, v1;
	[tilespmem:$0x1960] =	vst v3  }
0x288: {  	v2 =	vadd.f32 v41, v59;
	[tilespmem:$0x1970] =	vst v63  }
0x289: {  	[tilespmem:$0x1980] =	vst v1;
	v0 =	vadd.f32 v62, v0  }
0x28a: {  	[tilespmem:$0x1940] =	vst v2  }
0x28b: {  	s29 =	simm.s32 $0x0;
	s30 =	simm.s32 $0x1880;
	s31 =	simm.s32 $0x2;
	[tilespmem:$0x199C] =	vst v0  }
0x28c: {  	[hbm4b:s1+s29] =	stream.linear.scatter [tilespmem:s30], [sflag:$0x2], $0x180, $0x38;
	[tilespmem:$0x3330] =	vst v63  }
0x28d: {  	_ =	swait.ge [sflag:s31], $0x180  }
0x28e: {  	[sflag:s31] =	ssyncset.done $0x0  }
0x28f: {  	[sflag:s31] =	ssyncadd.s32 $0xFFFFFE80  }
.LBB2_7:
0x290: {  	_ =	sfence.sel $0x180000  }
0x291: {  	[bflag:$0x0] =	sbarrier.arrive $0xFFFF  }
0x292: {  	p0 =	sne.s32 s2, $0x0;
	_ =	strace $0x90000047  }
0x293: {  	s0 =	sadd.s32 @!p0 $0x100000, s0;
	[bflag:$0x2] =	sbarrier.arrive $0xFFFF  }
0x294: {  	[sflag:s0] =	ssyncadd.tile.s32 @!p0 $0x1;
	_ =	shalt  }
.Lfunc_end2:
_tile_overlayer_lowered:
.L_overlay_start_2:
0x295: {  	(tag) =	ssettag $0x2  }
0x296: {  	s0 =	rddreg [dreg:$0x0];
	s2 =	stileid.u32  }
0x297: {  	s1 =	rddreg [dreg:$0x1];
	p0 =	sne.s32 s2, $0x0  }
0x298: {  	s3 =	rddreg [dreg:$0x2];
	[bflag:$0x3] =	sbarrier.arrive $0xFFFF;
	s2 =	simm.s32 @!p0 $0x1C02  }
0x299: {  	[timem:s3], [sflag:s2] =	dma.local @!p0 [hbm:s0], s1  }
0x29a: {  	s0 =	simm.s32 @!p0 $0x2  }
0x29b: {  	_ =	swait.ge @!p0 [sflag:s0], s1  }
0x29c: {  	s1 =	ssub.s32 @!p0 $0x0, s1;
	[sflag:s0] =	ssyncset.done @!p0 $0x0  }
0x29d: {  	[sflag:s0] =	ssyncadd.s32 @!p0 s1  }
0x29e: {  	[bflag:$0x3] =	sbarrier.arrive $0xFFFF  }
0x29f: {  	_ =	shalt  }

</sc_bundles>
